<compile_context>
chip_gen: v7x
topology: tpu7x:2x2x1
jax: 0.10.2.dev20260603
libtpu: 0.0.44.dev20260713+nightly
codegen_flags: <defaults>
</compile_context>

<pallas_src>
import functools

import jax
import jax.numpy as jnp
from jax import lax
from jax.experimental import pallas as pl
from jax.experimental.pallas import tpu as pltpu
from jax.experimental.pallas import tpu_sc as plsc

_RULES = (
    (0, 0, 5), (0, 1, 5), (0, 2, 5), (0, 3, 5), (0, 4, 5),
    (1, 5, 0), (1, 5, 1), (1, 5, 2), (1, 5, 3), (1, 5, 4),
    (2, 5, 0), (2, 5, 1), (2, 5, 2), (2, 5, 3), (2, 5, 4),
    (3, 5, 0), (3, 5, 1), (3, 5, 2), (3, 5, 3), (0, 5, 4),
    (4, 0, 5), (4, 1, 5), (4, 2, 5), (4, 3, 5), (4, 4, 5),
)
_NV = 3
_NM = 6
_NR = len(_RULES)

_NC, _NS, _L = 2, 16, 16
_NW = _NC * _NS

_USED = sorted({(v, m) for rule in _RULES for v, m in enumerate(rule)})


@functools.lru_cache(maxsize=None)
def _make_sc_call(B):
    rows_w = B // _NW
    BF = 1024
    n_blk = rows_w // BF
    n_it = n_blk // 2
    n_chunk = BF // _L

    mesh = plsc.VectorSubcoreMesh(core_axis_name="c", subcore_axis_name="s")

    @functools.partial(
        pl.kernel,
        out_type=jax.ShapeDtypeStruct((_NR, B), jnp.float32),
        mesh=mesh,
        scratch_types=[
            pltpu.VMEM((2, _NV, _NM, BF), jnp.float32),
            pltpu.VMEM((2, _NR, BF), jnp.float32),
            pltpu.SemaphoreType.DMA,
            pltpu.SemaphoreType.DMA,
            pltpu.SemaphoreType.DMA,
            pltpu.SemaphoreType.DMA,
        ],
        compiler_params=pltpu.CompilerParams(
            needs_layout_passes=False, use_tc_tiling_on_sc=True),
    )
    def sc_kernel(x_hbm, out_hbm, xb, ob, si0, si1, so0, so1):
        wid = lax.axis_index("s") * _NC + lax.axis_index("c")
        base = wid * rows_w
        sem_in = (si0, si1)
        sem_out = (so0, so1)

        def in_copies(b0, buf):
            return (
                pltpu.make_async_copy(
                    x_hbm.at[pl.ds(0, 1), pl.ds(0, 5), pl.ds(base + b0, BF)],
                    xb.at[buf, pl.ds(0, 1), pl.ds(0, 5)],
                    sem_in[buf]),
                pltpu.make_async_copy(
                    x_hbm.at[pl.ds(1, 2), :, pl.ds(base + b0, BF)],
                    xb.at[buf, pl.ds(1, 2)],
                    sem_in[buf]),
            )

        def in_start(b0, buf):
            for c in in_copies(b0, buf):
                c.start()

        def in_wait(b0, buf):
            for c in in_copies(b0, buf):
                c.wait()

        def out_copy(b0, buf):
            return pltpu.make_async_copy(
                ob.at[buf], out_hbm.at[:, pl.ds(base + b0, BF)], sem_out[buf])

        def compute(buf):
            xv = xb.at[buf]
            ov = ob.at[buf]

            @plsc.parallel_loop(0, n_chunk, unroll=4)
            def chunk_body(j):
                g = {(v, m): xv[v, m, pl.ds(j * _L, _L)] for (v, m) in _USED}
                pair = {}

                def prod3(i, jj, k):
                    if k == _NM - 1:
                        key = (0, i, 2, k)
                        if key not in pair:
                            pair[key] = g[(0, i)] * g[(2, k)]
                        return pair[key] * g[(1, jj)]
                    key = (0, i, 1, jj)
                    if key not in pair:
                        pair[key] = g[(0, i)] * g[(1, jj)]
                    return pair[key] * g[(2, k)]

                for r, (i, jj, k) in enumerate(_RULES):
                    ov[r, pl.ds(j * _L, _L)] = prod3(i, jj, k)

        in_start(0, 0)

        def it_body(it, carry):
            b0 = it * (2 * BF)
            in_start(b0 + BF, 1)
            in_wait(b0, 0)

            @pl.when(it > 0)
            def _():
                out_copy(b0 - 2 * BF, 0).wait()

            compute(0)
            out_copy(b0, 0).start()

            @pl.when(it + 1 < n_it)
            def _():
                in_start(b0 + 2 * BF, 0)

            in_wait(b0 + BF, 1)

            @pl.when(it > 0)
            def _():
                out_copy(b0 - BF, 1).wait()

            compute(1)
            out_copy(b0 + BF, 1).start()
            return carry

        lax.fori_loop(0, n_it, it_body, 0)
        out_copy((n_it - 1) * 2 * BF, 0).wait()
        out_copy((n_it - 1) * 2 * BF + BF, 1).wait()

    return sc_kernel


def kernel(x, mf_indices):
    del mf_indices
    B = x.shape[0]
    xt = jnp.transpose(x, (1, 2, 0))
    out_t = _make_sc_call(B)(xt)
    return jnp.transpose(out_t, (1, 0))

# --- scband reference (transcript-rebuilt; emitter-appended) ---
"""Pipeline reference for scband-antecedent-layer-29987461661312 (READ-ONLY COPY).

The authoritative reference and input builder live on the scoring server;
editing this copy changes nothing except your own understanding.
"""

import jax, jax.numpy as jnp
import numpy as np

MF_INDICES = [(0, 0, 5), (0, 1, 5), (0, 2, 5), (0, 3, 5), (0, 4, 5), (1, 5, 0), (1, 5, 1), (1, 5, 2), (1, 5, 3), (1, 5, 4), (2, 5, 0), (2, 5, 1), (2, 5, 2), (2, 5, 3), (2, 5, 4), (3, 5, 0), (3, 5, 1), (3, 5, 2), (3, 5, 3), (0, 5, 4), (4, 0, 5), (4, 1, 5), (4, 2, 5), (4, 3, 5), (4, 4, 5)]


def setup_inputs(seed: int = 0) -> dict:
    key = jax.random.key(seed)
    B, n_in, n_mfs = 1048576, 3, 6
    x = jax.random.uniform(key, (B, n_in, n_mfs), dtype=jnp.float32)
    mf_indices = jnp.asarray(np.array(MF_INDICES, dtype=np.int64))
    return {"x": x, "mf_indices": mf_indices}


def reference(x, mf_indices):
    # x: [B, n_in, n_mfs]
    # torch: batch_indices = mf_indices.expand((B, n_rules, n_vars))
    #        ants = torch.gather(x.transpose(1, 2), 1, batch_indices)
    #        rules = torch.prod(ants, dim=2)
    B = x.shape[0]
    xt = jnp.transpose(x, (0, 2, 1))  # [B, n_mfs, n_in]
    idx = jnp.broadcast_to(mf_indices[None, :, :], (B,) + mf_indices.shape)  # [B, n_rules, n_vars]
    # gather along dim 1: ants[b, r, v] = xt[b, idx[b, r, v], v]
    ants = jnp.take_along_axis(xt, idx, axis=1)  # [B, n_rules, n_vars]
    rules = jnp.prod(ants, axis=2)  # [B, n_rules]
    return rules

if __name__ == "__main__":
    import jax
    _d = setup_inputs()
    print(jax.jit(kernel)(*tuple(_d.values())))

</pallas_src>

<mosaic_0001>
#map = affine_map<(d0, d1) -> (0, 0, 0)>
#map1 = affine_map<(d0, d1) -> (0, 0)>
module attributes {stable_mosaic.version = 14 : i64} {
  func.func @sc_kernel(%arg0: i32, %arg1: i32, %arg2: memref<3x6x1048576xf32, #tpu.memory_space<hbm>>, %arg3: memref<25x1048576xf32, #tpu.memory_space<hbm>>, %arg4: memref<2x3x6x1024xf32, #tpu.memory_space<vmem>>, %arg5: memref<2x25x1024xf32, #tpu.memory_space<vmem>>, %arg6: memref<!tpu.dma_semaphore, #tpu.memory_space<semaphore_mem>>, %arg7: memref<!tpu.dma_semaphore, #tpu.memory_space<semaphore_mem>>, %arg8: memref<!tpu.dma_semaphore, #tpu.memory_space<semaphore_mem>>, %arg9: memref<!tpu.dma_semaphore, #tpu.memory_space<semaphore_mem>>) attributes {dimension_semantics = [#tpu.dimension_semantics<core_parallel>, #tpu.dimension_semantics<subcore_parallel>], iteration_bounds = array<i64: 2, 16>, scalar_prefetch = 0 : i64, scratch_operands = 6 : i64, tpu.core_type = #tpu.core_type<sc_vector_subcore>, window_params = [{transform_indices = #map}, {transform_indices = #map1}]} {
    %mul3A = arith.constant 2 : i32
    %mul3A_0 = arith.muli %arg1, %mul3A : i32
    %add3A = arith.addi %mul3A_0, %arg0 : i32
    %mul3A_1 = arith.constant 32768 : i32
    %mul3A_2 = arith.muli %add3A, %mul3A_1 : i32
    %add3A_3 = arith.constant 0 : i32
    %add3A_4 = arith.addi %mul3A_2, %add3A_3 : i32
    %add3A_5 = arith.constant 0 : i32
    %add3A_6 = arith.addi %mul3A_2, %add3A_5 : i32
    %dma_start3A = arith.constant 0 : i32
    %dma_start3A_7 = arith.constant 0 : i32
    %dma_start3A_8 = arith.constant 0 : i32
    %dma_start3A_9 = arith.constant 0 : i32
    %dma_start3A_10 = tpu.memref_slice %arg4[%dma_start3A, %dma_start3A_7, %dma_start3A_8, %dma_start3A_9] : memref<2x3x6x1024xf32, #tpu.memory_space<vmem>> -> memref<1x1x5x1024xf32, #tpu.memory_space<vmem>>
    %dma_start3A_11 = tpu.memref_squeeze %dma_start3A_10 : memref<1x1x5x1024xf32, #tpu.memory_space<vmem>> -> memref<1x5x1024xf32, #tpu.memory_space<vmem>>
    %dma_start3A_12 = arith.constant 0 : i32
    %dma_start3A_13 = arith.constant 0 : i32
    %dma_start3A_14 = tpu.memref_slice %arg2[%dma_start3A_12, %dma_start3A_13, %add3A_4] : memref<3x6x1048576xf32, #tpu.memory_space<hbm>> -> memref<1x5x1024xf32, #tpu.memory_space<hbm>>
    %dma_start3A_15 = arith.constant 0 : i32
    %dma_start3A_16 = arith.constant 0 : i32
    %dma_start3A_17 = arith.constant 0 : i32
    %dma_start3A_18 = tpu.memref_slice %arg4[%dma_start3A, %dma_start3A_15, %dma_start3A_16, %dma_start3A_17] : memref<2x3x6x1024xf32, #tpu.memory_space<vmem>> -> memref<1x1x5x1024xf32, #tpu.memory_space<vmem>>
    %dma_start3A_19 = tpu.memref_squeeze %dma_start3A_18 : memref<1x1x5x1024xf32, #tpu.memory_space<vmem>> -> memref<1x5x1024xf32, #tpu.memory_space<vmem>>
    %dma_start3A_20 = arith.constant 0 : i32
    %dma_start3A_21 = arith.constant 0 : i32
    %dma_start3A_22 = tpu.memref_slice %arg2[%dma_start3A_20, %dma_start3A_21, %add3A_4] : memref<3x6x1048576xf32, #tpu.memory_space<hbm>> -> memref<1x5x1024xf32, #tpu.memory_space<hbm>>
    tpu.enqueue_dma source(%dma_start3A_22 : memref<1x5x1024xf32, #tpu.memory_space<hbm>>) target(%dma_start3A_19 : memref<1x5x1024xf32, #tpu.memory_space<vmem>>) target_semaphore(%arg6 : memref<!tpu.dma_semaphore, #tpu.memory_space<semaphore_mem>>)
    %dma_start3A_23 = arith.constant 0 : i32
    %dma_start3A_24 = arith.constant 1 : i32
    %dma_start3A_25 = arith.constant 0 : i32
    %dma_start3A_26 = arith.constant 0 : i32
    %dma_start3A_27 = tpu.memref_slice %arg4[%dma_start3A_23, %dma_start3A_24, %dma_start3A_25, %dma_start3A_26] : memref<2x3x6x1024xf32, #tpu.memory_space<vmem>> -> memref<1x2x6x1024xf32, #tpu.memory_space<vmem>>
    %dma_start3A_28 = tpu.memref_squeeze %dma_start3A_27 : memref<1x2x6x1024xf32, #tpu.memory_space<vmem>> -> memref<2x6x1024xf32, #tpu.memory_space<vmem>>
    %dma_start3A_29 = arith.constant 1 : i32
    %dma_start3A_30 = arith.constant 0 : i32
    %dma_start3A_31 = tpu.memref_slice %arg2[%dma_start3A_29, %dma_start3A_30, %add3A_6] : memref<3x6x1048576xf32, #tpu.memory_space<hbm>> -> memref<2x6x1024xf32, #tpu.memory_space<hbm>>
    %dma_start3A_32 = arith.constant 1 : i32
    %dma_start3A_33 = arith.constant 0 : i32
    %dma_start3A_34 = arith.constant 0 : i32
    %dma_start3A_35 = tpu.memref_slice %arg4[%dma_start3A_23, %dma_start3A_32, %dma_start3A_33, %dma_start3A_34] : memref<2x3x6x1024xf32, #tpu.memory_space<vmem>> -> memref<1x2x6x1024xf32, #tpu.memory_space<vmem>>
    %dma_start3A_36 = tpu.memref_squeeze %dma_start3A_35 : memref<1x2x6x1024xf32, #tpu.memory_space<vmem>> -> memref<2x6x1024xf32, #tpu.memory_space<vmem>>
    %dma_start3A_37 = arith.constant 1 : i32
    %dma_start3A_38 = arith.constant 0 : i32
    %dma_start3A_39 = tpu.memref_slice %arg2[%dma_start3A_37, %dma_start3A_38, %add3A_6] : memref<3x6x1048576xf32, #tpu.memory_space<hbm>> -> memref<2x6x1024xf32, #tpu.memory_space<hbm>>
    tpu.enqueue_dma source(%dma_start3A_39 : memref<2x6x1024xf32, #tpu.memory_space<hbm>>) target(%dma_start3A_36 : memref<2x6x1024xf32, #tpu.memory_space<vmem>>) target_semaphore(%arg6 : memref<!tpu.dma_semaphore, #tpu.memory_space<semaphore_mem>>)
    %scan3A = arith.constant 0 : i32
    %scan3A_40 = arith.constant 0 : i32
    %scan3A_41 = arith.constant 16 : i32
    %scan3A_42 = arith.addi %scan3A_40, %scan3A_41 : i32
    %scan3A_43 = arith.constant 1 : i32
    scf.for %scan3A_74 = %scan3A_40 to %scan3A_42 step %scan3A_43  : i32 {
      %mul3A_75 = arith.constant 2048 : i32
      %mul3A_76 = arith.muli %scan3A_74, %mul3A_75 : i32
      %add3A_77 = arith.constant 1024 : i32
      %add3A_78 = arith.addi %mul3A_76, %add3A_77 : i32
      %add3A_79 = arith.addi %mul3A_2, %add3A_78 : i32
      %add3A_80 = arith.addi %mul3A_2, %add3A_78 : i32
      %dma_start3A_81 = arith.constant 1 : i32
      %dma_start3A_82 = arith.constant 0 : i32
      %dma_start3A_83 = arith.constant 0 : i32
      %dma_start3A_84 = arith.constant 0 : i32
      %dma_start3A_85 = tpu.memref_slice %arg4[%dma_start3A_81, %dma_start3A_82, %dma_start3A_83, %dma_start3A_84] : memref<2x3x6x1024xf32, #tpu.memory_space<vmem>> -> memref<1x1x5x1024xf32, #tpu.memory_space<vmem>>
      %dma_start3A_86 = tpu.memref_squeeze %dma_start3A_85 : memref<1x1x5x1024xf32, #tpu.memory_space<vmem>> -> memref<1x5x1024xf32, #tpu.memory_space<vmem>>
      %dma_start3A_87 = arith.constant 0 : i32
      %dma_start3A_88 = arith.constant 0 : i32
      %dma_start3A_89 = tpu.memref_slice %arg2[%dma_start3A_87, %dma_start3A_88, %add3A_79] : memref<3x6x1048576xf32, #tpu.memory_space<hbm>> -> memref<1x5x1024xf32, #tpu.memory_space<hbm>>
      %dma_start3A_90 = arith.constant 0 : i32
      %dma_start3A_91 = arith.constant 0 : i32
      %dma_start3A_92 = arith.constant 0 : i32
      %dma_start3A_93 = tpu.memref_slice %arg4[%dma_start3A_81, %dma_start3A_90, %dma_start3A_91, %dma_start3A_92] : memref<2x3x6x1024xf32, #tpu.memory_space<vmem>> -> memref<1x1x5x1024xf32, #tpu.memory_space<vmem>>
      %dma_start3A_94 = tpu.memref_squeeze %dma_start3A_93 : memref<1x1x5x1024xf32, #tpu.memory_space<vmem>> -> memref<1x5x1024xf32, #tpu.memory_space<vmem>>
      %dma_start3A_95 = arith.constant 0 : i32
      %dma_start3A_96 = arith.constant 0 : i32
      %dma_start3A_97 = tpu.memref_slice %arg2[%dma_start3A_95, %dma_start3A_96, %add3A_79] : memref<3x6x1048576xf32, #tpu.memory_space<hbm>> -> memref<1x5x1024xf32, #tpu.memory_space<hbm>>
      tpu.enqueue_dma source(%dma_start3A_97 : memref<1x5x1024xf32, #tpu.memory_space<hbm>>) target(%dma_start3A_94 : memref<1x5x1024xf32, #tpu.memory_space<vmem>>) target_semaphore(%arg7 : memref<!tpu.dma_semaphore, #tpu.memory_space<semaphore_mem>>)
      %dma_start3A_98 = arith.constant 1 : i32
      %dma_start3A_99 = arith.constant 1 : i32
      %dma_start3A_100 = arith.constant 0 : i32
      %dma_start3A_101 = arith.constant 0 : i32
      %dma_start3A_102 = tpu.memref_slice %arg4[%dma_start3A_98, %dma_start3A_99, %dma_start3A_100, %dma_start3A_101] : memref<2x3x6x1024xf32, #tpu.memory_space<vmem>> -> memref<1x2x6x1024xf32, #tpu.memory_space<vmem>>
      %dma_start3A_103 = tpu.memref_squeeze %dma_start3A_102 : memref<1x2x6x1024xf32, #tpu.memory_space<vmem>> -> memref<2x6x1024xf32, #tpu.memory_space<vmem>>
      %dma_start3A_104 = arith.constant 1 : i32
      %dma_start3A_105 = arith.constant 0 : i32
      %dma_start3A_106 = tpu.memref_slice %arg2[%dma_start3A_104, %dma_start3A_105, %add3A_80] : memref<3x6x1048576xf32, #tpu.memory_space<hbm>> -> memref<2x6x1024xf32, #tpu.memory_space<hbm>>
      %dma_start3A_107 = arith.constant 1 : i32
      %dma_start3A_108 = arith.constant 0 : i32
      %dma_start3A_109 = arith.constant 0 : i32
      %dma_start3A_110 = tpu.memref_slice %arg4[%dma_start3A_98, %dma_start3A_107, %dma_start3A_108, %dma_start3A_109] : memref<2x3x6x1024xf32, #tpu.memory_space<vmem>> -> memref<1x2x6x1024xf32, #tpu.memory_space<vmem>>
      %dma_start3A_111 = tpu.memref_squeeze %dma_start3A_110 : memref<1x2x6x1024xf32, #tpu.memory_space<vmem>> -> memref<2x6x1024xf32, #tpu.memory_space<vmem>>
      %dma_start3A_112 = arith.constant 1 : i32
      %dma_start3A_113 = arith.constant 0 : i32
      %dma_start3A_114 = tpu.memref_slice %arg2[%dma_start3A_112, %dma_start3A_113, %add3A_80] : memref<3x6x1048576xf32, #tpu.memory_space<hbm>> -> memref<2x6x1024xf32, #tpu.memory_space<hbm>>
      tpu.enqueue_dma source(%dma_start3A_114 : memref<2x6x1024xf32, #tpu.memory_space<hbm>>) target(%dma_start3A_111 : memref<2x6x1024xf32, #tpu.memory_space<vmem>>) target_semaphore(%arg7 : memref<!tpu.dma_semaphore, #tpu.memory_space<semaphore_mem>>)
      %add3A_115 = arith.addi %mul3A_2, %mul3A_76 : i32
      %add3A_116 = arith.addi %mul3A_2, %mul3A_76 : i32
      %dma_wait3A_117 = arith.constant 0 : i32
      %dma_wait3A_118 = arith.constant 0 : i32
      %dma_wait3A_119 = arith.constant 0 : i32
      %dma_wait3A_120 = arith.constant 0 : i32
      %dma_wait3A_121 = tpu.memref_slice %arg4[%dma_wait3A_117, %dma_wait3A_118, %dma_wait3A_119, %dma_wait3A_120] : memref<2x3x6x1024xf32, #tpu.memory_space<vmem>> -> memref<1x1x5x1024xf32, #tpu.memory_space<vmem>>
      %dma_wait3A_122 = tpu.memref_squeeze %dma_wait3A_121 : memref<1x1x5x1024xf32, #tpu.memory_space<vmem>> -> memref<1x5x1024xf32, #tpu.memory_space<vmem>>
      %dma_wait3A_123 = arith.constant 0 : i32
      %dma_wait3A_124 = arith.constant 0 : i32
      %dma_wait3A_125 = tpu.memref_slice %arg2[%dma_wait3A_123, %dma_wait3A_124, %add3A_115] : memref<3x6x1048576xf32, #tpu.memory_space<hbm>> -> memref<1x5x1024xf32, #tpu.memory_space<hbm>>
      %dma_wait3A_126 = arith.constant 0 : i32
      %dma_wait3A_127 = arith.constant 0 : i32
      %dma_wait3A_128 = arith.constant 0 : i32
      %dma_wait3A_129 = tpu.memref_slice %arg4[%dma_wait3A_117, %dma_wait3A_126, %dma_wait3A_127, %dma_wait3A_128] : memref<2x3x6x1024xf32, #tpu.memory_space<vmem>> -> memref<1x1x5x1024xf32, #tpu.memory_space<vmem>>
      %dma_wait3A_130 = tpu.memref_squeeze %dma_wait3A_129 : memref<1x1x5x1024xf32, #tpu.memory_space<vmem>> -> memref<1x5x1024xf32, #tpu.memory_space<vmem>>
      %dma_wait3A_131 = arith.constant 0 : i32
      %dma_wait3A_132 = arith.constant 0 : i32
      %dma_wait3A_133 = tpu.memref_slice %arg2[%dma_wait3A_131, %dma_wait3A_132, %add3A_115] : memref<3x6x1048576xf32, #tpu.memory_space<hbm>> -> memref<1x5x1024xf32, #tpu.memory_space<hbm>>
      tpu.wait_dma2 semaphore(%arg6 : memref<!tpu.dma_semaphore, #tpu.memory_space<semaphore_mem>>) src(%dma_wait3A_133 : memref<1x5x1024xf32, #tpu.memory_space<hbm>>) dst(%dma_wait3A_130 : memref<1x5x1024xf32, #tpu.memory_space<vmem>>)
      %dma_wait3A_134 = arith.constant 0 : i32
      %dma_wait3A_135 = arith.constant 1 : i32
      %dma_wait3A_136 = arith.constant 0 : i32
      %dma_wait3A_137 = arith.constant 0 : i32
      %dma_wait3A_138 = tpu.memref_slice %arg4[%dma_wait3A_134, %dma_wait3A_135, %dma_wait3A_136, %dma_wait3A_137] : memref<2x3x6x1024xf32, #tpu.memory_space<vmem>> -> memref<1x2x6x1024xf32, #tpu.memory_space<vmem>>
      %dma_wait3A_139 = tpu.memref_squeeze %dma_wait3A_138 : memref<1x2x6x1024xf32, #tpu.memory_space<vmem>> -> memref<2x6x1024xf32, #tpu.memory_space<vmem>>
      %dma_wait3A_140 = arith.constant 1 : i32
      %dma_wait3A_141 = arith.constant 0 : i32
      %dma_wait3A_142 = tpu.memref_slice %arg2[%dma_wait3A_140, %dma_wait3A_141, %add3A_116] : memref<3x6x1048576xf32, #tpu.memory_space<hbm>> -> memref<2x6x1024xf32, #tpu.memory_space<hbm>>
      %dma_wait3A_143 = arith.constant 1 : i32
      %dma_wait3A_144 = arith.constant 0 : i32
      %dma_wait3A_145 = arith.constant 0 : i32
      %dma_wait3A_146 = tpu.memref_slice %arg4[%dma_wait3A_134, %dma_wait3A_143, %dma_wait3A_144, %dma_wait3A_145] : memref<2x3x6x1024xf32, #tpu.memory_space<vmem>> -> memref<1x2x6x1024xf32, #tpu.memory_space<vmem>>
      %dma_wait3A_147 = tpu.memref_squeeze %dma_wait3A_146 : memref<1x2x6x1024xf32, #tpu.memory_space<vmem>> -> memref<2x6x1024xf32, #tpu.memory_space<vmem>>
      %dma_wait3A_148 = arith.constant 1 : i32
      %dma_wait3A_149 = arith.constant 0 : i32
      %dma_wait3A_150 = tpu.memref_slice %arg2[%dma_wait3A_148, %dma_wait3A_149, %add3A_116] : memref<3x6x1048576xf32, #tpu.memory_space<hbm>> -> memref<2x6x1024xf32, #tpu.memory_space<hbm>>
      tpu.wait_dma2 semaphore(%arg6 : memref<!tpu.dma_semaphore, #tpu.memory_space<semaphore_mem>>) src(%dma_wait3A_150 : memref<2x6x1024xf32, #tpu.memory_space<hbm>>) dst(%dma_wait3A_147 : memref<2x6x1024xf32, #tpu.memory_space<vmem>>)
      %gt3A = arith.constant 0 : i32
      %gt3A_151 = arith.cmpi sgt, %scan3A_74, %gt3A : i32
      %convert_element_type3A = arith.extui %gt3A_151 : i1 to i32
      %cond3A = arith.constant 0 : i32
      %cond3A_152 = arith.cmpi ne, %convert_element_type3A, %cond3A : i32
      scf.if %cond3A_152 {
        %sub3A = arith.constant 2048 : i32
        %sub3A_241 = arith.subi %mul3A_76, %sub3A : i32
        %add3A_242 = arith.addi %mul3A_2, %sub3A_241 : i32
        %dma_wait3A_243 = arith.constant 0 : i32
        %dma_wait3A_244 = arith.constant 0 : i32
        %dma_wait3A_245 = arith.constant 0 : i32
        %dma_wait3A_246 = tpu.memref_slice %arg5[%dma_wait3A_243, %dma_wait3A_244, %dma_wait3A_245] : memref<2x25x1024xf32, #tpu.memory_space<vmem>> -> memref<1x25x1024xf32, #tpu.memory_space<vmem>>
        %dma_wait3A_247 = tpu.memref_squeeze %dma_wait3A_246 : memref<1x25x1024xf32, #tpu.memory_space<vmem>> -> memref<25x1024xf32, #tpu.memory_space<vmem>>
        %dma_wait3A_248 = arith.constant 0 : i32
        %dma_wait3A_249 = tpu.memref_slice %arg3[%dma_wait3A_248, %add3A_242] : memref<25x1048576xf32, #tpu.memory_space<hbm>> -> memref<25x1024xf32, #tpu.memory_space<hbm>>
        %dma_wait3A_250 = arith.constant 0 : i32
        %dma_wait3A_251 = tpu.memref_slice %arg3[%dma_wait3A_250, %add3A_242] : memref<25x1048576xf32, #tpu.memory_space<hbm>> -> memref<25x1024xf32, #tpu.memory_space<hbm>>
        %dma_wait3A_252 = arith.constant 0 : i32
        %dma_wait3A_253 = arith.constant 0 : i32
        %dma_wait3A_254 = tpu.memref_slice %arg5[%dma_wait3A_243, %dma_wait3A_252, %dma_wait3A_253] : memref<2x25x1024xf32, #tpu.memory_space<vmem>> -> memref<1x25x1024xf32, #tpu.memory_space<vmem>>
        %dma_wait3A_255 = tpu.memref_squeeze %dma_wait3A_254 : memref<1x25x1024xf32, #tpu.memory_space<vmem>> -> memref<25x1024xf32, #tpu.memory_space<vmem>>
        tpu.wait_dma2 semaphore(%arg8 : memref<!tpu.dma_semaphore, #tpu.memory_space<semaphore_mem>>) src(%dma_wait3A_255 : memref<25x1024xf32, #tpu.memory_space<vmem>>) dst(%dma_wait3A_251 : memref<25x1024xf32, #tpu.memory_space<hbm>>)
      } else {
      }
      %parallel_loop3A = arith.constant 0 : i32
      %parallel_loop3A_153 = arith.constant 64 : i32
      %parallel_loop3A_154 = arith.constant 1 : i32
      %parallel_loop3A_155 = arith.constant 0 : i32
      %parallel_loop3A_156 = arith.constant 0 : i32
      scf.for %parallel_loop3A_241 = %parallel_loop3A to %parallel_loop3A_153 step %parallel_loop3A_154  : i32 {
        %parallel_loop3A_242 = arith.constant 16 : i32
        %parallel_loop3A_243 = arith.muli %parallel_loop3A_241, %parallel_loop3A_242 : i32
        %parallel_loop3A_244 = arith.constant 0 : i32
        %parallel_loop3A_245 = arith.constant 0 : i32
        %parallel_loop3A_246 = arith.constant 0 : i32
        %parallel_loop3A_247 = arith.constant 0 : i32
        %parallel_loop3A_248 = arith.constant 0 : i32
        %parallel_loop3A_249 = tpu.memref_slice %arg4[%parallel_loop3A_155, %parallel_loop3A_246, %parallel_loop3A_247, %parallel_loop3A_248] : memref<2x3x6x1024xf32, #tpu.memory_space<vmem>> -> memref<1x3x6x1024xf32, #tpu.memory_space<vmem>>
        %parallel_loop3A_250 = tpu.memref_squeeze %parallel_loop3A_249 : memref<1x3x6x1024xf32, #tpu.memory_space<vmem>> -> memref<3x6x1024xf32, #tpu.memory_space<vmem>>
        %parallel_loop3A_251 = arith.index_cast %parallel_loop3A_244 : i32 to index
        %parallel_loop3A_252 = arith.index_cast %parallel_loop3A_245 : i32 to index
        %parallel_loop3A_253 = arith.index_cast %parallel_loop3A_243 : i32 to index
        %parallel_loop3A_254 = tpu.vector_load %parallel_loop3A_250[%parallel_loop3A_251, %parallel_loop3A_252, %parallel_loop3A_253] {strides = array<i32>} : memref<3x6x1024xf32, #tpu.memory_space<vmem>>, vector<16xf32>,
        %parallel_loop3A_255 = arith.constant 16 : i32
        %parallel_loop3A_256 = arith.muli %parallel_loop3A_241, %parallel_loop3A_255 : i32
        %parallel_loop3A_257 = arith.constant 0 : i32
        %parallel_loop3A_258 = arith.constant 1 : i32
        %parallel_loop3A_259 = arith.constant 0 : i32
        %parallel_loop3A_260 = arith.constant 0 : i32
        %parallel_loop3A_261 = arith.constant 0 : i32
        %parallel_loop3A_262 = tpu.memref_slice %arg4[%parallel_loop3A_155, %parallel_loop3A_259, %parallel_loop3A_260, %parallel_loop3A_261] : memref<2x3x6x1024xf32, #tpu.memory_space<vmem>> -> memref<1x3x6x1024xf32, #tpu.memory_space<vmem>>
        %parallel_loop3A_263 = tpu.memref_squeeze %parallel_loop3A_262 : memref<1x3x6x1024xf32, #tpu.memory_space<vmem>> -> memref<3x6x1024xf32, #tpu.memory_space<vmem>>
        %parallel_loop3A_264 = arith.index_cast %parallel_loop3A_257 : i32 to index
        %parallel_loop3A_265 = arith.index_cast %parallel_loop3A_258 : i32 to index
        %parallel_loop3A_266 = arith.index_cast %parallel_loop3A_256 : i32 to index
        %parallel_loop3A_267 = tpu.vector_load %parallel_loop3A_263[%parallel_loop3A_264, %parallel_loop3A_265, %parallel_loop3A_266] {strides = array<i32>} : memref<3x6x1024xf32, #tpu.memory_space<vmem>>, vector<16xf32>,
        %parallel_loop3A_268 = arith.constant 16 : i32
        %parallel_loop3A_269 = arith.muli %parallel_loop3A_241, %parallel_loop3A_268 : i32
        %parallel_loop3A_270 = arith.constant 0 : i32
        %parallel_loop3A_271 = arith.constant 2 : i32
        %parallel_loop3A_272 = arith.constant 0 : i32
        %parallel_loop3A_273 = arith.constant 0 : i32
        %parallel_loop3A_274 = arith.constant 0 : i32
        %parallel_loop3A_275 = tpu.memref_slice %arg4[%parallel_loop3A_155, %parallel_loop3A_272, %parallel_loop3A_273, %parallel_loop3A_274] : memref<2x3x6x1024xf32, #tpu.memory_space<vmem>> -> memref<1x3x6x1024xf32, #tpu.memory_space<vmem>>
        %parallel_loop3A_276 = tpu.memref_squeeze %parallel_loop3A_275 : memref<1x3x6x1024xf32, #tpu.memory_space<vmem>> -> memref<3x6x1024xf32, #tpu.memory_space<vmem>>
        %parallel_loop3A_277 = arith.index_cast %parallel_loop3A_270 : i32 to index
        %parallel_loop3A_278 = arith.index_cast %parallel_loop3A_271 : i32 to index
        %parallel_loop3A_279 = arith.index_cast %parallel_loop3A_269 : i32 to index
        %parallel_loop3A_280 = tpu.vector_load %parallel_loop3A_276[%parallel_loop3A_277, %parallel_loop3A_278, %parallel_loop3A_279] {strides = array<i32>} : memref<3x6x1024xf32, #tpu.memory_space<vmem>>, vector<16xf32>,
        %parallel_loop3A_281 = arith.constant 16 : i32
        %parallel_loop3A_282 = arith.muli %parallel_loop3A_241, %parallel_loop3A_281 : i32
        %parallel_loop3A_283 = arith.constant 0 : i32
        %parallel_loop3A_284 = arith.constant 3 : i32
        %parallel_loop3A_285 = arith.constant 0 : i32
        %parallel_loop3A_286 = arith.constant 0 : i32
        %parallel_loop3A_287 = arith.constant 0 : i32
        %parallel_loop3A_288 = tpu.memref_slice %arg4[%parallel_loop3A_155, %parallel_loop3A_285, %parallel_loop3A_286, %parallel_loop3A_287] : memref<2x3x6x1024xf32, #tpu.memory_space<vmem>> -> memref<1x3x6x1024xf32, #tpu.memory_space<vmem>>
        %parallel_loop3A_289 = tpu.memref_squeeze %parallel_loop3A_288 : memref<1x3x6x1024xf32, #tpu.memory_space<vmem>> -> memref<3x6x1024xf32, #tpu.memory_space<vmem>>
        %parallel_loop3A_290 = arith.index_cast %parallel_loop3A_283 : i32 to index
        %parallel_loop3A_291 = arith.index_cast %parallel_loop3A_284 : i32 to index
        %parallel_loop3A_292 = arith.index_cast %parallel_loop3A_282 : i32 to index
        %parallel_loop3A_293 = tpu.vector_load %parallel_loop3A_289[%parallel_loop3A_290, %parallel_loop3A_291, %parallel_loop3A_292] {strides = array<i32>} : memref<3x6x1024xf32, #tpu.memory_space<vmem>>, vector<16xf32>,
        %parallel_loop3A_294 = arith.constant 16 : i32
        %parallel_loop3A_295 = arith.muli %parallel_loop3A_241, %parallel_loop3A_294 : i32
        %parallel_loop3A_296 = arith.constant 0 : i32
        %parallel_loop3A_297 = arith.constant 4 : i32
        %parallel_loop3A_298 = arith.constant 0 : i32
        %parallel_loop3A_299 = arith.constant 0 : i32
        %parallel_loop3A_300 = arith.constant 0 : i32
        %parallel_loop3A_301 = tpu.memref_slice %arg4[%parallel_loop3A_155, %parallel_loop3A_298, %parallel_loop3A_299, %parallel_loop3A_300] : memref<2x3x6x1024xf32, #tpu.memory_space<vmem>> -> memref<1x3x6x1024xf32, #tpu.memory_space<vmem>>
        %parallel_loop3A_302 = tpu.memref_squeeze %parallel_loop3A_301 : memref<1x3x6x1024xf32, #tpu.memory_space<vmem>> -> memref<3x6x1024xf32, #tpu.memory_space<vmem>>
        %parallel_loop3A_303 = arith.index_cast %parallel_loop3A_296 : i32 to index
        %parallel_loop3A_304 = arith.index_cast %parallel_loop3A_297 : i32 to index
        %parallel_loop3A_305 = arith.index_cast %parallel_loop3A_295 : i32 to index
        %parallel_loop3A_306 = tpu.vector_load %parallel_loop3A_302[%parallel_loop3A_303, %parallel_loop3A_304, %parallel_loop3A_305] {strides = array<i32>} : memref<3x6x1024xf32, #tpu.memory_space<vmem>>, vector<16xf32>,
        %parallel_loop3A_307 = arith.constant 16 : i32
        %parallel_loop3A_308 = arith.muli %parallel_loop3A_241, %parallel_loop3A_307 : i32
        %parallel_loop3A_309 = arith.constant 1 : i32
        %parallel_loop3A_310 = arith.constant 0 : i32
        %parallel_loop3A_311 = arith.constant 0 : i32
        %parallel_loop3A_312 = arith.constant 0 : i32
        %parallel_loop3A_313 = arith.constant 0 : i32
        %parallel_loop3A_314 = tpu.memref_slice %arg4[%parallel_loop3A_155, %parallel_loop3A_311, %parallel_loop3A_312, %parallel_loop3A_313] : memref<2x3x6x1024xf32, #tpu.memory_space<vmem>> -> memref<1x3x6x1024xf32, #tpu.memory_space<vmem>>
        %parallel_loop3A_315 = tpu.memref_squeeze %parallel_loop3A_314 : memref<1x3x6x1024xf32, #tpu.memory_space<vmem>> -> memref<3x6x1024xf32, #tpu.memory_space<vmem>>
        %parallel_loop3A_316 = arith.index_cast %parallel_loop3A_309 : i32 to index
        %parallel_loop3A_317 = arith.index_cast %parallel_loop3A_310 : i32 to index
        %parallel_loop3A_318 = arith.index_cast %parallel_loop3A_308 : i32 to index
        %parallel_loop3A_319 = tpu.vector_load %parallel_loop3A_315[%parallel_loop3A_316, %parallel_loop3A_317, %parallel_loop3A_318] {strides = array<i32>} : memref<3x6x1024xf32, #tpu.memory_space<vmem>>, vector<16xf32>,
        %parallel_loop3A_320 = arith.constant 16 : i32
        %parallel_loop3A_321 = arith.muli %parallel_loop3A_241, %parallel_loop3A_320 : i32
        %parallel_loop3A_322 = arith.constant 1 : i32
        %parallel_loop3A_323 = arith.constant 1 : i32
        %parallel_loop3A_324 = arith.constant 0 : i32
        %parallel_loop3A_325 = arith.constant 0 : i32
        %parallel_loop3A_326 = arith.constant 0 : i32
        %parallel_loop3A_327 = tpu.memref_slice %arg4[%parallel_loop3A_155, %parallel_loop3A_324, %parallel_loop3A_325, %parallel_loop3A_326] : memref<2x3x6x1024xf32, #tpu.memory_space<vmem>> -> memref<1x3x6x1024xf32, #tpu.memory_space<vmem>>
        %parallel_loop3A_328 = tpu.memref_squeeze %parallel_loop3A_327 : memref<1x3x6x1024xf32, #tpu.memory_space<vmem>> -> memref<3x6x1024xf32, #tpu.memory_space<vmem>>
        %parallel_loop3A_329 = arith.index_cast %parallel_loop3A_322 : i32 to index
        %parallel_loop3A_330 = arith.index_cast %parallel_loop3A_323 : i32 to index
        %parallel_loop3A_331 = arith.index_cast %parallel_loop3A_321 : i32 to index
        %parallel_loop3A_332 = tpu.vector_load %parallel_loop3A_328[%parallel_loop3A_329, %parallel_loop3A_330, %parallel_loop3A_331] {strides = array<i32>} : memref<3x6x1024xf32, #tpu.memory_space<vmem>>, vector<16xf32>,
        %parallel_loop3A_333 = arith.constant 16 : i32
        %parallel_loop3A_334 = arith.muli %parallel_loop3A_241, %parallel_loop3A_333 : i32
        %parallel_loop3A_335 = arith.constant 1 : i32
        %parallel_loop3A_336 = arith.constant 2 : i32
        %parallel_loop3A_337 = arith.constant 0 : i32
        %parallel_loop3A_338 = arith.constant 0 : i32
        %parallel_loop3A_339 = arith.constant 0 : i32
        %parallel_loop3A_340 = tpu.memref_slice %arg4[%parallel_loop3A_155, %parallel_loop3A_337, %parallel_loop3A_338, %parallel_loop3A_339] : memref<2x3x6x1024xf32, #tpu.memory_space<vmem>> -> memref<1x3x6x1024xf32, #tpu.memory_space<vmem>>
        %parallel_loop3A_341 = tpu.memref_squeeze %parallel_loop3A_340 : memref<1x3x6x1024xf32, #tpu.memory_space<vmem>> -> memref<3x6x1024xf32, #tpu.memory_space<vmem>>
        %parallel_loop3A_342 = arith.index_cast %parallel_loop3A_335 : i32 to index
        %parallel_loop3A_343 = arith.index_cast %parallel_loop3A_336 : i32 to index
        %parallel_loop3A_344 = arith.index_cast %parallel_loop3A_334 : i32 to index
        %parallel_loop3A_345 = tpu.vector_load %parallel_loop3A_341[%parallel_loop3A_342, %parallel_loop3A_343, %parallel_loop3A_344] {strides = array<i32>} : memref<3x6x1024xf32, #tpu.memory_space<vmem>>, vector<16xf32>,
        %parallel_loop3A_346 = arith.constant 16 : i32
        %parallel_loop3A_347 = arith.muli %parallel_loop3A_241, %parallel_loop3A_346 : i32
        %parallel_loop3A_348 = arith.constant 1 : i32
        %parallel_loop3A_349 = arith.constant 3 : i32
        %parallel_loop3A_350 = arith.constant 0 : i32
        %parallel_loop3A_351 = arith.constant 0 : i32
        %parallel_loop3A_352 = arith.constant 0 : i32
        %parallel_loop3A_353 = tpu.memref_slice %arg4[%parallel_loop3A_155, %parallel_loop3A_350, %parallel_loop3A_351, %parallel_loop3A_352] : memref<2x3x6x1024xf32, #tpu.memory_space<vmem>> -> memref<1x3x6x1024xf32, #tpu.memory_space<vmem>>
        %parallel_loop3A_354 = tpu.memref_squeeze %parallel_loop3A_353 : memref<1x3x6x1024xf32, #tpu.memory_space<vmem>> -> memref<3x6x1024xf32, #tpu.memory_space<vmem>>
        %parallel_loop3A_355 = arith.index_cast %parallel_loop3A_348 : i32 to index
        %parallel_loop3A_356 = arith.index_cast %parallel_loop3A_349 : i32 to index
        %parallel_loop3A_357 = arith.index_cast %parallel_loop3A_347 : i32 to index
        %parallel_loop3A_358 = tpu.vector_load %parallel_loop3A_354[%parallel_loop3A_355, %parallel_loop3A_356, %parallel_loop3A_357] {strides = array<i32>} : memref<3x6x1024xf32, #tpu.memory_space<vmem>>, vector<16xf32>,
        %parallel_loop3A_359 = arith.constant 16 : i32
        %parallel_loop3A_360 = arith.muli %parallel_loop3A_241, %parallel_loop3A_359 : i32
        %parallel_loop3A_361 = arith.constant 1 : i32
        %parallel_loop3A_362 = arith.constant 4 : i32
        %parallel_loop3A_363 = arith.constant 0 : i32
        %parallel_loop3A_364 = arith.constant 0 : i32
        %parallel_loop3A_365 = arith.constant 0 : i32
        %parallel_loop3A_366 = tpu.memref_slice %arg4[%parallel_loop3A_155, %parallel_loop3A_363, %parallel_loop3A_364, %parallel_loop3A_365] : memref<2x3x6x1024xf32, #tpu.memory_space<vmem>> -> memref<1x3x6x1024xf32, #tpu.memory_space<vmem>>
        %parallel_loop3A_367 = tpu.memref_squeeze %parallel_loop3A_366 : memref<1x3x6x1024xf32, #tpu.memory_space<vmem>> -> memref<3x6x1024xf32, #tpu.memory_space<vmem>>
        %parallel_loop3A_368 = arith.index_cast %parallel_loop3A_361 : i32 to index
        %parallel_loop3A_369 = arith.index_cast %parallel_loop3A_362 : i32 to index
        %parallel_loop3A_370 = arith.index_cast %parallel_loop3A_360 : i32 to index
        %parallel_loop3A_371 = tpu.vector_load %parallel_loop3A_367[%parallel_loop3A_368, %parallel_loop3A_369, %parallel_loop3A_370] {strides = array<i32>} : memref<3x6x1024xf32, #tpu.memory_space<vmem>>, vector<16xf32>,
        %parallel_loop3A_372 = arith.constant 16 : i32
        %parallel_loop3A_373 = arith.muli %parallel_loop3A_241, %parallel_loop3A_372 : i32
        %parallel_loop3A_374 = arith.constant 1 : i32
        %parallel_loop3A_375 = arith.constant 5 : i32
        %parallel_loop3A_376 = arith.constant 0 : i32
        %parallel_loop3A_377 = arith.constant 0 : i32
        %parallel_loop3A_378 = arith.constant 0 : i32
        %parallel_loop3A_379 = tpu.memref_slice %arg4[%parallel_loop3A_155, %parallel_loop3A_376, %parallel_loop3A_377, %parallel_loop3A_378] : memref<2x3x6x1024xf32, #tpu.memory_space<vmem>> -> memref<1x3x6x1024xf32, #tpu.memory_space<vmem>>
        %parallel_loop3A_380 = tpu.memref_squeeze %parallel_loop3A_379 : memref<1x3x6x1024xf32, #tpu.memory_space<vmem>> -> memref<3x6x1024xf32, #tpu.memory_space<vmem>>
        %parallel_loop3A_381 = arith.index_cast %parallel_loop3A_374 : i32 to index
        %parallel_loop3A_382 = arith.index_cast %parallel_loop3A_375 : i32 to index
        %parallel_loop3A_383 = arith.index_cast %parallel_loop3A_373 : i32 to index
        %parallel_loop3A_384 = tpu.vector_load %parallel_loop3A_380[%parallel_loop3A_381, %parallel_loop3A_382, %parallel_loop3A_383] {strides = array<i32>} : memref<3x6x1024xf32, #tpu.memory_space<vmem>>, vector<16xf32>,
        %parallel_loop3A_385 = arith.constant 16 : i32
        %parallel_loop3A_386 = arith.muli %parallel_loop3A_241, %parallel_loop3A_385 : i32
        %parallel_loop3A_387 = arith.constant 2 : i32
        %parallel_loop3A_388 = arith.constant 0 : i32
        %parallel_loop3A_389 = arith.constant 0 : i32
        %parallel_loop3A_390 = arith.constant 0 : i32
        %parallel_loop3A_391 = arith.constant 0 : i32
        %parallel_loop3A_392 = tpu.memref_slice %arg4[%parallel_loop3A_155, %parallel_loop3A_389, %parallel_loop3A_390, %parallel_loop3A_391] : memref<2x3x6x1024xf32, #tpu.memory_space<vmem>> -> memref<1x3x6x1024xf32, #tpu.memory_space<vmem>>
        %parallel_loop3A_393 = tpu.memref_squeeze %parallel_loop3A_392 : memref<1x3x6x1024xf32, #tpu.memory_space<vmem>> -> memref<3x6x1024xf32, #tpu.memory_space<vmem>>
        %parallel_loop3A_394 = arith.index_cast %parallel_loop3A_387 : i32 to index
        %parallel_loop3A_395 = arith.index_cast %parallel_loop3A_388 : i32 to index
        %parallel_loop3A_396 = arith.index_cast %parallel_loop3A_386 : i32 to index
        %parallel_loop3A_397 = tpu.vector_load %parallel_loop3A_393[%parallel_loop3A_394, %parallel_loop3A_395, %parallel_loop3A_396] {strides = array<i32>} : memref<3x6x1024xf32, #tpu.memory_space<vmem>>, vector<16xf32>,
        %parallel_loop3A_398 = arith.constant 16 : i32
        %parallel_loop3A_399 = arith.muli %parallel_loop3A_241, %parallel_loop3A_398 : i32
        %parallel_loop3A_400 = arith.constant 2 : i32
        %parallel_loop3A_401 = arith.constant 1 : i32
        %parallel_loop3A_402 = arith.constant 0 : i32
        %parallel_loop3A_403 = arith.constant 0 : i32
        %parallel_loop3A_404 = arith.constant 0 : i32
        %parallel_loop3A_405 = tpu.memref_slice %arg4[%parallel_loop3A_155, %parallel_loop3A_402, %parallel_loop3A_403, %parallel_loop3A_404] : memref<2x3x6x1024xf32, #tpu.memory_space<vmem>> -> memref<1x3x6x1024xf32, #tpu.memory_space<vmem>>
        %parallel_loop3A_406 = tpu.memref_squeeze %parallel_loop3A_405 : memref<1x3x6x1024xf32, #tpu.memory_space<vmem>> -> memref<3x6x1024xf32, #tpu.memory_space<vmem>>
        %parallel_loop3A_407 = arith.index_cast %parallel_loop3A_400 : i32 to index
        %parallel_loop3A_408 = arith.index_cast %parallel_loop3A_401 : i32 to index
        %parallel_loop3A_409 = arith.index_cast %parallel_loop3A_399 : i32 to index
        %parallel_loop3A_410 = tpu.vector_load %parallel_loop3A_406[%parallel_loop3A_407, %parallel_loop3A_408, %parallel_loop3A_409] {strides = array<i32>} : memref<3x6x1024xf32, #tpu.memory_space<vmem>>, vector<16xf32>,
        %parallel_loop3A_411 = arith.constant 16 : i32
        %parallel_loop3A_412 = arith.muli %parallel_loop3A_241, %parallel_loop3A_411 : i32
        %parallel_loop3A_413 = arith.constant 2 : i32
        %parallel_loop3A_414 = arith.constant 2 : i32
        %parallel_loop3A_415 = arith.constant 0 : i32
        %parallel_loop3A_416 = arith.constant 0 : i32
        %parallel_loop3A_417 = arith.constant 0 : i32
        %parallel_loop3A_418 = tpu.memref_slice %arg4[%parallel_loop3A_155, %parallel_loop3A_415, %parallel_loop3A_416, %parallel_loop3A_417] : memref<2x3x6x1024xf32, #tpu.memory_space<vmem>> -> memref<1x3x6x1024xf32, #tpu.memory_space<vmem>>
        %parallel_loop3A_419 = tpu.memref_squeeze %parallel_loop3A_418 : memref<1x3x6x1024xf32, #tpu.memory_space<vmem>> -> memref<3x6x1024xf32, #tpu.memory_space<vmem>>
        %parallel_loop3A_420 = arith.index_cast %parallel_loop3A_413 : i32 to index
        %parallel_loop3A_421 = arith.index_cast %parallel_loop3A_414 : i32 to index
        %parallel_loop3A_422 = arith.index_cast %parallel_loop3A_412 : i32 to index
        %parallel_loop3A_423 = tpu.vector_load %parallel_loop3A_419[%parallel_loop3A_420, %parallel_loop3A_421, %parallel_loop3A_422] {strides = array<i32>} : memref<3x6x1024xf32, #tpu.memory_space<vmem>>, vector<16xf32>,
        %parallel_loop3A_424 = arith.constant 16 : i32
        %parallel_loop3A_425 = arith.muli %parallel_loop3A_241, %parallel_loop3A_424 : i32
        %parallel_loop3A_426 = arith.constant 2 : i32
        %parallel_loop3A_427 = arith.constant 3 : i32
        %parallel_loop3A_428 = arith.constant 0 : i32
        %parallel_loop3A_429 = arith.constant 0 : i32
        %parallel_loop3A_430 = arith.constant 0 : i32
        %parallel_loop3A_431 = tpu.memref_slice %arg4[%parallel_loop3A_155, %parallel_loop3A_428, %parallel_loop3A_429, %parallel_loop3A_430] : memref<2x3x6x1024xf32, #tpu.memory_space<vmem>> -> memref<1x3x6x1024xf32, #tpu.memory_space<vmem>>
        %parallel_loop3A_432 = tpu.memref_squeeze %parallel_loop3A_431 : memref<1x3x6x1024xf32, #tpu.memory_space<vmem>> -> memref<3x6x1024xf32, #tpu.memory_space<vmem>>
        %parallel_loop3A_433 = arith.index_cast %parallel_loop3A_426 : i32 to index
        %parallel_loop3A_434 = arith.index_cast %parallel_loop3A_427 : i32 to index
        %parallel_loop3A_435 = arith.index_cast %parallel_loop3A_425 : i32 to index
        %parallel_loop3A_436 = tpu.vector_load %parallel_loop3A_432[%parallel_loop3A_433, %parallel_loop3A_434, %parallel_loop3A_435] {strides = array<i32>} : memref<3x6x1024xf32, #tpu.memory_space<vmem>>, vector<16xf32>,
        %parallel_loop3A_437 = arith.constant 16 : i32
        %parallel_loop3A_438 = arith.muli %parallel_loop3A_241, %parallel_loop3A_437 : i32
        %parallel_loop3A_439 = arith.constant 2 : i32
        %parallel_loop3A_440 = arith.constant 4 : i32
        %parallel_loop3A_441 = arith.constant 0 : i32
        %parallel_loop3A_442 = arith.constant 0 : i32
        %parallel_loop3A_443 = arith.constant 0 : i32
        %parallel_loop3A_444 = tpu.memref_slice %arg4[%parallel_loop3A_155, %parallel_loop3A_441, %parallel_loop3A_442, %parallel_loop3A_443] : memref<2x3x6x1024xf32, #tpu.memory_space<vmem>> -> memref<1x3x6x1024xf32, #tpu.memory_space<vmem>>
        %parallel_loop3A_445 = tpu.memref_squeeze %parallel_loop3A_444 : memref<1x3x6x1024xf32, #tpu.memory_space<vmem>> -> memref<3x6x1024xf32, #tpu.memory_space<vmem>>
        %parallel_loop3A_446 = arith.index_cast %parallel_loop3A_439 : i32 to index
        %parallel_loop3A_447 = arith.index_cast %parallel_loop3A_440 : i32 to index
        %parallel_loop3A_448 = arith.index_cast %parallel_loop3A_438 : i32 to index
        %parallel_loop3A_449 = tpu.vector_load %parallel_loop3A_445[%parallel_loop3A_446, %parallel_loop3A_447, %parallel_loop3A_448] {strides = array<i32>} : memref<3x6x1024xf32, #tpu.memory_space<vmem>>, vector<16xf32>,
        %parallel_loop3A_450 = arith.constant 16 : i32
        %parallel_loop3A_451 = arith.muli %parallel_loop3A_241, %parallel_loop3A_450 : i32
        %parallel_loop3A_452 = arith.constant 2 : i32
        %parallel_loop3A_453 = arith.constant 5 : i32
        %parallel_loop3A_454 = arith.constant 0 : i32
        %parallel_loop3A_455 = arith.constant 0 : i32
        %parallel_loop3A_456 = arith.constant 0 : i32
        %parallel_loop3A_457 = tpu.memref_slice %arg4[%parallel_loop3A_155, %parallel_loop3A_454, %parallel_loop3A_455, %parallel_loop3A_456] : memref<2x3x6x1024xf32, #tpu.memory_space<vmem>> -> memref<1x3x6x1024xf32, #tpu.memory_space<vmem>>
        %parallel_loop3A_458 = tpu.memref_squeeze %parallel_loop3A_457 : memref<1x3x6x1024xf32, #tpu.memory_space<vmem>> -> memref<3x6x1024xf32, #tpu.memory_space<vmem>>
        %parallel_loop3A_459 = arith.index_cast %parallel_loop3A_452 : i32 to index
        %parallel_loop3A_460 = arith.index_cast %parallel_loop3A_453 : i32 to index
        %parallel_loop3A_461 = arith.index_cast %parallel_loop3A_451 : i32 to index
        %parallel_loop3A_462 = tpu.vector_load %parallel_loop3A_458[%parallel_loop3A_459, %parallel_loop3A_460, %parallel_loop3A_461] {strides = array<i32>} : memref<3x6x1024xf32, #tpu.memory_space<vmem>>, vector<16xf32>,
        %parallel_loop3A_463 = arith.mulf %parallel_loop3A_254, %parallel_loop3A_462 : vector<16xf32>
        %parallel_loop3A_464 = arith.mulf %parallel_loop3A_463, %parallel_loop3A_319 : vector<16xf32>
        %parallel_loop3A_465 = arith.constant 16 : i32
        %parallel_loop3A_466 = arith.muli %parallel_loop3A_241, %parallel_loop3A_465 : i32
        %parallel_loop3A_467 = arith.constant 0 : i32
        %parallel_loop3A_468 = arith.constant 0 : i32
        %parallel_loop3A_469 = arith.constant 0 : i32
        %parallel_loop3A_470 = tpu.memref_slice %arg5[%parallel_loop3A_156, %parallel_loop3A_468, %parallel_loop3A_469] : memref<2x25x1024xf32, #tpu.memory_space<vmem>> -> memref<1x25x1024xf32, #tpu.memory_space<vmem>>
        %parallel_loop3A_471 = tpu.memref_squeeze %parallel_loop3A_470 : memref<1x25x1024xf32, #tpu.memory_space<vmem>> -> memref<25x1024xf32, #tpu.memory_space<vmem>>
        %parallel_loop3A_472 = arith.index_cast %parallel_loop3A_467 : i32 to index
        %parallel_loop3A_473 = arith.index_cast %parallel_loop3A_466 : i32 to index
        %parallel_loop3A_474 = tpu.vector_load %parallel_loop3A_471[%parallel_loop3A_472, %parallel_loop3A_473] {strides = array<i32>} : memref<25x1024xf32, #tpu.memory_space<vmem>>, vector<16xf32>,
        tpu.vector_store %parallel_loop3A_471[%parallel_loop3A_472, %parallel_loop3A_473], %parallel_loop3A_464 {strides = array<i32>} : memref<25x1024xf32, #tpu.memory_space<vmem>>, vector<16xf32>,
        %parallel_loop3A_475 = arith.mulf %parallel_loop3A_463, %parallel_loop3A_332 : vector<16xf32>
        %parallel_loop3A_476 = arith.constant 16 : i32
        %parallel_loop3A_477 = arith.muli %parallel_loop3A_241, %parallel_loop3A_476 : i32
        %parallel_loop3A_478 = arith.constant 1 : i32
        %parallel_loop3A_479 = arith.constant 0 : i32
        %parallel_loop3A_480 = arith.constant 0 : i32
        %parallel_loop3A_481 = tpu.memref_slice %arg5[%parallel_loop3A_156, %parallel_loop3A_479, %parallel_loop3A_480] : memref<2x25x1024xf32, #tpu.memory_space<vmem>> -> memref<1x25x1024xf32, #tpu.memory_space<vmem>>
        %parallel_loop3A_482 = tpu.memref_squeeze %parallel_loop3A_481 : memref<1x25x1024xf32, #tpu.memory_space<vmem>> -> memref<25x1024xf32, #tpu.memory_space<vmem>>
        %parallel_loop3A_483 = arith.index_cast %parallel_loop3A_478 : i32 to index
        %parallel_loop3A_484 = arith.index_cast %parallel_loop3A_477 : i32 to index
        %parallel_loop3A_485 = tpu.vector_load %parallel_loop3A_482[%parallel_loop3A_483, %parallel_loop3A_484] {strides = array<i32>} : memref<25x1024xf32, #tpu.memory_space<vmem>>, vector<16xf32>,
        tpu.vector_store %parallel_loop3A_482[%parallel_loop3A_483, %parallel_loop3A_484], %parallel_loop3A_475 {strides = array<i32>} : memref<25x1024xf32, #tpu.memory_space<vmem>>, vector<16xf32>,
        %parallel_loop3A_486 = arith.mulf %parallel_loop3A_463, %parallel_loop3A_345 : vector<16xf32>
        %parallel_loop3A_487 = arith.constant 16 : i32
        %parallel_loop3A_488 = arith.muli %parallel_loop3A_241, %parallel_loop3A_487 : i32
        %parallel_loop3A_489 = arith.constant 2 : i32
        %parallel_loop3A_490 = arith.constant 0 : i32
        %parallel_loop3A_491 = arith.constant 0 : i32
        %parallel_loop3A_492 = tpu.memref_slice %arg5[%parallel_loop3A_156, %parallel_loop3A_490, %parallel_loop3A_491] : memref<2x25x1024xf32, #tpu.memory_space<vmem>> -> memref<1x25x1024xf32, #tpu.memory_space<vmem>>
        %parallel_loop3A_493 = tpu.memref_squeeze %parallel_loop3A_492 : memref<1x25x1024xf32, #tpu.memory_space<vmem>> -> memref<25x1024xf32, #tpu.memory_space<vmem>>
        %parallel_loop3A_494 = arith.index_cast %parallel_loop3A_489 : i32 to index
        %parallel_loop3A_495 = arith.index_cast %parallel_loop3A_488 : i32 to index
        %parallel_loop3A_496 = tpu.vector_load %parallel_loop3A_493[%parallel_loop3A_494, %parallel_loop3A_495] {strides = array<i32>} : memref<25x1024xf32, #tpu.memory_space<vmem>>, vector<16xf32>,
        tpu.vector_store %parallel_loop3A_493[%parallel_loop3A_494, %parallel_loop3A_495], %parallel_loop3A_486 {strides = array<i32>} : memref<25x1024xf32, #tpu.memory_space<vmem>>, vector<16xf32>,
        %parallel_loop3A_497 = arith.mulf %parallel_loop3A_463, %parallel_loop3A_358 : vector<16xf32>
        %parallel_loop3A_498 = arith.constant 16 : i32
        %parallel_loop3A_499 = arith.muli %parallel_loop3A_241, %parallel_loop3A_498 : i32
        %parallel_loop3A_500 = arith.constant 3 : i32
        %parallel_loop3A_501 = arith.constant 0 : i32
        %parallel_loop3A_502 = arith.constant 0 : i32
        %parallel_loop3A_503 = tpu.memref_slice %arg5[%parallel_loop3A_156, %parallel_loop3A_501, %parallel_loop3A_502] : memref<2x25x1024xf32, #tpu.memory_space<vmem>> -> memref<1x25x1024xf32, #tpu.memory_space<vmem>>
        %parallel_loop3A_504 = tpu.memref_squeeze %parallel_loop3A_503 : memref<1x25x1024xf32, #tpu.memory_space<vmem>> -> memref<25x1024xf32, #tpu.memory_space<vmem>>
        %parallel_loop3A_505 = arith.index_cast %parallel_loop3A_500 : i32 to index
        %parallel_loop3A_506 = arith.index_cast %parallel_loop3A_499 : i32 to index
        %parallel_loop3A_507 = tpu.vector_load %parallel_loop3A_504[%parallel_loop3A_505, %parallel_loop3A_506] {strides = array<i32>} : memref<25x1024xf32, #tpu.memory_space<vmem>>, vector<16xf32>,
        tpu.vector_store %parallel_loop3A_504[%parallel_loop3A_505, %parallel_loop3A_506], %parallel_loop3A_497 {strides = array<i32>} : memref<25x1024xf32, #tpu.memory_space<vmem>>, vector<16xf32>,
        %parallel_loop3A_508 = arith.mulf %parallel_loop3A_463, %parallel_loop3A_371 : vector<16xf32>
        %parallel_loop3A_509 = arith.constant 16 : i32
        %parallel_loop3A_510 = arith.muli %parallel_loop3A_241, %parallel_loop3A_509 : i32
        %parallel_loop3A_511 = arith.constant 4 : i32
        %parallel_loop3A_512 = arith.constant 0 : i32
        %parallel_loop3A_513 = arith.constant 0 : i32
        %parallel_loop3A_514 = tpu.memref_slice %arg5[%parallel_loop3A_156, %parallel_loop3A_512, %parallel_loop3A_513] : memref<2x25x1024xf32, #tpu.memory_space<vmem>> -> memref<1x25x1024xf32, #tpu.memory_space<vmem>>
        %parallel_loop3A_515 = tpu.memref_squeeze %parallel_loop3A_514 : memref<1x25x1024xf32, #tpu.memory_space<vmem>> -> memref<25x1024xf32, #tpu.memory_space<vmem>>
        %parallel_loop3A_516 = arith.index_cast %parallel_loop3A_511 : i32 to index
        %parallel_loop3A_517 = arith.index_cast %parallel_loop3A_510 : i32 to index
        %parallel_loop3A_518 = tpu.vector_load %parallel_loop3A_515[%parallel_loop3A_516, %parallel_loop3A_517] {strides = array<i32>} : memref<25x1024xf32, #tpu.memory_space<vmem>>, vector<16xf32>,
        tpu.vector_store %parallel_loop3A_515[%parallel_loop3A_516, %parallel_loop3A_517], %parallel_loop3A_508 {strides = array<i32>} : memref<25x1024xf32, #tpu.memory_space<vmem>>, vector<16xf32>,
        %parallel_loop3A_519 = arith.mulf %parallel_loop3A_267, %parallel_loop3A_384 : vector<16xf32>
        %parallel_loop3A_520 = arith.mulf %parallel_loop3A_519, %parallel_loop3A_397 : vector<16xf32>
        %parallel_loop3A_521 = arith.constant 16 : i32
        %parallel_loop3A_522 = arith.muli %parallel_loop3A_241, %parallel_loop3A_521 : i32
        %parallel_loop3A_523 = arith.constant 5 : i32
        %parallel_loop3A_524 = arith.constant 0 : i32
        %parallel_loop3A_525 = arith.constant 0 : i32
        %parallel_loop3A_526 = tpu.memref_slice %arg5[%parallel_loop3A_156, %parallel_loop3A_524, %parallel_loop3A_525] : memref<2x25x1024xf32, #tpu.memory_space<vmem>> -> memref<1x25x1024xf32, #tpu.memory_space<vmem>>
        %parallel_loop3A_527 = tpu.memref_squeeze %parallel_loop3A_526 : memref<1x25x1024xf32, #tpu.memory_space<vmem>> -> memref<25x1024xf32, #tpu.memory_space<vmem>>
        %parallel_loop3A_528 = arith.index_cast %parallel_loop3A_523 : i32 to index
        %parallel_loop3A_529 = arith.index_cast %parallel_loop3A_522 : i32 to index
        %parallel_loop3A_530 = tpu.vector_load %parallel_loop3A_527[%parallel_loop3A_528, %parallel_loop3A_529] {strides = array<i32>} : memref<25x1024xf32, #tpu.memory_space<vmem>>, vector<16xf32>,
        tpu.vector_store %parallel_loop3A_527[%parallel_loop3A_528, %parallel_loop3A_529], %parallel_loop3A_520 {strides = array<i32>} : memref<25x1024xf32, #tpu.memory_space<vmem>>, vector<16xf32>,
        %parallel_loop3A_531 = arith.mulf %parallel_loop3A_519, %parallel_loop3A_410 : vector<16xf32>
        %parallel_loop3A_532 = arith.constant 16 : i32
        %parallel_loop3A_533 = arith.muli %parallel_loop3A_241, %parallel_loop3A_532 : i32
        %parallel_loop3A_534 = arith.constant 6 : i32
        %parallel_loop3A_535 = arith.constant 0 : i32
        %parallel_loop3A_536 = arith.constant 0 : i32
        %parallel_loop3A_537 = tpu.memref_slice %arg5[%parallel_loop3A_156, %parallel_loop3A_535, %parallel_loop3A_536] : memref<2x25x1024xf32, #tpu.memory_space<vmem>> -> memref<1x25x1024xf32, #tpu.memory_space<vmem>>
        %parallel_loop3A_538 = tpu.memref_squeeze %parallel_loop3A_537 : memref<1x25x1024xf32, #tpu.memory_space<vmem>> -> memref<25x1024xf32, #tpu.memory_space<vmem>>
        %parallel_loop3A_539 = arith.index_cast %parallel_loop3A_534 : i32 to index
        %parallel_loop3A_540 = arith.index_cast %parallel_loop3A_533 : i32 to index
        %parallel_loop3A_541 = tpu.vector_load %parallel_loop3A_538[%parallel_loop3A_539, %parallel_loop3A_540] {strides = array<i32>} : memref<25x1024xf32, #tpu.memory_space<vmem>>, vector<16xf32>,
        tpu.vector_store %parallel_loop3A_538[%parallel_loop3A_539, %parallel_loop3A_540], %parallel_loop3A_531 {strides = array<i32>} : memref<25x1024xf32, #tpu.memory_space<vmem>>, vector<16xf32>,
        %parallel_loop3A_542 = arith.mulf %parallel_loop3A_519, %parallel_loop3A_423 : vector<16xf32>
        %parallel_loop3A_543 = arith.constant 16 : i32
        %parallel_loop3A_544 = arith.muli %parallel_loop3A_241, %parallel_loop3A_543 : i32
        %parallel_loop3A_545 = arith.constant 7 : i32
        %parallel_loop3A_546 = arith.constant 0 : i32
        %parallel_loop3A_547 = arith.constant 0 : i32
        %parallel_loop3A_548 = tpu.memref_slice %arg5[%parallel_loop3A_156, %parallel_loop3A_546, %parallel_loop3A_547] : memref<2x25x1024xf32, #tpu.memory_space<vmem>> -> memref<1x25x1024xf32, #tpu.memory_space<vmem>>
        %parallel_loop3A_549 = tpu.memref_squeeze %parallel_loop3A_548 : memref<1x25x1024xf32, #tpu.memory_space<vmem>> -> memref<25x1024xf32, #tpu.memory_space<vmem>>
        %parallel_loop3A_550 = arith.index_cast %parallel_loop3A_545 : i32 to index
        %parallel_loop3A_551 = arith.index_cast %parallel_loop3A_544 : i32 to index
        %parallel_loop3A_552 = tpu.vector_load %parallel_loop3A_549[%parallel_loop3A_550, %parallel_loop3A_551] {strides = array<i32>} : memref<25x1024xf32, #tpu.memory_space<vmem>>, vector<16xf32>,
        tpu.vector_store %parallel_loop3A_549[%parallel_loop3A_550, %parallel_loop3A_551], %parallel_loop3A_542 {strides = array<i32>} : memref<25x1024xf32, #tpu.memory_space<vmem>>, vector<16xf32>,
        %parallel_loop3A_553 = arith.mulf %parallel_loop3A_519, %parallel_loop3A_436 : vector<16xf32>
        %parallel_loop3A_554 = arith.constant 16 : i32
        %parallel_loop3A_555 = arith.muli %parallel_loop3A_241, %parallel_loop3A_554 : i32
        %parallel_loop3A_556 = arith.constant 8 : i32
        %parallel_loop3A_557 = arith.constant 0 : i32
        %parallel_loop3A_558 = arith.constant 0 : i32
        %parallel_loop3A_559 = tpu.memref_slice %arg5[%parallel_loop3A_156, %parallel_loop3A_557, %parallel_loop3A_558] : memref<2x25x1024xf32, #tpu.memory_space<vmem>> -> memref<1x25x1024xf32, #tpu.memory_space<vmem>>
        %parallel_loop3A_560 = tpu.memref_squeeze %parallel_loop3A_559 : memref<1x25x1024xf32, #tpu.memory_space<vmem>> -> memref<25x1024xf32, #tpu.memory_space<vmem>>
        %parallel_loop3A_561 = arith.index_cast %parallel_loop3A_556 : i32 to index
        %parallel_loop3A_562 = arith.index_cast %parallel_loop3A_555 : i32 to index
        %parallel_loop3A_563 = tpu.vector_load %parallel_loop3A_560[%parallel_loop3A_561, %parallel_loop3A_562] {strides = array<i32>} : memref<25x1024xf32, #tpu.memory_space<vmem>>, vector<16xf32>,
        tpu.vector_store %parallel_loop3A_560[%parallel_loop3A_561, %parallel_loop3A_562], %parallel_loop3A_553 {strides = array<i32>} : memref<25x1024xf32, #tpu.memory_space<vmem>>, vector<16xf32>,
        %parallel_loop3A_564 = arith.mulf %parallel_loop3A_519, %parallel_loop3A_449 : vector<16xf32>
        %parallel_loop3A_565 = arith.constant 16 : i32
        %parallel_loop3A_566 = arith.muli %parallel_loop3A_241, %parallel_loop3A_565 : i32
        %parallel_loop3A_567 = arith.constant 9 : i32
        %parallel_loop3A_568 = arith.constant 0 : i32
        %parallel_loop3A_569 = arith.constant 0 : i32
        %parallel_loop3A_570 = tpu.memref_slice %arg5[%parallel_loop3A_156, %parallel_loop3A_568, %parallel_loop3A_569] : memref<2x25x1024xf32, #tpu.memory_space<vmem>> -> memref<1x25x1024xf32, #tpu.memory_space<vmem>>
        %parallel_loop3A_571 = tpu.memref_squeeze %parallel_loop3A_570 : memref<1x25x1024xf32, #tpu.memory_space<vmem>> -> memref<25x1024xf32, #tpu.memory_space<vmem>>
        %parallel_loop3A_572 = arith.index_cast %parallel_loop3A_567 : i32 to index
        %parallel_loop3A_573 = arith.index_cast %parallel_loop3A_566 : i32 to index
        %parallel_loop3A_574 = tpu.vector_load %parallel_loop3A_571[%parallel_loop3A_572, %parallel_loop3A_573] {strides = array<i32>} : memref<25x1024xf32, #tpu.memory_space<vmem>>, vector<16xf32>,
        tpu.vector_store %parallel_loop3A_571[%parallel_loop3A_572, %parallel_loop3A_573], %parallel_loop3A_564 {strides = array<i32>} : memref<25x1024xf32, #tpu.memory_space<vmem>>, vector<16xf32>,
        %parallel_loop3A_575 = arith.mulf %parallel_loop3A_280, %parallel_loop3A_384 : vector<16xf32>
        %parallel_loop3A_576 = arith.mulf %parallel_loop3A_575, %parallel_loop3A_397 : vector<16xf32>
        %parallel_loop3A_577 = arith.constant 16 : i32
        %parallel_loop3A_578 = arith.muli %parallel_loop3A_241, %parallel_loop3A_577 : i32
        %parallel_loop3A_579 = arith.constant 10 : i32
        %parallel_loop3A_580 = arith.constant 0 : i32
        %parallel_loop3A_581 = arith.constant 0 : i32
        %parallel_loop3A_582 = tpu.memref_slice %arg5[%parallel_loop3A_156, %parallel_loop3A_580, %parallel_loop3A_581] : memref<2x25x1024xf32, #tpu.memory_space<vmem>> -> memref<1x25x1024xf32, #tpu.memory_space<vmem>>
        %parallel_loop3A_583 = tpu.memref_squeeze %parallel_loop3A_582 : memref<1x25x1024xf32, #tpu.memory_space<vmem>> -> memref<25x1024xf32, #tpu.memory_space<vmem>>
        %parallel_loop3A_584 = arith.index_cast %parallel_loop3A_579 : i32 to index
        %parallel_loop3A_585 = arith.index_cast %parallel_loop3A_578 : i32 to index
        %parallel_loop3A_586 = tpu.vector_load %parallel_loop3A_583[%parallel_loop3A_584, %parallel_loop3A_585] {strides = array<i32>} : memref<25x1024xf32, #tpu.memory_space<vmem>>, vector<16xf32>,
        tpu.vector_store %parallel_loop3A_583[%parallel_loop3A_584, %parallel_loop3A_585], %parallel_loop3A_576 {strides = array<i32>} : memref<25x1024xf32, #tpu.memory_space<vmem>>, vector<16xf32>,
        %parallel_loop3A_587 = arith.mulf %parallel_loop3A_575, %parallel_loop3A_410 : vector<16xf32>
        %parallel_loop3A_588 = arith.constant 16 : i32
        %parallel_loop3A_589 = arith.muli %parallel_loop3A_241, %parallel_loop3A_588 : i32
        %parallel_loop3A_590 = arith.constant 11 : i32
        %parallel_loop3A_591 = arith.constant 0 : i32
        %parallel_loop3A_592 = arith.constant 0 : i32
        %parallel_loop3A_593 = tpu.memref_slice %arg5[%parallel_loop3A_156, %parallel_loop3A_591, %parallel_loop3A_592] : memref<2x25x1024xf32, #tpu.memory_space<vmem>> -> memref<1x25x1024xf32, #tpu.memory_space<vmem>>
        %parallel_loop3A_594 = tpu.memref_squeeze %parallel_loop3A_593 : memref<1x25x1024xf32, #tpu.memory_space<vmem>> -> memref<25x1024xf32, #tpu.memory_space<vmem>>
        %parallel_loop3A_595 = arith.index_cast %parallel_loop3A_590 : i32 to index
        %parallel_loop3A_596 = arith.index_cast %parallel_loop3A_589 : i32 to index
        %parallel_loop3A_597 = tpu.vector_load %parallel_loop3A_594[%parallel_loop3A_595, %parallel_loop3A_596] {strides = array<i32>} : memref<25x1024xf32, #tpu.memory_space<vmem>>, vector<16xf32>,
        tpu.vector_store %parallel_loop3A_594[%parallel_loop3A_595, %parallel_loop3A_596], %parallel_loop3A_587 {strides = array<i32>} : memref<25x1024xf32, #tpu.memory_space<vmem>>, vector<16xf32>,
        %parallel_loop3A_598 = arith.mulf %parallel_loop3A_575, %parallel_loop3A_423 : vector<16xf32>
        %parallel_loop3A_599 = arith.constant 16 : i32
        %parallel_loop3A_600 = arith.muli %parallel_loop3A_241, %parallel_loop3A_599 : i32
        %parallel_loop3A_601 = arith.constant 12 : i32
        %parallel_loop3A_602 = arith.constant 0 : i32
        %parallel_loop3A_603 = arith.constant 0 : i32
        %parallel_loop3A_604 = tpu.memref_slice %arg5[%parallel_loop3A_156, %parallel_loop3A_602, %parallel_loop3A_603] : memref<2x25x1024xf32, #tpu.memory_space<vmem>> -> memref<1x25x1024xf32, #tpu.memory_space<vmem>>
        %parallel_loop3A_605 = tpu.memref_squeeze %parallel_loop3A_604 : memref<1x25x1024xf32, #tpu.memory_space<vmem>> -> memref<25x1024xf32, #tpu.memory_space<vmem>>
        %parallel_loop3A_606 = arith.index_cast %parallel_loop3A_601 : i32 to index
        %parallel_loop3A_607 = arith.index_cast %parallel_loop3A_600 : i32 to index
        %parallel_loop3A_608 = tpu.vector_load %parallel_loop3A_605[%parallel_loop3A_606, %parallel_loop3A_607] {strides = array<i32>} : memref<25x1024xf32, #tpu.memory_space<vmem>>, vector<16xf32>,
        tpu.vector_store %parallel_loop3A_605[%parallel_loop3A_606, %parallel_loop3A_607], %parallel_loop3A_598 {strides = array<i32>} : memref<25x1024xf32, #tpu.memory_space<vmem>>, vector<16xf32>,
        %parallel_loop3A_609 = arith.mulf %parallel_loop3A_575, %parallel_loop3A_436 : vector<16xf32>
        %parallel_loop3A_610 = arith.constant 16 : i32
        %parallel_loop3A_611 = arith.muli %parallel_loop3A_241, %parallel_loop3A_610 : i32
        %parallel_loop3A_612 = arith.constant 13 : i32
        %parallel_loop3A_613 = arith.constant 0 : i32
        %parallel_loop3A_614 = arith.constant 0 : i32
        %parallel_loop3A_615 = tpu.memref_slice %arg5[%parallel_loop3A_156, %parallel_loop3A_613, %parallel_loop3A_614] : memref<2x25x1024xf32, #tpu.memory_space<vmem>> -> memref<1x25x1024xf32, #tpu.memory_space<vmem>>
        %parallel_loop3A_616 = tpu.memref_squeeze %parallel_loop3A_615 : memref<1x25x1024xf32, #tpu.memory_space<vmem>> -> memref<25x1024xf32, #tpu.memory_space<vmem>>
        %parallel_loop3A_617 = arith.index_cast %parallel_loop3A_612 : i32 to index
        %parallel_loop3A_618 = arith.index_cast %parallel_loop3A_611 : i32 to index
        %parallel_loop3A_619 = tpu.vector_load %parallel_loop3A_616[%parallel_loop3A_617, %parallel_loop3A_618] {strides = array<i32>} : memref<25x1024xf32, #tpu.memory_space<vmem>>, vector<16xf32>,
        tpu.vector_store %parallel_loop3A_616[%parallel_loop3A_617, %parallel_loop3A_618], %parallel_loop3A_609 {strides = array<i32>} : memref<25x1024xf32, #tpu.memory_space<vmem>>, vector<16xf32>,
        %parallel_loop3A_620 = arith.mulf %parallel_loop3A_575, %parallel_loop3A_449 : vector<16xf32>
        %parallel_loop3A_621 = arith.constant 16 : i32
        %parallel_loop3A_622 = arith.muli %parallel_loop3A_241, %parallel_loop3A_621 : i32
        %parallel_loop3A_623 = arith.constant 14 : i32
        %parallel_loop3A_624 = arith.constant 0 : i32
        %parallel_loop3A_625 = arith.constant 0 : i32
        %parallel_loop3A_626 = tpu.memref_slice %arg5[%parallel_loop3A_156, %parallel_loop3A_624, %parallel_loop3A_625] : memref<2x25x1024xf32, #tpu.memory_space<vmem>> -> memref<1x25x1024xf32, #tpu.memory_space<vmem>>
        %parallel_loop3A_627 = tpu.memref_squeeze %parallel_loop3A_626 : memref<1x25x1024xf32, #tpu.memory_space<vmem>> -> memref<25x1024xf32, #tpu.memory_space<vmem>>
        %parallel_loop3A_628 = arith.index_cast %parallel_loop3A_623 : i32 to index
        %parallel_loop3A_629 = arith.index_cast %parallel_loop3A_622 : i32 to index
        %parallel_loop3A_630 = tpu.vector_load %parallel_loop3A_627[%parallel_loop3A_628, %parallel_loop3A_629] {strides = array<i32>} : memref<25x1024xf32, #tpu.memory_space<vmem>>, vector<16xf32>,
        tpu.vector_store %parallel_loop3A_627[%parallel_loop3A_628, %parallel_loop3A_629], %parallel_loop3A_620 {strides = array<i32>} : memref<25x1024xf32, #tpu.memory_space<vmem>>, vector<16xf32>,
        %parallel_loop3A_631 = arith.mulf %parallel_loop3A_293, %parallel_loop3A_384 : vector<16xf32>
        %parallel_loop3A_632 = arith.mulf %parallel_loop3A_631, %parallel_loop3A_397 : vector<16xf32>
        %parallel_loop3A_633 = arith.constant 16 : i32
        %parallel_loop3A_634 = arith.muli %parallel_loop3A_241, %parallel_loop3A_633 : i32
        %parallel_loop3A_635 = arith.constant 15 : i32
        %parallel_loop3A_636 = arith.constant 0 : i32
        %parallel_loop3A_637 = arith.constant 0 : i32
        %parallel_loop3A_638 = tpu.memref_slice %arg5[%parallel_loop3A_156, %parallel_loop3A_636, %parallel_loop3A_637] : memref<2x25x1024xf32, #tpu.memory_space<vmem>> -> memref<1x25x1024xf32, #tpu.memory_space<vmem>>
        %parallel_loop3A_639 = tpu.memref_squeeze %parallel_loop3A_638 : memref<1x25x1024xf32, #tpu.memory_space<vmem>> -> memref<25x1024xf32, #tpu.memory_space<vmem>>
        %parallel_loop3A_640 = arith.index_cast %parallel_loop3A_635 : i32 to index
        %parallel_loop3A_641 = arith.index_cast %parallel_loop3A_634 : i32 to index
        %parallel_loop3A_642 = tpu.vector_load %parallel_loop3A_639[%parallel_loop3A_640, %parallel_loop3A_641] {strides = array<i32>} : memref<25x1024xf32, #tpu.memory_space<vmem>>, vector<16xf32>,
        tpu.vector_store %parallel_loop3A_639[%parallel_loop3A_640, %parallel_loop3A_641], %parallel_loop3A_632 {strides = array<i32>} : memref<25x1024xf32, #tpu.memory_space<vmem>>, vector<16xf32>,
        %parallel_loop3A_643 = arith.mulf %parallel_loop3A_631, %parallel_loop3A_410 : vector<16xf32>
        %parallel_loop3A_644 = arith.constant 16 : i32
        %parallel_loop3A_645 = arith.muli %parallel_loop3A_241, %parallel_loop3A_644 : i32
        %parallel_loop3A_646 = arith.constant 16 : i32
        %parallel_loop3A_647 = arith.constant 0 : i32
        %parallel_loop3A_648 = arith.constant 0 : i32
        %parallel_loop3A_649 = tpu.memref_slice %arg5[%parallel_loop3A_156, %parallel_loop3A_647, %parallel_loop3A_648] : memref<2x25x1024xf32, #tpu.memory_space<vmem>> -> memref<1x25x1024xf32, #tpu.memory_space<vmem>>
        %parallel_loop3A_650 = tpu.memref_squeeze %parallel_loop3A_649 : memref<1x25x1024xf32, #tpu.memory_space<vmem>> -> memref<25x1024xf32, #tpu.memory_space<vmem>>
        %parallel_loop3A_651 = arith.index_cast %parallel_loop3A_646 : i32 to index
        %parallel_loop3A_652 = arith.index_cast %parallel_loop3A_645 : i32 to index
        %parallel_loop3A_653 = tpu.vector_load %parallel_loop3A_650[%parallel_loop3A_651, %parallel_loop3A_652] {strides = array<i32>} : memref<25x1024xf32, #tpu.memory_space<vmem>>, vector<16xf32>,
        tpu.vector_store %parallel_loop3A_650[%parallel_loop3A_651, %parallel_loop3A_652], %parallel_loop3A_643 {strides = array<i32>} : memref<25x1024xf32, #tpu.memory_space<vmem>>, vector<16xf32>,
        %parallel_loop3A_654 = arith.mulf %parallel_loop3A_631, %parallel_loop3A_423 : vector<16xf32>
        %parallel_loop3A_655 = arith.constant 16 : i32
        %parallel_loop3A_656 = arith.muli %parallel_loop3A_241, %parallel_loop3A_655 : i32
        %parallel_loop3A_657 = arith.constant 17 : i32
        %parallel_loop3A_658 = arith.constant 0 : i32
        %parallel_loop3A_659 = arith.constant 0 : i32
        %parallel_loop3A_660 = tpu.memref_slice %arg5[%parallel_loop3A_156, %parallel_loop3A_658, %parallel_loop3A_659] : memref<2x25x1024xf32, #tpu.memory_space<vmem>> -> memref<1x25x1024xf32, #tpu.memory_space<vmem>>
        %parallel_loop3A_661 = tpu.memref_squeeze %parallel_loop3A_660 : memref<1x25x1024xf32, #tpu.memory_space<vmem>> -> memref<25x1024xf32, #tpu.memory_space<vmem>>
        %parallel_loop3A_662 = arith.index_cast %parallel_loop3A_657 : i32 to index
        %parallel_loop3A_663 = arith.index_cast %parallel_loop3A_656 : i32 to index
        %parallel_loop3A_664 = tpu.vector_load %parallel_loop3A_661[%parallel_loop3A_662, %parallel_loop3A_663] {strides = array<i32>} : memref<25x1024xf32, #tpu.memory_space<vmem>>, vector<16xf32>,
        tpu.vector_store %parallel_loop3A_661[%parallel_loop3A_662, %parallel_loop3A_663], %parallel_loop3A_654 {strides = array<i32>} : memref<25x1024xf32, #tpu.memory_space<vmem>>, vector<16xf32>,
        %parallel_loop3A_665 = arith.mulf %parallel_loop3A_631, %parallel_loop3A_436 : vector<16xf32>
        %parallel_loop3A_666 = arith.constant 16 : i32
        %parallel_loop3A_667 = arith.muli %parallel_loop3A_241, %parallel_loop3A_666 : i32
        %parallel_loop3A_668 = arith.constant 18 : i32
        %parallel_loop3A_669 = arith.constant 0 : i32
        %parallel_loop3A_670 = arith.constant 0 : i32
        %parallel_loop3A_671 = tpu.memref_slice %arg5[%parallel_loop3A_156, %parallel_loop3A_669, %parallel_loop3A_670] : memref<2x25x1024xf32, #tpu.memory_space<vmem>> -> memref<1x25x1024xf32, #tpu.memory_space<vmem>>
        %parallel_loop3A_672 = tpu.memref_squeeze %parallel_loop3A_671 : memref<1x25x1024xf32, #tpu.memory_space<vmem>> -> memref<25x1024xf32, #tpu.memory_space<vmem>>
        %parallel_loop3A_673 = arith.index_cast %parallel_loop3A_668 : i32 to index
        %parallel_loop3A_674 = arith.index_cast %parallel_loop3A_667 : i32 to index
        %parallel_loop3A_675 = tpu.vector_load %parallel_loop3A_672[%parallel_loop3A_673, %parallel_loop3A_674] {strides = array<i32>} : memref<25x1024xf32, #tpu.memory_space<vmem>>, vector<16xf32>,
        tpu.vector_store %parallel_loop3A_672[%parallel_loop3A_673, %parallel_loop3A_674], %parallel_loop3A_665 {strides = array<i32>} : memref<25x1024xf32, #tpu.memory_space<vmem>>, vector<16xf32>,
        %parallel_loop3A_676 = arith.mulf %parallel_loop3A_254, %parallel_loop3A_384 : vector<16xf32>
        %parallel_loop3A_677 = arith.mulf %parallel_loop3A_676, %parallel_loop3A_449 : vector<16xf32>
        %parallel_loop3A_678 = arith.constant 16 : i32
        %parallel_loop3A_679 = arith.muli %parallel_loop3A_241, %parallel_loop3A_678 : i32
        %parallel_loop3A_680 = arith.constant 19 : i32
        %parallel_loop3A_681 = arith.constant 0 : i32
        %parallel_loop3A_682 = arith.constant 0 : i32
        %parallel_loop3A_683 = tpu.memref_slice %arg5[%parallel_loop3A_156, %parallel_loop3A_681, %parallel_loop3A_682] : memref<2x25x1024xf32, #tpu.memory_space<vmem>> -> memref<1x25x1024xf32, #tpu.memory_space<vmem>>
        %parallel_loop3A_684 = tpu.memref_squeeze %parallel_loop3A_683 : memref<1x25x1024xf32, #tpu.memory_space<vmem>> -> memref<25x1024xf32, #tpu.memory_space<vmem>>
        %parallel_loop3A_685 = arith.index_cast %parallel_loop3A_680 : i32 to index
        %parallel_loop3A_686 = arith.index_cast %parallel_loop3A_679 : i32 to index
        %parallel_loop3A_687 = tpu.vector_load %parallel_loop3A_684[%parallel_loop3A_685, %parallel_loop3A_686] {strides = array<i32>} : memref<25x1024xf32, #tpu.memory_space<vmem>>, vector<16xf32>,
        tpu.vector_store %parallel_loop3A_684[%parallel_loop3A_685, %parallel_loop3A_686], %parallel_loop3A_677 {strides = array<i32>} : memref<25x1024xf32, #tpu.memory_space<vmem>>, vector<16xf32>,
        %parallel_loop3A_688 = arith.mulf %parallel_loop3A_306, %parallel_loop3A_462 : vector<16xf32>
        %parallel_loop3A_689 = arith.mulf %parallel_loop3A_688, %parallel_loop3A_319 : vector<16xf32>
        %parallel_loop3A_690 = arith.constant 16 : i32
        %parallel_loop3A_691 = arith.muli %parallel_loop3A_241, %parallel_loop3A_690 : i32
        %parallel_loop3A_692 = arith.constant 20 : i32
        %parallel_loop3A_693 = arith.constant 0 : i32
        %parallel_loop3A_694 = arith.constant 0 : i32
        %parallel_loop3A_695 = tpu.memref_slice %arg5[%parallel_loop3A_156, %parallel_loop3A_693, %parallel_loop3A_694] : memref<2x25x1024xf32, #tpu.memory_space<vmem>> -> memref<1x25x1024xf32, #tpu.memory_space<vmem>>
        %parallel_loop3A_696 = tpu.memref_squeeze %parallel_loop3A_695 : memref<1x25x1024xf32, #tpu.memory_space<vmem>> -> memref<25x1024xf32, #tpu.memory_space<vmem>>
        %parallel_loop3A_697 = arith.index_cast %parallel_loop3A_692 : i32 to index
        %parallel_loop3A_698 = arith.index_cast %parallel_loop3A_691 : i32 to index
        %parallel_loop3A_699 = tpu.vector_load %parallel_loop3A_696[%parallel_loop3A_697, %parallel_loop3A_698] {strides = array<i32>} : memref<25x1024xf32, #tpu.memory_space<vmem>>, vector<16xf32>,
        tpu.vector_store %parallel_loop3A_696[%parallel_loop3A_697, %parallel_loop3A_698], %parallel_loop3A_689 {strides = array<i32>} : memref<25x1024xf32, #tpu.memory_space<vmem>>, vector<16xf32>,
        %parallel_loop3A_700 = arith.mulf %parallel_loop3A_688, %parallel_loop3A_332 : vector<16xf32>
        %parallel_loop3A_701 = arith.constant 16 : i32
        %parallel_loop3A_702 = arith.muli %parallel_loop3A_241, %parallel_loop3A_701 : i32
        %parallel_loop3A_703 = arith.constant 21 : i32
        %parallel_loop3A_704 = arith.constant 0 : i32
        %parallel_loop3A_705 = arith.constant 0 : i32
        %parallel_loop3A_706 = tpu.memref_slice %arg5[%parallel_loop3A_156, %parallel_loop3A_704, %parallel_loop3A_705] : memref<2x25x1024xf32, #tpu.memory_space<vmem>> -> memref<1x25x1024xf32, #tpu.memory_space<vmem>>
        %parallel_loop3A_707 = tpu.memref_squeeze %parallel_loop3A_706 : memref<1x25x1024xf32, #tpu.memory_space<vmem>> -> memref<25x1024xf32, #tpu.memory_space<vmem>>
        %parallel_loop3A_708 = arith.index_cast %parallel_loop3A_703 : i32 to index
        %parallel_loop3A_709 = arith.index_cast %parallel_loop3A_702 : i32 to index
        %parallel_loop3A_710 = tpu.vector_load %parallel_loop3A_707[%parallel_loop3A_708, %parallel_loop3A_709] {strides = array<i32>} : memref<25x1024xf32, #tpu.memory_space<vmem>>, vector<16xf32>,
        tpu.vector_store %parallel_loop3A_707[%parallel_loop3A_708, %parallel_loop3A_709], %parallel_loop3A_700 {strides = array<i32>} : memref<25x1024xf32, #tpu.memory_space<vmem>>, vector<16xf32>,
        %parallel_loop3A_711 = arith.mulf %parallel_loop3A_688, %parallel_loop3A_345 : vector<16xf32>
        %parallel_loop3A_712 = arith.constant 16 : i32
        %parallel_loop3A_713 = arith.muli %parallel_loop3A_241, %parallel_loop3A_712 : i32
        %parallel_loop3A_714 = arith.constant 22 : i32
        %parallel_loop3A_715 = arith.constant 0 : i32
        %parallel_loop3A_716 = arith.constant 0 : i32
        %parallel_loop3A_717 = tpu.memref_slice %arg5[%parallel_loop3A_156, %parallel_loop3A_715, %parallel_loop3A_716] : memref<2x25x1024xf32, #tpu.memory_space<vmem>> -> memref<1x25x1024xf32, #tpu.memory_space<vmem>>
        %parallel_loop3A_718 = tpu.memref_squeeze %parallel_loop3A_717 : memref<1x25x1024xf32, #tpu.memory_space<vmem>> -> memref<25x1024xf32, #tpu.memory_space<vmem>>
        %parallel_loop3A_719 = arith.index_cast %parallel_loop3A_714 : i32 to index
        %parallel_loop3A_720 = arith.index_cast %parallel_loop3A_713 : i32 to index
        %parallel_loop3A_721 = tpu.vector_load %parallel_loop3A_718[%parallel_loop3A_719, %parallel_loop3A_720] {strides = array<i32>} : memref<25x1024xf32, #tpu.memory_space<vmem>>, vector<16xf32>,
        tpu.vector_store %parallel_loop3A_718[%parallel_loop3A_719, %parallel_loop3A_720], %parallel_loop3A_711 {strides = array<i32>} : memref<25x1024xf32, #tpu.memory_space<vmem>>, vector<16xf32>,
        %parallel_loop3A_722 = arith.mulf %parallel_loop3A_688, %parallel_loop3A_358 : vector<16xf32>
        %parallel_loop3A_723 = arith.constant 16 : i32
        %parallel_loop3A_724 = arith.muli %parallel_loop3A_241, %parallel_loop3A_723 : i32
        %parallel_loop3A_725 = arith.constant 23 : i32
        %parallel_loop3A_726 = arith.constant 0 : i32
        %parallel_loop3A_727 = arith.constant 0 : i32
        %parallel_loop3A_728 = tpu.memref_slice %arg5[%parallel_loop3A_156, %parallel_loop3A_726, %parallel_loop3A_727] : memref<2x25x1024xf32, #tpu.memory_space<vmem>> -> memref<1x25x1024xf32, #tpu.memory_space<vmem>>
        %parallel_loop3A_729 = tpu.memref_squeeze %parallel_loop3A_728 : memref<1x25x1024xf32, #tpu.memory_space<vmem>> -> memref<25x1024xf32, #tpu.memory_space<vmem>>
        %parallel_loop3A_730 = arith.index_cast %parallel_loop3A_725 : i32 to index
        %parallel_loop3A_731 = arith.index_cast %parallel_loop3A_724 : i32 to index
        %parallel_loop3A_732 = tpu.vector_load %parallel_loop3A_729[%parallel_loop3A_730, %parallel_loop3A_731] {strides = array<i32>} : memref<25x1024xf32, #tpu.memory_space<vmem>>, vector<16xf32>,
        tpu.vector_store %parallel_loop3A_729[%parallel_loop3A_730, %parallel_loop3A_731], %parallel_loop3A_722 {strides = array<i32>} : memref<25x1024xf32, #tpu.memory_space<vmem>>, vector<16xf32>,
        %parallel_loop3A_733 = arith.mulf %parallel_loop3A_688, %parallel_loop3A_371 : vector<16xf32>
        %parallel_loop3A_734 = arith.constant 16 : i32
        %parallel_loop3A_735 = arith.muli %parallel_loop3A_241, %parallel_loop3A_734 : i32
        %parallel_loop3A_736 = arith.constant 24 : i32
        %parallel_loop3A_737 = arith.constant 0 : i32
        %parallel_loop3A_738 = arith.constant 0 : i32
        %parallel_loop3A_739 = tpu.memref_slice %arg5[%parallel_loop3A_156, %parallel_loop3A_737, %parallel_loop3A_738] : memref<2x25x1024xf32, #tpu.memory_space<vmem>> -> memref<1x25x1024xf32, #tpu.memory_space<vmem>>
        %parallel_loop3A_740 = tpu.memref_squeeze %parallel_loop3A_739 : memref<1x25x1024xf32, #tpu.memory_space<vmem>> -> memref<25x1024xf32, #tpu.memory_space<vmem>>
        %parallel_loop3A_741 = arith.index_cast %parallel_loop3A_736 : i32 to index
        %parallel_loop3A_742 = arith.index_cast %parallel_loop3A_735 : i32 to index
        %parallel_loop3A_743 = tpu.vector_load %parallel_loop3A_740[%parallel_loop3A_741, %parallel_loop3A_742] {strides = array<i32>} : memref<25x1024xf32, #tpu.memory_space<vmem>>, vector<16xf32>,
        tpu.vector_store %parallel_loop3A_740[%parallel_loop3A_741, %parallel_loop3A_742], %parallel_loop3A_733 {strides = array<i32>} : memref<25x1024xf32, #tpu.memory_space<vmem>>, vector<16xf32>,
      } {sc.loop_unroll_factor = 4 : i64, sc.parallel_access}
      %add3A_157 = arith.addi %mul3A_2, %mul3A_76 : i32
      %dma_start3A_158 = arith.constant 0 : i32
      %dma_start3A_159 = arith.constant 0 : i32
      %dma_start3A_160 = arith.constant 0 : i32
      %dma_start3A_161 = tpu.memref_slice %arg5[%dma_start3A_158, %dma_start3A_159, %dma_start3A_160] : memref<2x25x1024xf32, #tpu.memory_space<vmem>> -> memref<1x25x1024xf32, #tpu.memory_space<vmem>>
      %dma_start3A_162 = tpu.memref_squeeze %dma_start3A_161 : memref<1x25x1024xf32, #tpu.memory_space<vmem>> -> memref<25x1024xf32, #tpu.memory_space<vmem>>
      %dma_start3A_163 = arith.constant 0 : i32
      %dma_start3A_164 = tpu.memref_slice %arg3[%dma_start3A_163, %add3A_157] : memref<25x1048576xf32, #tpu.memory_space<hbm>> -> memref<25x1024xf32, #tpu.memory_space<hbm>>
      %dma_start3A_165 = arith.constant 0 : i32
      %dma_start3A_166 = tpu.memref_slice %arg3[%dma_start3A_165, %add3A_157] : memref<25x1048576xf32, #tpu.memory_space<hbm>> -> memref<25x1024xf32, #tpu.memory_space<hbm>>
      %dma_start3A_167 = arith.constant 0 : i32
      %dma_start3A_168 = arith.constant 0 : i32
      %dma_start3A_169 = tpu.memref_slice %arg5[%dma_start3A_158, %dma_start3A_167, %dma_start3A_168] : memref<2x25x1024xf32, #tpu.memory_space<vmem>> -> memref<1x25x1024xf32, #tpu.memory_space<vmem>>
      %dma_start3A_170 = tpu.memref_squeeze %dma_start3A_169 : memref<1x25x1024xf32, #tpu.memory_space<vmem>> -> memref<25x1024xf32, #tpu.memory_space<vmem>>
      tpu.enqueue_dma source(%dma_start3A_170 : memref<25x1024xf32, #tpu.memory_space<vmem>>) target(%dma_start3A_166 : memref<25x1024xf32, #tpu.memory_space<hbm>>) target_semaphore(%arg8 : memref<!tpu.dma_semaphore, #tpu.memory_space<semaphore_mem>>)
      %add3A_171 = arith.constant 1 : i32
      %add3A_172 = arith.addi %scan3A_74, %add3A_171 : i32
      %lt3A = arith.constant 16 : i32
      %lt3A_173 = arith.cmpi slt, %add3A_172, %lt3A : i32
      %convert_element_type3A_174 = arith.extui %lt3A_173 : i1 to i32
      %cond3A_175 = arith.constant 0 : i32
      %cond3A_176 = arith.cmpi ne, %convert_element_type3A_174, %cond3A_175 : i32
      scf.if %cond3A_176 {
        %add3A_241 = arith.constant 2048 : i32
        %add3A_242 = arith.addi %mul3A_76, %add3A_241 : i32
        %add3A_243 = arith.addi %mul3A_2, %add3A_242 : i32
        %add3A_244 = arith.addi %mul3A_2, %add3A_242 : i32
        %dma_start3A_245 = arith.constant 0 : i32
        %dma_start3A_246 = arith.constant 0 : i32
        %dma_start3A_247 = arith.constant 0 : i32
        %dma_start3A_248 = arith.constant 0 : i32
        %dma_start3A_249 = tpu.memref_slice %arg4[%dma_start3A_245, %dma_start3A_246, %dma_start3A_247, %dma_start3A_248] : memref<2x3x6x1024xf32, #tpu.memory_space<vmem>> -> memref<1x1x5x1024xf32, #tpu.memory_space<vmem>>
        %dma_start3A_250 = tpu.memref_squeeze %dma_start3A_249 : memref<1x1x5x1024xf32, #tpu.memory_space<vmem>> -> memref<1x5x1024xf32, #tpu.memory_space<vmem>>
        %dma_start3A_251 = arith.constant 0 : i32
        %dma_start3A_252 = arith.constant 0 : i32
        %dma_start3A_253 = tpu.memref_slice %arg2[%dma_start3A_251, %dma_start3A_252, %add3A_243] : memref<3x6x1048576xf32, #tpu.memory_space<hbm>> -> memref<1x5x1024xf32, #tpu.memory_space<hbm>>
        %dma_start3A_254 = arith.constant 0 : i32
        %dma_start3A_255 = arith.constant 0 : i32
        %dma_start3A_256 = arith.constant 0 : i32
        %dma_start3A_257 = tpu.memref_slice %arg4[%dma_start3A_245, %dma_start3A_254, %dma_start3A_255, %dma_start3A_256] : memref<2x3x6x1024xf32, #tpu.memory_space<vmem>> -> memref<1x1x5x1024xf32, #tpu.memory_space<vmem>>
        %dma_start3A_258 = tpu.memref_squeeze %dma_start3A_257 : memref<1x1x5x1024xf32, #tpu.memory_space<vmem>> -> memref<1x5x1024xf32, #tpu.memory_space<vmem>>
        %dma_start3A_259 = arith.constant 0 : i32
        %dma_start3A_260 = arith.constant 0 : i32
        %dma_start3A_261 = tpu.memref_slice %arg2[%dma_start3A_259, %dma_start3A_260, %add3A_243] : memref<3x6x1048576xf32, #tpu.memory_space<hbm>> -> memref<1x5x1024xf32, #tpu.memory_space<hbm>>
        tpu.enqueue_dma source(%dma_start3A_261 : memref<1x5x1024xf32, #tpu.memory_space<hbm>>) target(%dma_start3A_258 : memref<1x5x1024xf32, #tpu.memory_space<vmem>>) target_semaphore(%arg6 : memref<!tpu.dma_semaphore, #tpu.memory_space<semaphore_mem>>)
        %dma_start3A_262 = arith.constant 0 : i32
        %dma_start3A_263 = arith.constant 1 : i32
        %dma_start3A_264 = arith.constant 0 : i32
        %dma_start3A_265 = arith.constant 0 : i32
        %dma_start3A_266 = tpu.memref_slice %arg4[%dma_start3A_262, %dma_start3A_263, %dma_start3A_264, %dma_start3A_265] : memref<2x3x6x1024xf32, #tpu.memory_space<vmem>> -> memref<1x2x6x1024xf32, #tpu.memory_space<vmem>>
        %dma_start3A_267 = tpu.memref_squeeze %dma_start3A_266 : memref<1x2x6x1024xf32, #tpu.memory_space<vmem>> -> memref<2x6x1024xf32, #tpu.memory_space<vmem>>
        %dma_start3A_268 = arith.constant 1 : i32
        %dma_start3A_269 = arith.constant 0 : i32
        %dma_start3A_270 = tpu.memref_slice %arg2[%dma_start3A_268, %dma_start3A_269, %add3A_244] : memref<3x6x1048576xf32, #tpu.memory_space<hbm>> -> memref<2x6x1024xf32, #tpu.memory_space<hbm>>
        %dma_start3A_271 = arith.constant 1 : i32
        %dma_start3A_272 = arith.constant 0 : i32
        %dma_start3A_273 = arith.constant 0 : i32
        %dma_start3A_274 = tpu.memref_slice %arg4[%dma_start3A_262, %dma_start3A_271, %dma_start3A_272, %dma_start3A_273] : memref<2x3x6x1024xf32, #tpu.memory_space<vmem>> -> memref<1x2x6x1024xf32, #tpu.memory_space<vmem>>
        %dma_start3A_275 = tpu.memref_squeeze %dma_start3A_274 : memref<1x2x6x1024xf32, #tpu.memory_space<vmem>> -> memref<2x6x1024xf32, #tpu.memory_space<vmem>>
        %dma_start3A_276 = arith.constant 1 : i32
        %dma_start3A_277 = arith.constant 0 : i32
        %dma_start3A_278 = tpu.memref_slice %arg2[%dma_start3A_276, %dma_start3A_277, %add3A_244] : memref<3x6x1048576xf32, #tpu.memory_space<hbm>> -> memref<2x6x1024xf32, #tpu.memory_space<hbm>>
        tpu.enqueue_dma source(%dma_start3A_278 : memref<2x6x1024xf32, #tpu.memory_space<hbm>>) target(%dma_start3A_275 : memref<2x6x1024xf32, #tpu.memory_space<vmem>>) target_semaphore(%arg6 : memref<!tpu.dma_semaphore, #tpu.memory_space<semaphore_mem>>)
      } else {
      }
      %add3A_177 = arith.constant 1024 : i32
      %add3A_178 = arith.addi %mul3A_76, %add3A_177 : i32
      %add3A_179 = arith.addi %mul3A_2, %add3A_178 : i32
      %add3A_180 = arith.addi %mul3A_2, %add3A_178 : i32
      %dma_wait3A_181 = arith.constant 1 : i32
      %dma_wait3A_182 = arith.constant 0 : i32
      %dma_wait3A_183 = arith.constant 0 : i32
      %dma_wait3A_184 = arith.constant 0 : i32
      %dma_wait3A_185 = tpu.memref_slice %arg4[%dma_wait3A_181, %dma_wait3A_182, %dma_wait3A_183, %dma_wait3A_184] : memref<2x3x6x1024xf32, #tpu.memory_space<vmem>> -> memref<1x1x5x1024xf32, #tpu.memory_space<vmem>>
      %dma_wait3A_186 = tpu.memref_squeeze %dma_wait3A_185 : memref<1x1x5x1024xf32, #tpu.memory_space<vmem>> -> memref<1x5x1024xf32, #tpu.memory_space<vmem>>
      %dma_wait3A_187 = arith.constant 0 : i32
      %dma_wait3A_188 = arith.constant 0 : i32
      %dma_wait3A_189 = tpu.memref_slice %arg2[%dma_wait3A_187, %dma_wait3A_188, %add3A_179] : memref<3x6x1048576xf32, #tpu.memory_space<hbm>> -> memref<1x5x1024xf32, #tpu.memory_space<hbm>>
      %dma_wait3A_190 = arith.constant 0 : i32
      %dma_wait3A_191 = arith.constant 0 : i32
      %dma_wait3A_192 = arith.constant 0 : i32
      %dma_wait3A_193 = tpu.memref_slice %arg4[%dma_wait3A_181, %dma_wait3A_190, %dma_wait3A_191, %dma_wait3A_192] : memref<2x3x6x1024xf32, #tpu.memory_space<vmem>> -> memref<1x1x5x1024xf32, #tpu.memory_space<vmem>>
      %dma_wait3A_194 = tpu.memref_squeeze %dma_wait3A_193 : memref<1x1x5x1024xf32, #tpu.memory_space<vmem>> -> memref<1x5x1024xf32, #tpu.memory_space<vmem>>
      %dma_wait3A_195 = arith.constant 0 : i32
      %dma_wait3A_196 = arith.constant 0 : i32
      %dma_wait3A_197 = tpu.memref_slice %arg2[%dma_wait3A_195, %dma_wait3A_196, %add3A_179] : memref<3x6x1048576xf32, #tpu.memory_space<hbm>> -> memref<1x5x1024xf32, #tpu.memory_space<hbm>>
      tpu.wait_dma2 semaphore(%arg7 : memref<!tpu.dma_semaphore, #tpu.memory_space<semaphore_mem>>) src(%dma_wait3A_197 : memref<1x5x1024xf32, #tpu.memory_space<hbm>>) dst(%dma_wait3A_194 : memref<1x5x1024xf32, #tpu.memory_space<vmem>>)
      %dma_wait3A_198 = arith.constant 1 : i32
      %dma_wait3A_199 = arith.constant 1 : i32
      %dma_wait3A_200 = arith.constant 0 : i32
      %dma_wait3A_201 = arith.constant 0 : i32
      %dma_wait3A_202 = tpu.memref_slice %arg4[%dma_wait3A_198, %dma_wait3A_199, %dma_wait3A_200, %dma_wait3A_201] : memref<2x3x6x1024xf32, #tpu.memory_space<vmem>> -> memref<1x2x6x1024xf32, #tpu.memory_space<vmem>>
      %dma_wait3A_203 = tpu.memref_squeeze %dma_wait3A_202 : memref<1x2x6x1024xf32, #tpu.memory_space<vmem>> -> memref<2x6x1024xf32, #tpu.memory_space<vmem>>
      %dma_wait3A_204 = arith.constant 1 : i32
      %dma_wait3A_205 = arith.constant 0 : i32
      %dma_wait3A_206 = tpu.memref_slice %arg2[%dma_wait3A_204, %dma_wait3A_205, %add3A_180] : memref<3x6x1048576xf32, #tpu.memory_space<hbm>> -> memref<2x6x1024xf32, #tpu.memory_space<hbm>>
      %dma_wait3A_207 = arith.constant 1 : i32
      %dma_wait3A_208 = arith.constant 0 : i32
      %dma_wait3A_209 = arith.constant 0 : i32
      %dma_wait3A_210 = tpu.memref_slice %arg4[%dma_wait3A_198, %dma_wait3A_207, %dma_wait3A_208, %dma_wait3A_209] : memref<2x3x6x1024xf32, #tpu.memory_space<vmem>> -> memref<1x2x6x1024xf32, #tpu.memory_space<vmem>>
      %dma_wait3A_211 = tpu.memref_squeeze %dma_wait3A_210 : memref<1x2x6x1024xf32, #tpu.memory_space<vmem>> -> memref<2x6x1024xf32, #tpu.memory_space<vmem>>
      %dma_wait3A_212 = arith.constant 1 : i32
      %dma_wait3A_213 = arith.constant 0 : i32
      %dma_wait3A_214 = tpu.memref_slice %arg2[%dma_wait3A_212, %dma_wait3A_213, %add3A_180] : memref<3x6x1048576xf32, #tpu.memory_space<hbm>> -> memref<2x6x1024xf32, #tpu.memory_space<hbm>>
      tpu.wait_dma2 semaphore(%arg7 : memref<!tpu.dma_semaphore, #tpu.memory_space<semaphore_mem>>) src(%dma_wait3A_214 : memref<2x6x1024xf32, #tpu.memory_space<hbm>>) dst(%dma_wait3A_211 : memref<2x6x1024xf32, #tpu.memory_space<vmem>>)
      %gt3A_215 = arith.constant 0 : i32
      %gt3A_216 = arith.cmpi sgt, %scan3A_74, %gt3A_215 : i32
      %convert_element_type3A_217 = arith.extui %gt3A_216 : i1 to i32
      %cond3A_218 = arith.constant 0 : i32
      %cond3A_219 = arith.cmpi ne, %convert_element_type3A_217, %cond3A_218 : i32
      scf.if %cond3A_219 {
        %sub3A = arith.constant 1024 : i32
        %sub3A_241 = arith.subi %mul3A_76, %sub3A : i32
        %add3A_242 = arith.addi %mul3A_2, %sub3A_241 : i32
        %dma_wait3A_243 = arith.constant 1 : i32
        %dma_wait3A_244 = arith.constant 0 : i32
        %dma_wait3A_245 = arith.constant 0 : i32
        %dma_wait3A_246 = tpu.memref_slice %arg5[%dma_wait3A_243, %dma_wait3A_244, %dma_wait3A_245] : memref<2x25x1024xf32, #tpu.memory_space<vmem>> -> memref<1x25x1024xf32, #tpu.memory_space<vmem>>
        %dma_wait3A_247 = tpu.memref_squeeze %dma_wait3A_246 : memref<1x25x1024xf32, #tpu.memory_space<vmem>> -> memref<25x1024xf32, #tpu.memory_space<vmem>>
        %dma_wait3A_248 = arith.constant 0 : i32
        %dma_wait3A_249 = tpu.memref_slice %arg3[%dma_wait3A_248, %add3A_242] : memref<25x1048576xf32, #tpu.memory_space<hbm>> -> memref<25x1024xf32, #tpu.memory_space<hbm>>
        %dma_wait3A_250 = arith.constant 0 : i32
        %dma_wait3A_251 = tpu.memref_slice %arg3[%dma_wait3A_250, %add3A_242] : memref<25x1048576xf32, #tpu.memory_space<hbm>> -> memref<25x1024xf32, #tpu.memory_space<hbm>>
        %dma_wait3A_252 = arith.constant 0 : i32
        %dma_wait3A_253 = arith.constant 0 : i32
        %dma_wait3A_254 = tpu.memref_slice %arg5[%dma_wait3A_243, %dma_wait3A_252, %dma_wait3A_253] : memref<2x25x1024xf32, #tpu.memory_space<vmem>> -> memref<1x25x1024xf32, #tpu.memory_space<vmem>>
        %dma_wait3A_255 = tpu.memref_squeeze %dma_wait3A_254 : memref<1x25x1024xf32, #tpu.memory_space<vmem>> -> memref<25x1024xf32, #tpu.memory_space<vmem>>
        tpu.wait_dma2 semaphore(%arg9 : memref<!tpu.dma_semaphore, #tpu.memory_space<semaphore_mem>>) src(%dma_wait3A_255 : memref<25x1024xf32, #tpu.memory_space<vmem>>) dst(%dma_wait3A_251 : memref<25x1024xf32, #tpu.memory_space<hbm>>)
      } else {
      }
      %parallel_loop3A_220 = arith.constant 0 : i32
      %parallel_loop3A_221 = arith.constant 64 : i32
      %parallel_loop3A_222 = arith.constant 1 : i32
      %parallel_loop3A_223 = arith.constant 1 : i32
      %parallel_loop3A_224 = arith.constant 1 : i32
      scf.for %parallel_loop3A_241 = %parallel_loop3A_220 to %parallel_loop3A_221 step %parallel_loop3A_222  : i32 {
        %parallel_loop3A_242 = arith.constant 16 : i32
        %parallel_loop3A_243 = arith.muli %parallel_loop3A_241, %parallel_loop3A_242 : i32
        %parallel_loop3A_244 = arith.constant 0 : i32
        %parallel_loop3A_245 = arith.constant 0 : i32
        %parallel_loop3A_246 = arith.constant 0 : i32
        %parallel_loop3A_247 = arith.constant 0 : i32
        %parallel_loop3A_248 = arith.constant 0 : i32
        %parallel_loop3A_249 = tpu.memref_slice %arg4[%parallel_loop3A_223, %parallel_loop3A_246, %parallel_loop3A_247, %parallel_loop3A_248] : memref<2x3x6x1024xf32, #tpu.memory_space<vmem>> -> memref<1x3x6x1024xf32, #tpu.memory_space<vmem>>
        %parallel_loop3A_250 = tpu.memref_squeeze %parallel_loop3A_249 : memref<1x3x6x1024xf32, #tpu.memory_space<vmem>> -> memref<3x6x1024xf32, #tpu.memory_space<vmem>>
        %parallel_loop3A_251 = arith.index_cast %parallel_loop3A_244 : i32 to index
        %parallel_loop3A_252 = arith.index_cast %parallel_loop3A_245 : i32 to index
        %parallel_loop3A_253 = arith.index_cast %parallel_loop3A_243 : i32 to index
        %parallel_loop3A_254 = tpu.vector_load %parallel_loop3A_250[%parallel_loop3A_251, %parallel_loop3A_252, %parallel_loop3A_253] {strides = array<i32>} : memref<3x6x1024xf32, #tpu.memory_space<vmem>>, vector<16xf32>,
        %parallel_loop3A_255 = arith.constant 16 : i32
        %parallel_loop3A_256 = arith.muli %parallel_loop3A_241, %parallel_loop3A_255 : i32
        %parallel_loop3A_257 = arith.constant 0 : i32
        %parallel_loop3A_258 = arith.constant 1 : i32
        %parallel_loop3A_259 = arith.constant 0 : i32
        %parallel_loop3A_260 = arith.constant 0 : i32
        %parallel_loop3A_261 = arith.constant 0 : i32
        %parallel_loop3A_262 = tpu.memref_slice %arg4[%parallel_loop3A_223, %parallel_loop3A_259, %parallel_loop3A_260, %parallel_loop3A_261] : memref<2x3x6x1024xf32, #tpu.memory_space<vmem>> -> memref<1x3x6x1024xf32, #tpu.memory_space<vmem>>
        %parallel_loop3A_263 = tpu.memref_squeeze %parallel_loop3A_262 : memref<1x3x6x1024xf32, #tpu.memory_space<vmem>> -> memref<3x6x1024xf32, #tpu.memory_space<vmem>>
        %parallel_loop3A_264 = arith.index_cast %parallel_loop3A_257 : i32 to index
        %parallel_loop3A_265 = arith.index_cast %parallel_loop3A_258 : i32 to index
        %parallel_loop3A_266 = arith.index_cast %parallel_loop3A_256 : i32 to index
        %parallel_loop3A_267 = tpu.vector_load %parallel_loop3A_263[%parallel_loop3A_264, %parallel_loop3A_265, %parallel_loop3A_266] {strides = array<i32>} : memref<3x6x1024xf32, #tpu.memory_space<vmem>>, vector<16xf32>,
        %parallel_loop3A_268 = arith.constant 16 : i32
        %parallel_loop3A_269 = arith.muli %parallel_loop3A_241, %parallel_loop3A_268 : i32
        %parallel_loop3A_270 = arith.constant 0 : i32
        %parallel_loop3A_271 = arith.constant 2 : i32
        %parallel_loop3A_272 = arith.constant 0 : i32
        %parallel_loop3A_273 = arith.constant 0 : i32
        %parallel_loop3A_274 = arith.constant 0 : i32
        %parallel_loop3A_275 = tpu.memref_slice %arg4[%parallel_loop3A_223, %parallel_loop3A_272, %parallel_loop3A_273, %parallel_loop3A_274] : memref<2x3x6x1024xf32, #tpu.memory_space<vmem>> -> memref<1x3x6x1024xf32, #tpu.memory_space<vmem>>
        %parallel_loop3A_276 = tpu.memref_squeeze %parallel_loop3A_275 : memref<1x3x6x1024xf32, #tpu.memory_space<vmem>> -> memref<3x6x1024xf32, #tpu.memory_space<vmem>>
        %parallel_loop3A_277 = arith.index_cast %parallel_loop3A_270 : i32 to index
        %parallel_loop3A_278 = arith.index_cast %parallel_loop3A_271 : i32 to index
        %parallel_loop3A_279 = arith.index_cast %parallel_loop3A_269 : i32 to index
        %parallel_loop3A_280 = tpu.vector_load %parallel_loop3A_276[%parallel_loop3A_277, %parallel_loop3A_278, %parallel_loop3A_279] {strides = array<i32>} : memref<3x6x1024xf32, #tpu.memory_space<vmem>>, vector<16xf32>,
        %parallel_loop3A_281 = arith.constant 16 : i32
        %parallel_loop3A_282 = arith.muli %parallel_loop3A_241, %parallel_loop3A_281 : i32
        %parallel_loop3A_283 = arith.constant 0 : i32
        %parallel_loop3A_284 = arith.constant 3 : i32
        %parallel_loop3A_285 = arith.constant 0 : i32
        %parallel_loop3A_286 = arith.constant 0 : i32
        %parallel_loop3A_287 = arith.constant 0 : i32
        %parallel_loop3A_288 = tpu.memref_slice %arg4[%parallel_loop3A_223, %parallel_loop3A_285, %parallel_loop3A_286, %parallel_loop3A_287] : memref<2x3x6x1024xf32, #tpu.memory_space<vmem>> -> memref<1x3x6x1024xf32, #tpu.memory_space<vmem>>
        %parallel_loop3A_289 = tpu.memref_squeeze %parallel_loop3A_288 : memref<1x3x6x1024xf32, #tpu.memory_space<vmem>> -> memref<3x6x1024xf32, #tpu.memory_space<vmem>>
        %parallel_loop3A_290 = arith.index_cast %parallel_loop3A_283 : i32 to index
        %parallel_loop3A_291 = arith.index_cast %parallel_loop3A_284 : i32 to index
        %parallel_loop3A_292 = arith.index_cast %parallel_loop3A_282 : i32 to index
        %parallel_loop3A_293 = tpu.vector_load %parallel_loop3A_289[%parallel_loop3A_290, %parallel_loop3A_291, %parallel_loop3A_292] {strides = array<i32>} : memref<3x6x1024xf32, #tpu.memory_space<vmem>>, vector<16xf32>,
        %parallel_loop3A_294 = arith.constant 16 : i32
        %parallel_loop3A_295 = arith.muli %parallel_loop3A_241, %parallel_loop3A_294 : i32
        %parallel_loop3A_296 = arith.constant 0 : i32
        %parallel_loop3A_297 = arith.constant 4 : i32
        %parallel_loop3A_298 = arith.constant 0 : i32
        %parallel_loop3A_299 = arith.constant 0 : i32
        %parallel_loop3A_300 = arith.constant 0 : i32
        %parallel_loop3A_301 = tpu.memref_slice %arg4[%parallel_loop3A_223, %parallel_loop3A_298, %parallel_loop3A_299, %parallel_loop3A_300] : memref<2x3x6x1024xf32, #tpu.memory_space<vmem>> -> memref<1x3x6x1024xf32, #tpu.memory_space<vmem>>
        %parallel_loop3A_302 = tpu.memref_squeeze %parallel_loop3A_301 : memref<1x3x6x1024xf32, #tpu.memory_space<vmem>> -> memref<3x6x1024xf32, #tpu.memory_space<vmem>>
        %parallel_loop3A_303 = arith.index_cast %parallel_loop3A_296 : i32 to index
        %parallel_loop3A_304 = arith.index_cast %parallel_loop3A_297 : i32 to index
        %parallel_loop3A_305 = arith.index_cast %parallel_loop3A_295 : i32 to index
        %parallel_loop3A_306 = tpu.vector_load %parallel_loop3A_302[%parallel_loop3A_303, %parallel_loop3A_304, %parallel_loop3A_305] {strides = array<i32>} : memref<3x6x1024xf32, #tpu.memory_space<vmem>>, vector<16xf32>,
        %parallel_loop3A_307 = arith.constant 16 : i32
        %parallel_loop3A_308 = arith.muli %parallel_loop3A_241, %parallel_loop3A_307 : i32
        %parallel_loop3A_309 = arith.constant 1 : i32
        %parallel_loop3A_310 = arith.constant 0 : i32
        %parallel_loop3A_311 = arith.constant 0 : i32
        %parallel_loop3A_312 = arith.constant 0 : i32
        %parallel_loop3A_313 = arith.constant 0 : i32
        %parallel_loop3A_314 = tpu.memref_slice %arg4[%parallel_loop3A_223, %parallel_loop3A_311, %parallel_loop3A_312, %parallel_loop3A_313] : memref<2x3x6x1024xf32, #tpu.memory_space<vmem>> -> memref<1x3x6x1024xf32, #tpu.memory_space<vmem>>
        %parallel_loop3A_315 = tpu.memref_squeeze %parallel_loop3A_314 : memref<1x3x6x1024xf32, #tpu.memory_space<vmem>> -> memref<3x6x1024xf32, #tpu.memory_space<vmem>>
        %parallel_loop3A_316 = arith.index_cast %parallel_loop3A_309 : i32 to index
        %parallel_loop3A_317 = arith.index_cast %parallel_loop3A_310 : i32 to index
        %parallel_loop3A_318 = arith.index_cast %parallel_loop3A_308 : i32 to index
        %parallel_loop3A_319 = tpu.vector_load %parallel_loop3A_315[%parallel_loop3A_316, %parallel_loop3A_317, %parallel_loop3A_318] {strides = array<i32>} : memref<3x6x1024xf32, #tpu.memory_space<vmem>>, vector<16xf32>,
        %parallel_loop3A_320 = arith.constant 16 : i32
        %parallel_loop3A_321 = arith.muli %parallel_loop3A_241, %parallel_loop3A_320 : i32
        %parallel_loop3A_322 = arith.constant 1 : i32
        %parallel_loop3A_323 = arith.constant 1 : i32
        %parallel_loop3A_324 = arith.constant 0 : i32
        %parallel_loop3A_325 = arith.constant 0 : i32
        %parallel_loop3A_326 = arith.constant 0 : i32
        %parallel_loop3A_327 = tpu.memref_slice %arg4[%parallel_loop3A_223, %parallel_loop3A_324, %parallel_loop3A_325, %parallel_loop3A_326] : memref<2x3x6x1024xf32, #tpu.memory_space<vmem>> -> memref<1x3x6x1024xf32, #tpu.memory_space<vmem>>
        %parallel_loop3A_328 = tpu.memref_squeeze %parallel_loop3A_327 : memref<1x3x6x1024xf32, #tpu.memory_space<vmem>> -> memref<3x6x1024xf32, #tpu.memory_space<vmem>>
        %parallel_loop3A_329 = arith.index_cast %parallel_loop3A_322 : i32 to index
        %parallel_loop3A_330 = arith.index_cast %parallel_loop3A_323 : i32 to index
        %parallel_loop3A_331 = arith.index_cast %parallel_loop3A_321 : i32 to index
        %parallel_loop3A_332 = tpu.vector_load %parallel_loop3A_328[%parallel_loop3A_329, %parallel_loop3A_330, %parallel_loop3A_331] {strides = array<i32>} : memref<3x6x1024xf32, #tpu.memory_space<vmem>>, vector<16xf32>,
        %parallel_loop3A_333 = arith.constant 16 : i32
        %parallel_loop3A_334 = arith.muli %parallel_loop3A_241, %parallel_loop3A_333 : i32
        %parallel_loop3A_335 = arith.constant 1 : i32
        %parallel_loop3A_336 = arith.constant 2 : i32
        %parallel_loop3A_337 = arith.constant 0 : i32
        %parallel_loop3A_338 = arith.constant 0 : i32
        %parallel_loop3A_339 = arith.constant 0 : i32
        %parallel_loop3A_340 = tpu.memref_slice %arg4[%parallel_loop3A_223, %parallel_loop3A_337, %parallel_loop3A_338, %parallel_loop3A_339] : memref<2x3x6x1024xf32, #tpu.memory_space<vmem>> -> memref<1x3x6x1024xf32, #tpu.memory_space<vmem>>
        %parallel_loop3A_341 = tpu.memref_squeeze %parallel_loop3A_340 : memref<1x3x6x1024xf32, #tpu.memory_space<vmem>> -> memref<3x6x1024xf32, #tpu.memory_space<vmem>>
        %parallel_loop3A_342 = arith.index_cast %parallel_loop3A_335 : i32 to index
        %parallel_loop3A_343 = arith.index_cast %parallel_loop3A_336 : i32 to index
        %parallel_loop3A_344 = arith.index_cast %parallel_loop3A_334 : i32 to index
        %parallel_loop3A_345 = tpu.vector_load %parallel_loop3A_341[%parallel_loop3A_342, %parallel_loop3A_343, %parallel_loop3A_344] {strides = array<i32>} : memref<3x6x1024xf32, #tpu.memory_space<vmem>>, vector<16xf32>,
        %parallel_loop3A_346 = arith.constant 16 : i32
        %parallel_loop3A_347 = arith.muli %parallel_loop3A_241, %parallel_loop3A_346 : i32
        %parallel_loop3A_348 = arith.constant 1 : i32
        %parallel_loop3A_349 = arith.constant 3 : i32
        %parallel_loop3A_350 = arith.constant 0 : i32
        %parallel_loop3A_351 = arith.constant 0 : i32
        %parallel_loop3A_352 = arith.constant 0 : i32
        %parallel_loop3A_353 = tpu.memref_slice %arg4[%parallel_loop3A_223, %parallel_loop3A_350, %parallel_loop3A_351, %parallel_loop3A_352] : memref<2x3x6x1024xf32, #tpu.memory_space<vmem>> -> memref<1x3x6x1024xf32, #tpu.memory_space<vmem>>
        %parallel_loop3A_354 = tpu.memref_squeeze %parallel_loop3A_353 : memref<1x3x6x1024xf32, #tpu.memory_space<vmem>> -> memref<3x6x1024xf32, #tpu.memory_space<vmem>>
        %parallel_loop3A_355 = arith.index_cast %parallel_loop3A_348 : i32 to index
        %parallel_loop3A_356 = arith.index_cast %parallel_loop3A_349 : i32 to index
        %parallel_loop3A_357 = arith.index_cast %parallel_loop3A_347 : i32 to index
        %parallel_loop3A_358 = tpu.vector_load %parallel_loop3A_354[%parallel_loop3A_355, %parallel_loop3A_356, %parallel_loop3A_357] {strides = array<i32>} : memref<3x6x1024xf32, #tpu.memory_space<vmem>>, vector<16xf32>,
        %parallel_loop3A_359 = arith.constant 16 : i32
        %parallel_loop3A_360 = arith.muli %parallel_loop3A_241, %parallel_loop3A_359 : i32
        %parallel_loop3A_361 = arith.constant 1 : i32
        %parallel_loop3A_362 = arith.constant 4 : i32
        %parallel_loop3A_363 = arith.constant 0 : i32
        %parallel_loop3A_364 = arith.constant 0 : i32
        %parallel_loop3A_365 = arith.constant 0 : i32
        %parallel_loop3A_366 = tpu.memref_slice %arg4[%parallel_loop3A_223, %parallel_loop3A_363, %parallel_loop3A_364, %parallel_loop3A_365] : memref<2x3x6x1024xf32, #tpu.memory_space<vmem>> -> memref<1x3x6x1024xf32, #tpu.memory_space<vmem>>
        %parallel_loop3A_367 = tpu.memref_squeeze %parallel_loop3A_366 : memref<1x3x6x1024xf32, #tpu.memory_space<vmem>> -> memref<3x6x1024xf32, #tpu.memory_space<vmem>>
        %parallel_loop3A_368 = arith.index_cast %parallel_loop3A_361 : i32 to index
        %parallel_loop3A_369 = arith.index_cast %parallel_loop3A_362 : i32 to index
        %parallel_loop3A_370 = arith.index_cast %parallel_loop3A_360 : i32 to index
        %parallel_loop3A_371 = tpu.vector_load %parallel_loop3A_367[%parallel_loop3A_368, %parallel_loop3A_369, %parallel_loop3A_370] {strides = array<i32>} : memref<3x6x1024xf32, #tpu.memory_space<vmem>>, vector<16xf32>,
        %parallel_loop3A_372 = arith.constant 16 : i32
        %parallel_loop3A_373 = arith.muli %parallel_loop3A_241, %parallel_loop3A_372 : i32
        %parallel_loop3A_374 = arith.constant 1 : i32
        %parallel_loop3A_375 = arith.constant 5 : i32
        %parallel_loop3A_376 = arith.constant 0 : i32
        %parallel_loop3A_377 = arith.constant 0 : i32
        %parallel_loop3A_378 = arith.constant 0 : i32
        %parallel_loop3A_379 = tpu.memref_slice %arg4[%parallel_loop3A_223, %parallel_loop3A_376, %parallel_loop3A_377, %parallel_loop3A_378] : memref<2x3x6x1024xf32, #tpu.memory_space<vmem>> -> memref<1x3x6x1024xf32, #tpu.memory_space<vmem>>
        %parallel_loop3A_380 = tpu.memref_squeeze %parallel_loop3A_379 : memref<1x3x6x1024xf32, #tpu.memory_space<vmem>> -> memref<3x6x1024xf32, #tpu.memory_space<vmem>>
        %parallel_loop3A_381 = arith.index_cast %parallel_loop3A_374 : i32 to index
        %parallel_loop3A_382 = arith.index_cast %parallel_loop3A_375 : i32 to index
        %parallel_loop3A_383 = arith.index_cast %parallel_loop3A_373 : i32 to index
        %parallel_loop3A_384 = tpu.vector_load %parallel_loop3A_380[%parallel_loop3A_381, %parallel_loop3A_382, %parallel_loop3A_383] {strides = array<i32>} : memref<3x6x1024xf32, #tpu.memory_space<vmem>>, vector<16xf32>,
        %parallel_loop3A_385 = arith.constant 16 : i32
        %parallel_loop3A_386 = arith.muli %parallel_loop3A_241, %parallel_loop3A_385 : i32
        %parallel_loop3A_387 = arith.constant 2 : i32
        %parallel_loop3A_388 = arith.constant 0 : i32
        %parallel_loop3A_389 = arith.constant 0 : i32
        %parallel_loop3A_390 = arith.constant 0 : i32
        %parallel_loop3A_391 = arith.constant 0 : i32
        %parallel_loop3A_392 = tpu.memref_slice %arg4[%parallel_loop3A_223, %parallel_loop3A_389, %parallel_loop3A_390, %parallel_loop3A_391] : memref<2x3x6x1024xf32, #tpu.memory_space<vmem>> -> memref<1x3x6x1024xf32, #tpu.memory_space<vmem>>
        %parallel_loop3A_393 = tpu.memref_squeeze %parallel_loop3A_392 : memref<1x3x6x1024xf32, #tpu.memory_space<vmem>> -> memref<3x6x1024xf32, #tpu.memory_space<vmem>>
        %parallel_loop3A_394 = arith.index_cast %parallel_loop3A_387 : i32 to index
        %parallel_loop3A_395 = arith.index_cast %parallel_loop3A_388 : i32 to index
        %parallel_loop3A_396 = arith.index_cast %parallel_loop3A_386 : i32 to index
        %parallel_loop3A_397 = tpu.vector_load %parallel_loop3A_393[%parallel_loop3A_394, %parallel_loop3A_395, %parallel_loop3A_396] {strides = array<i32>} : memref<3x6x1024xf32, #tpu.memory_space<vmem>>, vector<16xf32>,
        %parallel_loop3A_398 = arith.constant 16 : i32
        %parallel_loop3A_399 = arith.muli %parallel_loop3A_241, %parallel_loop3A_398 : i32
        %parallel_loop3A_400 = arith.constant 2 : i32
        %parallel_loop3A_401 = arith.constant 1 : i32
        %parallel_loop3A_402 = arith.constant 0 : i32
        %parallel_loop3A_403 = arith.constant 0 : i32
        %parallel_loop3A_404 = arith.constant 0 : i32
        %parallel_loop3A_405 = tpu.memref_slice %arg4[%parallel_loop3A_223, %parallel_loop3A_402, %parallel_loop3A_403, %parallel_loop3A_404] : memref<2x3x6x1024xf32, #tpu.memory_space<vmem>> -> memref<1x3x6x1024xf32, #tpu.memory_space<vmem>>
        %parallel_loop3A_406 = tpu.memref_squeeze %parallel_loop3A_405 : memref<1x3x6x1024xf32, #tpu.memory_space<vmem>> -> memref<3x6x1024xf32, #tpu.memory_space<vmem>>
        %parallel_loop3A_407 = arith.index_cast %parallel_loop3A_400 : i32 to index
        %parallel_loop3A_408 = arith.index_cast %parallel_loop3A_401 : i32 to index
        %parallel_loop3A_409 = arith.index_cast %parallel_loop3A_399 : i32 to index
        %parallel_loop3A_410 = tpu.vector_load %parallel_loop3A_406[%parallel_loop3A_407, %parallel_loop3A_408, %parallel_loop3A_409] {strides = array<i32>} : memref<3x6x1024xf32, #tpu.memory_space<vmem>>, vector<16xf32>,
        %parallel_loop3A_411 = arith.constant 16 : i32
        %parallel_loop3A_412 = arith.muli %parallel_loop3A_241, %parallel_loop3A_411 : i32
        %parallel_loop3A_413 = arith.constant 2 : i32
        %parallel_loop3A_414 = arith.constant 2 : i32
        %parallel_loop3A_415 = arith.constant 0 : i32
        %parallel_loop3A_416 = arith.constant 0 : i32
        %parallel_loop3A_417 = arith.constant 0 : i32
        %parallel_loop3A_418 = tpu.memref_slice %arg4[%parallel_loop3A_223, %parallel_loop3A_415, %parallel_loop3A_416, %parallel_loop3A_417] : memref<2x3x6x1024xf32, #tpu.memory_space<vmem>> -> memref<1x3x6x1024xf32, #tpu.memory_space<vmem>>
        %parallel_loop3A_419 = tpu.memref_squeeze %parallel_loop3A_418 : memref<1x3x6x1024xf32, #tpu.memory_space<vmem>> -> memref<3x6x1024xf32, #tpu.memory_space<vmem>>
        %parallel_loop3A_420 = arith.index_cast %parallel_loop3A_413 : i32 to index
        %parallel_loop3A_421 = arith.index_cast %parallel_loop3A_414 : i32 to index
        %parallel_loop3A_422 = arith.index_cast %parallel_loop3A_412 : i32 to index
        %parallel_loop3A_423 = tpu.vector_load %parallel_loop3A_419[%parallel_loop3A_420, %parallel_loop3A_421, %parallel_loop3A_422] {strides = array<i32>} : memref<3x6x1024xf32, #tpu.memory_space<vmem>>, vector<16xf32>,
        %parallel_loop3A_424 = arith.constant 16 : i32
        %parallel_loop3A_425 = arith.muli %parallel_loop3A_241, %parallel_loop3A_424 : i32
        %parallel_loop3A_426 = arith.constant 2 : i32
        %parallel_loop3A_427 = arith.constant 3 : i32
        %parallel_loop3A_428 = arith.constant 0 : i32
        %parallel_loop3A_429 = arith.constant 0 : i32
        %parallel_loop3A_430 = arith.constant 0 : i32
        %parallel_loop3A_431 = tpu.memref_slice %arg4[%parallel_loop3A_223, %parallel_loop3A_428, %parallel_loop3A_429, %parallel_loop3A_430] : memref<2x3x6x1024xf32, #tpu.memory_space<vmem>> -> memref<1x3x6x1024xf32, #tpu.memory_space<vmem>>
        %parallel_loop3A_432 = tpu.memref_squeeze %parallel_loop3A_431 : memref<1x3x6x1024xf32, #tpu.memory_space<vmem>> -> memref<3x6x1024xf32, #tpu.memory_space<vmem>>
        %parallel_loop3A_433 = arith.index_cast %parallel_loop3A_426 : i32 to index
        %parallel_loop3A_434 = arith.index_cast %parallel_loop3A_427 : i32 to index
        %parallel_loop3A_435 = arith.index_cast %parallel_loop3A_425 : i32 to index
        %parallel_loop3A_436 = tpu.vector_load %parallel_loop3A_432[%parallel_loop3A_433, %parallel_loop3A_434, %parallel_loop3A_435] {strides = array<i32>} : memref<3x6x1024xf32, #tpu.memory_space<vmem>>, vector<16xf32>,
        %parallel_loop3A_437 = arith.constant 16 : i32
        %parallel_loop3A_438 = arith.muli %parallel_loop3A_241, %parallel_loop3A_437 : i32
        %parallel_loop3A_439 = arith.constant 2 : i32
        %parallel_loop3A_440 = arith.constant 4 : i32
        %parallel_loop3A_441 = arith.constant 0 : i32
        %parallel_loop3A_442 = arith.constant 0 : i32
        %parallel_loop3A_443 = arith.constant 0 : i32
        %parallel_loop3A_444 = tpu.memref_slice %arg4[%parallel_loop3A_223, %parallel_loop3A_441, %parallel_loop3A_442, %parallel_loop3A_443] : memref<2x3x6x1024xf32, #tpu.memory_space<vmem>> -> memref<1x3x6x1024xf32, #tpu.memory_space<vmem>>
        %parallel_loop3A_445 = tpu.memref_squeeze %parallel_loop3A_444 : memref<1x3x6x1024xf32, #tpu.memory_space<vmem>> -> memref<3x6x1024xf32, #tpu.memory_space<vmem>>
        %parallel_loop3A_446 = arith.index_cast %parallel_loop3A_439 : i32 to index
        %parallel_loop3A_447 = arith.index_cast %parallel_loop3A_440 : i32 to index
        %parallel_loop3A_448 = arith.index_cast %parallel_loop3A_438 : i32 to index
        %parallel_loop3A_449 = tpu.vector_load %parallel_loop3A_445[%parallel_loop3A_446, %parallel_loop3A_447, %parallel_loop3A_448] {strides = array<i32>} : memref<3x6x1024xf32, #tpu.memory_space<vmem>>, vector<16xf32>,
        %parallel_loop3A_450 = arith.constant 16 : i32
        %parallel_loop3A_451 = arith.muli %parallel_loop3A_241, %parallel_loop3A_450 : i32
        %parallel_loop3A_452 = arith.constant 2 : i32
        %parallel_loop3A_453 = arith.constant 5 : i32
        %parallel_loop3A_454 = arith.constant 0 : i32
        %parallel_loop3A_455 = arith.constant 0 : i32
        %parallel_loop3A_456 = arith.constant 0 : i32
        %parallel_loop3A_457 = tpu.memref_slice %arg4[%parallel_loop3A_223, %parallel_loop3A_454, %parallel_loop3A_455, %parallel_loop3A_456] : memref<2x3x6x1024xf32, #tpu.memory_space<vmem>> -> memref<1x3x6x1024xf32, #tpu.memory_space<vmem>>
        %parallel_loop3A_458 = tpu.memref_squeeze %parallel_loop3A_457 : memref<1x3x6x1024xf32, #tpu.memory_space<vmem>> -> memref<3x6x1024xf32, #tpu.memory_space<vmem>>
        %parallel_loop3A_459 = arith.index_cast %parallel_loop3A_452 : i32 to index
        %parallel_loop3A_460 = arith.index_cast %parallel_loop3A_453 : i32 to index
        %parallel_loop3A_461 = arith.index_cast %parallel_loop3A_451 : i32 to index
        %parallel_loop3A_462 = tpu.vector_load %parallel_loop3A_458[%parallel_loop3A_459, %parallel_loop3A_460, %parallel_loop3A_461] {strides = array<i32>} : memref<3x6x1024xf32, #tpu.memory_space<vmem>>, vector<16xf32>,
        %parallel_loop3A_463 = arith.mulf %parallel_loop3A_254, %parallel_loop3A_462 : vector<16xf32>
        %parallel_loop3A_464 = arith.mulf %parallel_loop3A_463, %parallel_loop3A_319 : vector<16xf32>
        %parallel_loop3A_465 = arith.constant 16 : i32
        %parallel_loop3A_466 = arith.muli %parallel_loop3A_241, %parallel_loop3A_465 : i32
        %parallel_loop3A_467 = arith.constant 0 : i32
        %parallel_loop3A_468 = arith.constant 0 : i32
        %parallel_loop3A_469 = arith.constant 0 : i32
        %parallel_loop3A_470 = tpu.memref_slice %arg5[%parallel_loop3A_224, %parallel_loop3A_468, %parallel_loop3A_469] : memref<2x25x1024xf32, #tpu.memory_space<vmem>> -> memref<1x25x1024xf32, #tpu.memory_space<vmem>>
        %parallel_loop3A_471 = tpu.memref_squeeze %parallel_loop3A_470 : memref<1x25x1024xf32, #tpu.memory_space<vmem>> -> memref<25x1024xf32, #tpu.memory_space<vmem>>
        %parallel_loop3A_472 = arith.index_cast %parallel_loop3A_467 : i32 to index
        %parallel_loop3A_473 = arith.index_cast %parallel_loop3A_466 : i32 to index
        %parallel_loop3A_474 = tpu.vector_load %parallel_loop3A_471[%parallel_loop3A_472, %parallel_loop3A_473] {strides = array<i32>} : memref<25x1024xf32, #tpu.memory_space<vmem>>, vector<16xf32>,
        tpu.vector_store %parallel_loop3A_471[%parallel_loop3A_472, %parallel_loop3A_473], %parallel_loop3A_464 {strides = array<i32>} : memref<25x1024xf32, #tpu.memory_space<vmem>>, vector<16xf32>,
        %parallel_loop3A_475 = arith.mulf %parallel_loop3A_463, %parallel_loop3A_332 : vector<16xf32>
        %parallel_loop3A_476 = arith.constant 16 : i32
        %parallel_loop3A_477 = arith.muli %parallel_loop3A_241, %parallel_loop3A_476 : i32
        %parallel_loop3A_478 = arith.constant 1 : i32
        %parallel_loop3A_479 = arith.constant 0 : i32
        %parallel_loop3A_480 = arith.constant 0 : i32
        %parallel_loop3A_481 = tpu.memref_slice %arg5[%parallel_loop3A_224, %parallel_loop3A_479, %parallel_loop3A_480] : memref<2x25x1024xf32, #tpu.memory_space<vmem>> -> memref<1x25x1024xf32, #tpu.memory_space<vmem>>
        %parallel_loop3A_482 = tpu.memref_squeeze %parallel_loop3A_481 : memref<1x25x1024xf32, #tpu.memory_space<vmem>> -> memref<25x1024xf32, #tpu.memory_space<vmem>>
        %parallel_loop3A_483 = arith.index_cast %parallel_loop3A_478 : i32 to index
        %parallel_loop3A_484 = arith.index_cast %parallel_loop3A_477 : i32 to index
        %parallel_loop3A_485 = tpu.vector_load %parallel_loop3A_482[%parallel_loop3A_483, %parallel_loop3A_484] {strides = array<i32>} : memref<25x1024xf32, #tpu.memory_space<vmem>>, vector<16xf32>,
        tpu.vector_store %parallel_loop3A_482[%parallel_loop3A_483, %parallel_loop3A_484], %parallel_loop3A_475 {strides = array<i32>} : memref<25x1024xf32, #tpu.memory_space<vmem>>, vector<16xf32>,
        %parallel_loop3A_486 = arith.mulf %parallel_loop3A_463, %parallel_loop3A_345 : vector<16xf32>
        %parallel_loop3A_487 = arith.constant 16 : i32
        %parallel_loop3A_488 = arith.muli %parallel_loop3A_241, %parallel_loop3A_487 : i32
        %parallel_loop3A_489 = arith.constant 2 : i32
        %parallel_loop3A_490 = arith.constant 0 : i32
        %parallel_loop3A_491 = arith.constant 0 : i32
        %parallel_loop3A_492 = tpu.memref_slice %arg5[%parallel_loop3A_224, %parallel_loop3A_490, %parallel_loop3A_491] : memref<2x25x1024xf32, #tpu.memory_space<vmem>> -> memref<1x25x1024xf32, #tpu.memory_space<vmem>>
        %parallel_loop3A_493 = tpu.memref_squeeze %parallel_loop3A_492 : memref<1x25x1024xf32, #tpu.memory_space<vmem>> -> memref<25x1024xf32, #tpu.memory_space<vmem>>
        %parallel_loop3A_494 = arith.index_cast %parallel_loop3A_489 : i32 to index
        %parallel_loop3A_495 = arith.index_cast %parallel_loop3A_488 : i32 to index
        %parallel_loop3A_496 = tpu.vector_load %parallel_loop3A_493[%parallel_loop3A_494, %parallel_loop3A_495] {strides = array<i32>} : memref<25x1024xf32, #tpu.memory_space<vmem>>, vector<16xf32>,
        tpu.vector_store %parallel_loop3A_493[%parallel_loop3A_494, %parallel_loop3A_495], %parallel_loop3A_486 {strides = array<i32>} : memref<25x1024xf32, #tpu.memory_space<vmem>>, vector<16xf32>,
        %parallel_loop3A_497 = arith.mulf %parallel_loop3A_463, %parallel_loop3A_358 : vector<16xf32>
        %parallel_loop3A_498 = arith.constant 16 : i32
        %parallel_loop3A_499 = arith.muli %parallel_loop3A_241, %parallel_loop3A_498 : i32
        %parallel_loop3A_500 = arith.constant 3 : i32
        %parallel_loop3A_501 = arith.constant 0 : i32
        %parallel_loop3A_502 = arith.constant 0 : i32
        %parallel_loop3A_503 = tpu.memref_slice %arg5[%parallel_loop3A_224, %parallel_loop3A_501, %parallel_loop3A_502] : memref<2x25x1024xf32, #tpu.memory_space<vmem>> -> memref<1x25x1024xf32, #tpu.memory_space<vmem>>
        %parallel_loop3A_504 = tpu.memref_squeeze %parallel_loop3A_503 : memref<1x25x1024xf32, #tpu.memory_space<vmem>> -> memref<25x1024xf32, #tpu.memory_space<vmem>>
        %parallel_loop3A_505 = arith.index_cast %parallel_loop3A_500 : i32 to index
        %parallel_loop3A_506 = arith.index_cast %parallel_loop3A_499 : i32 to index
        %parallel_loop3A_507 = tpu.vector_load %parallel_loop3A_504[%parallel_loop3A_505, %parallel_loop3A_506] {strides = array<i32>} : memref<25x1024xf32, #tpu.memory_space<vmem>>, vector<16xf32>,
        tpu.vector_store %parallel_loop3A_504[%parallel_loop3A_505, %parallel_loop3A_506], %parallel_loop3A_497 {strides = array<i32>} : memref<25x1024xf32, #tpu.memory_space<vmem>>, vector<16xf32>,
        %parallel_loop3A_508 = arith.mulf %parallel_loop3A_463, %parallel_loop3A_371 : vector<16xf32>
        %parallel_loop3A_509 = arith.constant 16 : i32
        %parallel_loop3A_510 = arith.muli %parallel_loop3A_241, %parallel_loop3A_509 : i32
        %parallel_loop3A_511 = arith.constant 4 : i32
        %parallel_loop3A_512 = arith.constant 0 : i32
        %parallel_loop3A_513 = arith.constant 0 : i32
        %parallel_loop3A_514 = tpu.memref_slice %arg5[%parallel_loop3A_224, %parallel_loop3A_512, %parallel_loop3A_513] : memref<2x25x1024xf32, #tpu.memory_space<vmem>> -> memref<1x25x1024xf32, #tpu.memory_space<vmem>>
        %parallel_loop3A_515 = tpu.memref_squeeze %parallel_loop3A_514 : memref<1x25x1024xf32, #tpu.memory_space<vmem>> -> memref<25x1024xf32, #tpu.memory_space<vmem>>
        %parallel_loop3A_516 = arith.index_cast %parallel_loop3A_511 : i32 to index
        %parallel_loop3A_517 = arith.index_cast %parallel_loop3A_510 : i32 to index
        %parallel_loop3A_518 = tpu.vector_load %parallel_loop3A_515[%parallel_loop3A_516, %parallel_loop3A_517] {strides = array<i32>} : memref<25x1024xf32, #tpu.memory_space<vmem>>, vector<16xf32>,
        tpu.vector_store %parallel_loop3A_515[%parallel_loop3A_516, %parallel_loop3A_517], %parallel_loop3A_508 {strides = array<i32>} : memref<25x1024xf32, #tpu.memory_space<vmem>>, vector<16xf32>,
        %parallel_loop3A_519 = arith.mulf %parallel_loop3A_267, %parallel_loop3A_384 : vector<16xf32>
        %parallel_loop3A_520 = arith.mulf %parallel_loop3A_519, %parallel_loop3A_397 : vector<16xf32>
        %parallel_loop3A_521 = arith.constant 16 : i32
        %parallel_loop3A_522 = arith.muli %parallel_loop3A_241, %parallel_loop3A_521 : i32
        %parallel_loop3A_523 = arith.constant 5 : i32
        %parallel_loop3A_524 = arith.constant 0 : i32
        %parallel_loop3A_525 = arith.constant 0 : i32
        %parallel_loop3A_526 = tpu.memref_slice %arg5[%parallel_loop3A_224, %parallel_loop3A_524, %parallel_loop3A_525] : memref<2x25x1024xf32, #tpu.memory_space<vmem>> -> memref<1x25x1024xf32, #tpu.memory_space<vmem>>
        %parallel_loop3A_527 = tpu.memref_squeeze %parallel_loop3A_526 : memref<1x25x1024xf32, #tpu.memory_space<vmem>> -> memref<25x1024xf32, #tpu.memory_space<vmem>>
        %parallel_loop3A_528 = arith.index_cast %parallel_loop3A_523 : i32 to index
        %parallel_loop3A_529 = arith.index_cast %parallel_loop3A_522 : i32 to index
        %parallel_loop3A_530 = tpu.vector_load %parallel_loop3A_527[%parallel_loop3A_528, %parallel_loop3A_529] {strides = array<i32>} : memref<25x1024xf32, #tpu.memory_space<vmem>>, vector<16xf32>,
        tpu.vector_store %parallel_loop3A_527[%parallel_loop3A_528, %parallel_loop3A_529], %parallel_loop3A_520 {strides = array<i32>} : memref<25x1024xf32, #tpu.memory_space<vmem>>, vector<16xf32>,
        %parallel_loop3A_531 = arith.mulf %parallel_loop3A_519, %parallel_loop3A_410 : vector<16xf32>
        %parallel_loop3A_532 = arith.constant 16 : i32
        %parallel_loop3A_533 = arith.muli %parallel_loop3A_241, %parallel_loop3A_532 : i32
        %parallel_loop3A_534 = arith.constant 6 : i32
        %parallel_loop3A_535 = arith.constant 0 : i32
        %parallel_loop3A_536 = arith.constant 0 : i32
        %parallel_loop3A_537 = tpu.memref_slice %arg5[%parallel_loop3A_224, %parallel_loop3A_535, %parallel_loop3A_536] : memref<2x25x1024xf32, #tpu.memory_space<vmem>> -> memref<1x25x1024xf32, #tpu.memory_space<vmem>>
        %parallel_loop3A_538 = tpu.memref_squeeze %parallel_loop3A_537 : memref<1x25x1024xf32, #tpu.memory_space<vmem>> -> memref<25x1024xf32, #tpu.memory_space<vmem>>
        %parallel_loop3A_539 = arith.index_cast %parallel_loop3A_534 : i32 to index
        %parallel_loop3A_540 = arith.index_cast %parallel_loop3A_533 : i32 to index
        %parallel_loop3A_541 = tpu.vector_load %parallel_loop3A_538[%parallel_loop3A_539, %parallel_loop3A_540] {strides = array<i32>} : memref<25x1024xf32, #tpu.memory_space<vmem>>, vector<16xf32>,
        tpu.vector_store %parallel_loop3A_538[%parallel_loop3A_539, %parallel_loop3A_540], %parallel_loop3A_531 {strides = array<i32>} : memref<25x1024xf32, #tpu.memory_space<vmem>>, vector<16xf32>,
        %parallel_loop3A_542 = arith.mulf %parallel_loop3A_519, %parallel_loop3A_423 : vector<16xf32>
        %parallel_loop3A_543 = arith.constant 16 : i32
        %parallel_loop3A_544 = arith.muli %parallel_loop3A_241, %parallel_loop3A_543 : i32
        %parallel_loop3A_545 = arith.constant 7 : i32
        %parallel_loop3A_546 = arith.constant 0 : i32
        %parallel_loop3A_547 = arith.constant 0 : i32
        %parallel_loop3A_548 = tpu.memref_slice %arg5[%parallel_loop3A_224, %parallel_loop3A_546, %parallel_loop3A_547] : memref<2x25x1024xf32, #tpu.memory_space<vmem>> -> memref<1x25x1024xf32, #tpu.memory_space<vmem>>
        %parallel_loop3A_549 = tpu.memref_squeeze %parallel_loop3A_548 : memref<1x25x1024xf32, #tpu.memory_space<vmem>> -> memref<25x1024xf32, #tpu.memory_space<vmem>>
        %parallel_loop3A_550 = arith.index_cast %parallel_loop3A_545 : i32 to index
        %parallel_loop3A_551 = arith.index_cast %parallel_loop3A_544 : i32 to index
        %parallel_loop3A_552 = tpu.vector_load %parallel_loop3A_549[%parallel_loop3A_550, %parallel_loop3A_551] {strides = array<i32>} : memref<25x1024xf32, #tpu.memory_space<vmem>>, vector<16xf32>,
        tpu.vector_store %parallel_loop3A_549[%parallel_loop3A_550, %parallel_loop3A_551], %parallel_loop3A_542 {strides = array<i32>} : memref<25x1024xf32, #tpu.memory_space<vmem>>, vector<16xf32>,
        %parallel_loop3A_553 = arith.mulf %parallel_loop3A_519, %parallel_loop3A_436 : vector<16xf32>
        %parallel_loop3A_554 = arith.constant 16 : i32
        %parallel_loop3A_555 = arith.muli %parallel_loop3A_241, %parallel_loop3A_554 : i32
        %parallel_loop3A_556 = arith.constant 8 : i32
        %parallel_loop3A_557 = arith.constant 0 : i32
        %parallel_loop3A_558 = arith.constant 0 : i32
        %parallel_loop3A_559 = tpu.memref_slice %arg5[%parallel_loop3A_224, %parallel_loop3A_557, %parallel_loop3A_558] : memref<2x25x1024xf32, #tpu.memory_space<vmem>> -> memref<1x25x1024xf32, #tpu.memory_space<vmem>>
        %parallel_loop3A_560 = tpu.memref_squeeze %parallel_loop3A_559 : memref<1x25x1024xf32, #tpu.memory_space<vmem>> -> memref<25x1024xf32, #tpu.memory_space<vmem>>
        %parallel_loop3A_561 = arith.index_cast %parallel_loop3A_556 : i32 to index
        %parallel_loop3A_562 = arith.index_cast %parallel_loop3A_555 : i32 to index
        %parallel_loop3A_563 = tpu.vector_load %parallel_loop3A_560[%parallel_loop3A_561, %parallel_loop3A_562] {strides = array<i32>} : memref<25x1024xf32, #tpu.memory_space<vmem>>, vector<16xf32>,
        tpu.vector_store %parallel_loop3A_560[%parallel_loop3A_561, %parallel_loop3A_562], %parallel_loop3A_553 {strides = array<i32>} : memref<25x1024xf32, #tpu.memory_space<vmem>>, vector<16xf32>,
        %parallel_loop3A_564 = arith.mulf %parallel_loop3A_519, %parallel_loop3A_449 : vector<16xf32>
        %parallel_loop3A_565 = arith.constant 16 : i32
        %parallel_loop3A_566 = arith.muli %parallel_loop3A_241, %parallel_loop3A_565 : i32
        %parallel_loop3A_567 = arith.constant 9 : i32
        %parallel_loop3A_568 = arith.constant 0 : i32
        %parallel_loop3A_569 = arith.constant 0 : i32
        %parallel_loop3A_570 = tpu.memref_slice %arg5[%parallel_loop3A_224, %parallel_loop3A_568, %parallel_loop3A_569] : memref<2x25x1024xf32, #tpu.memory_space<vmem>> -> memref<1x25x1024xf32, #tpu.memory_space<vmem>>
        %parallel_loop3A_571 = tpu.memref_squeeze %parallel_loop3A_570 : memref<1x25x1024xf32, #tpu.memory_space<vmem>> -> memref<25x1024xf32, #tpu.memory_space<vmem>>
        %parallel_loop3A_572 = arith.index_cast %parallel_loop3A_567 : i32 to index
        %parallel_loop3A_573 = arith.index_cast %parallel_loop3A_566 : i32 to index
        %parallel_loop3A_574 = tpu.vector_load %parallel_loop3A_571[%parallel_loop3A_572, %parallel_loop3A_573] {strides = array<i32>} : memref<25x1024xf32, #tpu.memory_space<vmem>>, vector<16xf32>,
        tpu.vector_store %parallel_loop3A_571[%parallel_loop3A_572, %parallel_loop3A_573], %parallel_loop3A_564 {strides = array<i32>} : memref<25x1024xf32, #tpu.memory_space<vmem>>, vector<16xf32>,
        %parallel_loop3A_575 = arith.mulf %parallel_loop3A_280, %parallel_loop3A_384 : vector<16xf32>
        %parallel_loop3A_576 = arith.mulf %parallel_loop3A_575, %parallel_loop3A_397 : vector<16xf32>
        %parallel_loop3A_577 = arith.constant 16 : i32
        %parallel_loop3A_578 = arith.muli %parallel_loop3A_241, %parallel_loop3A_577 : i32
        %parallel_loop3A_579 = arith.constant 10 : i32
        %parallel_loop3A_580 = arith.constant 0 : i32
        %parallel_loop3A_581 = arith.constant 0 : i32
        %parallel_loop3A_582 = tpu.memref_slice %arg5[%parallel_loop3A_224, %parallel_loop3A_580, %parallel_loop3A_581] : memref<2x25x1024xf32, #tpu.memory_space<vmem>> -> memref<1x25x1024xf32, #tpu.memory_space<vmem>>
        %parallel_loop3A_583 = tpu.memref_squeeze %parallel_loop3A_582 : memref<1x25x1024xf32, #tpu.memory_space<vmem>> -> memref<25x1024xf32, #tpu.memory_space<vmem>>
        %parallel_loop3A_584 = arith.index_cast %parallel_loop3A_579 : i32 to index
        %parallel_loop3A_585 = arith.index_cast %parallel_loop3A_578 : i32 to index
        %parallel_loop3A_586 = tpu.vector_load %parallel_loop3A_583[%parallel_loop3A_584, %parallel_loop3A_585] {strides = array<i32>} : memref<25x1024xf32, #tpu.memory_space<vmem>>, vector<16xf32>,
        tpu.vector_store %parallel_loop3A_583[%parallel_loop3A_584, %parallel_loop3A_585], %parallel_loop3A_576 {strides = array<i32>} : memref<25x1024xf32, #tpu.memory_space<vmem>>, vector<16xf32>,
        %parallel_loop3A_587 = arith.mulf %parallel_loop3A_575, %parallel_loop3A_410 : vector<16xf32>
        %parallel_loop3A_588 = arith.constant 16 : i32
        %parallel_loop3A_589 = arith.muli %parallel_loop3A_241, %parallel_loop3A_588 : i32
        %parallel_loop3A_590 = arith.constant 11 : i32
        %parallel_loop3A_591 = arith.constant 0 : i32
        %parallel_loop3A_592 = arith.constant 0 : i32
        %parallel_loop3A_593 = tpu.memref_slice %arg5[%parallel_loop3A_224, %parallel_loop3A_591, %parallel_loop3A_592] : memref<2x25x1024xf32, #tpu.memory_space<vmem>> -> memref<1x25x1024xf32, #tpu.memory_space<vmem>>
        %parallel_loop3A_594 = tpu.memref_squeeze %parallel_loop3A_593 : memref<1x25x1024xf32, #tpu.memory_space<vmem>> -> memref<25x1024xf32, #tpu.memory_space<vmem>>
        %parallel_loop3A_595 = arith.index_cast %parallel_loop3A_590 : i32 to index
        %parallel_loop3A_596 = arith.index_cast %parallel_loop3A_589 : i32 to index
        %parallel_loop3A_597 = tpu.vector_load %parallel_loop3A_594[%parallel_loop3A_595, %parallel_loop3A_596] {strides = array<i32>} : memref<25x1024xf32, #tpu.memory_space<vmem>>, vector<16xf32>,
        tpu.vector_store %parallel_loop3A_594[%parallel_loop3A_595, %parallel_loop3A_596], %parallel_loop3A_587 {strides = array<i32>} : memref<25x1024xf32, #tpu.memory_space<vmem>>, vector<16xf32>,
        %parallel_loop3A_598 = arith.mulf %parallel_loop3A_575, %parallel_loop3A_423 : vector<16xf32>
        %parallel_loop3A_599 = arith.constant 16 : i32
        %parallel_loop3A_600 = arith.muli %parallel_loop3A_241, %parallel_loop3A_599 : i32
        %parallel_loop3A_601 = arith.constant 12 : i32
        %parallel_loop3A_602 = arith.constant 0 : i32
        %parallel_loop3A_603 = arith.constant 0 : i32
        %parallel_loop3A_604 = tpu.memref_slice %arg5[%parallel_loop3A_224, %parallel_loop3A_602, %parallel_loop3A_603] : memref<2x25x1024xf32, #tpu.memory_space<vmem>> -> memref<1x25x1024xf32, #tpu.memory_space<vmem>>
        %parallel_loop3A_605 = tpu.memref_squeeze %parallel_loop3A_604 : memref<1x25x1024xf32, #tpu.memory_space<vmem>> -> memref<25x1024xf32, #tpu.memory_space<vmem>>
        %parallel_loop3A_606 = arith.index_cast %parallel_loop3A_601 : i32 to index
        %parallel_loop3A_607 = arith.index_cast %parallel_loop3A_600 : i32 to index
        %parallel_loop3A_608 = tpu.vector_load %parallel_loop3A_605[%parallel_loop3A_606, %parallel_loop3A_607] {strides = array<i32>} : memref<25x1024xf32, #tpu.memory_space<vmem>>, vector<16xf32>,
        tpu.vector_store %parallel_loop3A_605[%parallel_loop3A_606, %parallel_loop3A_607], %parallel_loop3A_598 {strides = array<i32>} : memref<25x1024xf32, #tpu.memory_space<vmem>>, vector<16xf32>,
        %parallel_loop3A_609 = arith.mulf %parallel_loop3A_575, %parallel_loop3A_436 : vector<16xf32>
        %parallel_loop3A_610 = arith.constant 16 : i32
        %parallel_loop3A_611 = arith.muli %parallel_loop3A_241, %parallel_loop3A_610 : i32
        %parallel_loop3A_612 = arith.constant 13 : i32
        %parallel_loop3A_613 = arith.constant 0 : i32
        %parallel_loop3A_614 = arith.constant 0 : i32
        %parallel_loop3A_615 = tpu.memref_slice %arg5[%parallel_loop3A_224, %parallel_loop3A_613, %parallel_loop3A_614] : memref<2x25x1024xf32, #tpu.memory_space<vmem>> -> memref<1x25x1024xf32, #tpu.memory_space<vmem>>
        %parallel_loop3A_616 = tpu.memref_squeeze %parallel_loop3A_615 : memref<1x25x1024xf32, #tpu.memory_space<vmem>> -> memref<25x1024xf32, #tpu.memory_space<vmem>>
        %parallel_loop3A_617 = arith.index_cast %parallel_loop3A_612 : i32 to index
        %parallel_loop3A_618 = arith.index_cast %parallel_loop3A_611 : i32 to index
        %parallel_loop3A_619 = tpu.vector_load %parallel_loop3A_616[%parallel_loop3A_617, %parallel_loop3A_618] {strides = array<i32>} : memref<25x1024xf32, #tpu.memory_space<vmem>>, vector<16xf32>,
        tpu.vector_store %parallel_loop3A_616[%parallel_loop3A_617, %parallel_loop3A_618], %parallel_loop3A_609 {strides = array<i32>} : memref<25x1024xf32, #tpu.memory_space<vmem>>, vector<16xf32>,
        %parallel_loop3A_620 = arith.mulf %parallel_loop3A_575, %parallel_loop3A_449 : vector<16xf32>
        %parallel_loop3A_621 = arith.constant 16 : i32
        %parallel_loop3A_622 = arith.muli %parallel_loop3A_241, %parallel_loop3A_621 : i32
        %parallel_loop3A_623 = arith.constant 14 : i32
        %parallel_loop3A_624 = arith.constant 0 : i32
        %parallel_loop3A_625 = arith.constant 0 : i32
        %parallel_loop3A_626 = tpu.memref_slice %arg5[%parallel_loop3A_224, %parallel_loop3A_624, %parallel_loop3A_625] : memref<2x25x1024xf32, #tpu.memory_space<vmem>> -> memref<1x25x1024xf32, #tpu.memory_space<vmem>>
        %parallel_loop3A_627 = tpu.memref_squeeze %parallel_loop3A_626 : memref<1x25x1024xf32, #tpu.memory_space<vmem>> -> memref<25x1024xf32, #tpu.memory_space<vmem>>
        %parallel_loop3A_628 = arith.index_cast %parallel_loop3A_623 : i32 to index
        %parallel_loop3A_629 = arith.index_cast %parallel_loop3A_622 : i32 to index
        %parallel_loop3A_630 = tpu.vector_load %parallel_loop3A_627[%parallel_loop3A_628, %parallel_loop3A_629] {strides = array<i32>} : memref<25x1024xf32, #tpu.memory_space<vmem>>, vector<16xf32>,
        tpu.vector_store %parallel_loop3A_627[%parallel_loop3A_628, %parallel_loop3A_629], %parallel_loop3A_620 {strides = array<i32>} : memref<25x1024xf32, #tpu.memory_space<vmem>>, vector<16xf32>,
        %parallel_loop3A_631 = arith.mulf %parallel_loop3A_293, %parallel_loop3A_384 : vector<16xf32>
        %parallel_loop3A_632 = arith.mulf %parallel_loop3A_631, %parallel_loop3A_397 : vector<16xf32>
        %parallel_loop3A_633 = arith.constant 16 : i32
        %parallel_loop3A_634 = arith.muli %parallel_loop3A_241, %parallel_loop3A_633 : i32
        %parallel_loop3A_635 = arith.constant 15 : i32
        %parallel_loop3A_636 = arith.constant 0 : i32
        %parallel_loop3A_637 = arith.constant 0 : i32
        %parallel_loop3A_638 = tpu.memref_slice %arg5[%parallel_loop3A_224, %parallel_loop3A_636, %parallel_loop3A_637] : memref<2x25x1024xf32, #tpu.memory_space<vmem>> -> memref<1x25x1024xf32, #tpu.memory_space<vmem>>
        %parallel_loop3A_639 = tpu.memref_squeeze %parallel_loop3A_638 : memref<1x25x1024xf32, #tpu.memory_space<vmem>> -> memref<25x1024xf32, #tpu.memory_space<vmem>>
        %parallel_loop3A_640 = arith.index_cast %parallel_loop3A_635 : i32 to index
        %parallel_loop3A_641 = arith.index_cast %parallel_loop3A_634 : i32 to index
        %parallel_loop3A_642 = tpu.vector_load %parallel_loop3A_639[%parallel_loop3A_640, %parallel_loop3A_641] {strides = array<i32>} : memref<25x1024xf32, #tpu.memory_space<vmem>>, vector<16xf32>,
        tpu.vector_store %parallel_loop3A_639[%parallel_loop3A_640, %parallel_loop3A_641], %parallel_loop3A_632 {strides = array<i32>} : memref<25x1024xf32, #tpu.memory_space<vmem>>, vector<16xf32>,
        %parallel_loop3A_643 = arith.mulf %parallel_loop3A_631, %parallel_loop3A_410 : vector<16xf32>
        %parallel_loop3A_644 = arith.constant 16 : i32
        %parallel_loop3A_645 = arith.muli %parallel_loop3A_241, %parallel_loop3A_644 : i32
        %parallel_loop3A_646 = arith.constant 16 : i32
        %parallel_loop3A_647 = arith.constant 0 : i32
        %parallel_loop3A_648 = arith.constant 0 : i32
        %parallel_loop3A_649 = tpu.memref_slice %arg5[%parallel_loop3A_224, %parallel_loop3A_647, %parallel_loop3A_648] : memref<2x25x1024xf32, #tpu.memory_space<vmem>> -> memref<1x25x1024xf32, #tpu.memory_space<vmem>>
        %parallel_loop3A_650 = tpu.memref_squeeze %parallel_loop3A_649 : memref<1x25x1024xf32, #tpu.memory_space<vmem>> -> memref<25x1024xf32, #tpu.memory_space<vmem>>
        %parallel_loop3A_651 = arith.index_cast %parallel_loop3A_646 : i32 to index
        %parallel_loop3A_652 = arith.index_cast %parallel_loop3A_645 : i32 to index
        %parallel_loop3A_653 = tpu.vector_load %parallel_loop3A_650[%parallel_loop3A_651, %parallel_loop3A_652] {strides = array<i32>} : memref<25x1024xf32, #tpu.memory_space<vmem>>, vector<16xf32>,
        tpu.vector_store %parallel_loop3A_650[%parallel_loop3A_651, %parallel_loop3A_652], %parallel_loop3A_643 {strides = array<i32>} : memref<25x1024xf32, #tpu.memory_space<vmem>>, vector<16xf32>,
        %parallel_loop3A_654 = arith.mulf %parallel_loop3A_631, %parallel_loop3A_423 : vector<16xf32>
        %parallel_loop3A_655 = arith.constant 16 : i32
        %parallel_loop3A_656 = arith.muli %parallel_loop3A_241, %parallel_loop3A_655 : i32
        %parallel_loop3A_657 = arith.constant 17 : i32
        %parallel_loop3A_658 = arith.constant 0 : i32
        %parallel_loop3A_659 = arith.constant 0 : i32
        %parallel_loop3A_660 = tpu.memref_slice %arg5[%parallel_loop3A_224, %parallel_loop3A_658, %parallel_loop3A_659] : memref<2x25x1024xf32, #tpu.memory_space<vmem>> -> memref<1x25x1024xf32, #tpu.memory_space<vmem>>
        %parallel_loop3A_661 = tpu.memref_squeeze %parallel_loop3A_660 : memref<1x25x1024xf32, #tpu.memory_space<vmem>> -> memref<25x1024xf32, #tpu.memory_space<vmem>>
        %parallel_loop3A_662 = arith.index_cast %parallel_loop3A_657 : i32 to index
        %parallel_loop3A_663 = arith.index_cast %parallel_loop3A_656 : i32 to index
        %parallel_loop3A_664 = tpu.vector_load %parallel_loop3A_661[%parallel_loop3A_662, %parallel_loop3A_663] {strides = array<i32>} : memref<25x1024xf32, #tpu.memory_space<vmem>>, vector<16xf32>,
        tpu.vector_store %parallel_loop3A_661[%parallel_loop3A_662, %parallel_loop3A_663], %parallel_loop3A_654 {strides = array<i32>} : memref<25x1024xf32, #tpu.memory_space<vmem>>, vector<16xf32>,
        %parallel_loop3A_665 = arith.mulf %parallel_loop3A_631, %parallel_loop3A_436 : vector<16xf32>
        %parallel_loop3A_666 = arith.constant 16 : i32
        %parallel_loop3A_667 = arith.muli %parallel_loop3A_241, %parallel_loop3A_666 : i32
        %parallel_loop3A_668 = arith.constant 18 : i32
        %parallel_loop3A_669 = arith.constant 0 : i32
        %parallel_loop3A_670 = arith.constant 0 : i32
        %parallel_loop3A_671 = tpu.memref_slice %arg5[%parallel_loop3A_224, %parallel_loop3A_669, %parallel_loop3A_670] : memref<2x25x1024xf32, #tpu.memory_space<vmem>> -> memref<1x25x1024xf32, #tpu.memory_space<vmem>>
        %parallel_loop3A_672 = tpu.memref_squeeze %parallel_loop3A_671 : memref<1x25x1024xf32, #tpu.memory_space<vmem>> -> memref<25x1024xf32, #tpu.memory_space<vmem>>
        %parallel_loop3A_673 = arith.index_cast %parallel_loop3A_668 : i32 to index
        %parallel_loop3A_674 = arith.index_cast %parallel_loop3A_667 : i32 to index
        %parallel_loop3A_675 = tpu.vector_load %parallel_loop3A_672[%parallel_loop3A_673, %parallel_loop3A_674] {strides = array<i32>} : memref<25x1024xf32, #tpu.memory_space<vmem>>, vector<16xf32>,
        tpu.vector_store %parallel_loop3A_672[%parallel_loop3A_673, %parallel_loop3A_674], %parallel_loop3A_665 {strides = array<i32>} : memref<25x1024xf32, #tpu.memory_space<vmem>>, vector<16xf32>,
        %parallel_loop3A_676 = arith.mulf %parallel_loop3A_254, %parallel_loop3A_384 : vector<16xf32>
        %parallel_loop3A_677 = arith.mulf %parallel_loop3A_676, %parallel_loop3A_449 : vector<16xf32>
        %parallel_loop3A_678 = arith.constant 16 : i32
        %parallel_loop3A_679 = arith.muli %parallel_loop3A_241, %parallel_loop3A_678 : i32
        %parallel_loop3A_680 = arith.constant 19 : i32
        %parallel_loop3A_681 = arith.constant 0 : i32
        %parallel_loop3A_682 = arith.constant 0 : i32
        %parallel_loop3A_683 = tpu.memref_slice %arg5[%parallel_loop3A_224, %parallel_loop3A_681, %parallel_loop3A_682] : memref<2x25x1024xf32, #tpu.memory_space<vmem>> -> memref<1x25x1024xf32, #tpu.memory_space<vmem>>
        %parallel_loop3A_684 = tpu.memref_squeeze %parallel_loop3A_683 : memref<1x25x1024xf32, #tpu.memory_space<vmem>> -> memref<25x1024xf32, #tpu.memory_space<vmem>>
        %parallel_loop3A_685 = arith.index_cast %parallel_loop3A_680 : i32 to index
        %parallel_loop3A_686 = arith.index_cast %parallel_loop3A_679 : i32 to index
        %parallel_loop3A_687 = tpu.vector_load %parallel_loop3A_684[%parallel_loop3A_685, %parallel_loop3A_686] {strides = array<i32>} : memref<25x1024xf32, #tpu.memory_space<vmem>>, vector<16xf32>,
        tpu.vector_store %parallel_loop3A_684[%parallel_loop3A_685, %parallel_loop3A_686], %parallel_loop3A_677 {strides = array<i32>} : memref<25x1024xf32, #tpu.memory_space<vmem>>, vector<16xf32>,
        %parallel_loop3A_688 = arith.mulf %parallel_loop3A_306, %parallel_loop3A_462 : vector<16xf32>
        %parallel_loop3A_689 = arith.mulf %parallel_loop3A_688, %parallel_loop3A_319 : vector<16xf32>
        %parallel_loop3A_690 = arith.constant 16 : i32
        %parallel_loop3A_691 = arith.muli %parallel_loop3A_241, %parallel_loop3A_690 : i32
        %parallel_loop3A_692 = arith.constant 20 : i32
        %parallel_loop3A_693 = arith.constant 0 : i32
        %parallel_loop3A_694 = arith.constant 0 : i32
        %parallel_loop3A_695 = tpu.memref_slice %arg5[%parallel_loop3A_224, %parallel_loop3A_693, %parallel_loop3A_694] : memref<2x25x1024xf32, #tpu.memory_space<vmem>> -> memref<1x25x1024xf32, #tpu.memory_space<vmem>>
        %parallel_loop3A_696 = tpu.memref_squeeze %parallel_loop3A_695 : memref<1x25x1024xf32, #tpu.memory_space<vmem>> -> memref<25x1024xf32, #tpu.memory_space<vmem>>
        %parallel_loop3A_697 = arith.index_cast %parallel_loop3A_692 : i32 to index
        %parallel_loop3A_698 = arith.index_cast %parallel_loop3A_691 : i32 to index
        %parallel_loop3A_699 = tpu.vector_load %parallel_loop3A_696[%parallel_loop3A_697, %parallel_loop3A_698] {strides = array<i32>} : memref<25x1024xf32, #tpu.memory_space<vmem>>, vector<16xf32>,
        tpu.vector_store %parallel_loop3A_696[%parallel_loop3A_697, %parallel_loop3A_698], %parallel_loop3A_689 {strides = array<i32>} : memref<25x1024xf32, #tpu.memory_space<vmem>>, vector<16xf32>,
        %parallel_loop3A_700 = arith.mulf %parallel_loop3A_688, %parallel_loop3A_332 : vector<16xf32>
        %parallel_loop3A_701 = arith.constant 16 : i32
        %parallel_loop3A_702 = arith.muli %parallel_loop3A_241, %parallel_loop3A_701 : i32
        %parallel_loop3A_703 = arith.constant 21 : i32
        %parallel_loop3A_704 = arith.constant 0 : i32
        %parallel_loop3A_705 = arith.constant 0 : i32
        %parallel_loop3A_706 = tpu.memref_slice %arg5[%parallel_loop3A_224, %parallel_loop3A_704, %parallel_loop3A_705] : memref<2x25x1024xf32, #tpu.memory_space<vmem>> -> memref<1x25x1024xf32, #tpu.memory_space<vmem>>
        %parallel_loop3A_707 = tpu.memref_squeeze %parallel_loop3A_706 : memref<1x25x1024xf32, #tpu.memory_space<vmem>> -> memref<25x1024xf32, #tpu.memory_space<vmem>>
        %parallel_loop3A_708 = arith.index_cast %parallel_loop3A_703 : i32 to index
        %parallel_loop3A_709 = arith.index_cast %parallel_loop3A_702 : i32 to index
        %parallel_loop3A_710 = tpu.vector_load %parallel_loop3A_707[%parallel_loop3A_708, %parallel_loop3A_709] {strides = array<i32>} : memref<25x1024xf32, #tpu.memory_space<vmem>>, vector<16xf32>,
        tpu.vector_store %parallel_loop3A_707[%parallel_loop3A_708, %parallel_loop3A_709], %parallel_loop3A_700 {strides = array<i32>} : memref<25x1024xf32, #tpu.memory_space<vmem>>, vector<16xf32>,
        %parallel_loop3A_711 = arith.mulf %parallel_loop3A_688, %parallel_loop3A_345 : vector<16xf32>
        %parallel_loop3A_712 = arith.constant 16 : i32
        %parallel_loop3A_713 = arith.muli %parallel_loop3A_241, %parallel_loop3A_712 : i32
        %parallel_loop3A_714 = arith.constant 22 : i32
        %parallel_loop3A_715 = arith.constant 0 : i32
        %parallel_loop3A_716 = arith.constant 0 : i32
        %parallel_loop3A_717 = tpu.memref_slice %arg5[%parallel_loop3A_224, %parallel_loop3A_715, %parallel_loop3A_716] : memref<2x25x1024xf32, #tpu.memory_space<vmem>> -> memref<1x25x1024xf32, #tpu.memory_space<vmem>>
        %parallel_loop3A_718 = tpu.memref_squeeze %parallel_loop3A_717 : memref<1x25x1024xf32, #tpu.memory_space<vmem>> -> memref<25x1024xf32, #tpu.memory_space<vmem>>
        %parallel_loop3A_719 = arith.index_cast %parallel_loop3A_714 : i32 to index
        %parallel_loop3A_720 = arith.index_cast %parallel_loop3A_713 : i32 to index
        %parallel_loop3A_721 = tpu.vector_load %parallel_loop3A_718[%parallel_loop3A_719, %parallel_loop3A_720] {strides = array<i32>} : memref<25x1024xf32, #tpu.memory_space<vmem>>, vector<16xf32>,
        tpu.vector_store %parallel_loop3A_718[%parallel_loop3A_719, %parallel_loop3A_720], %parallel_loop3A_711 {strides = array<i32>} : memref<25x1024xf32, #tpu.memory_space<vmem>>, vector<16xf32>,
        %parallel_loop3A_722 = arith.mulf %parallel_loop3A_688, %parallel_loop3A_358 : vector<16xf32>
        %parallel_loop3A_723 = arith.constant 16 : i32
        %parallel_loop3A_724 = arith.muli %parallel_loop3A_241, %parallel_loop3A_723 : i32
        %parallel_loop3A_725 = arith.constant 23 : i32
        %parallel_loop3A_726 = arith.constant 0 : i32
        %parallel_loop3A_727 = arith.constant 0 : i32
        %parallel_loop3A_728 = tpu.memref_slice %arg5[%parallel_loop3A_224, %parallel_loop3A_726, %parallel_loop3A_727] : memref<2x25x1024xf32, #tpu.memory_space<vmem>> -> memref<1x25x1024xf32, #tpu.memory_space<vmem>>
        %parallel_loop3A_729 = tpu.memref_squeeze %parallel_loop3A_728 : memref<1x25x1024xf32, #tpu.memory_space<vmem>> -> memref<25x1024xf32, #tpu.memory_space<vmem>>
        %parallel_loop3A_730 = arith.index_cast %parallel_loop3A_725 : i32 to index
        %parallel_loop3A_731 = arith.index_cast %parallel_loop3A_724 : i32 to index
        %parallel_loop3A_732 = tpu.vector_load %parallel_loop3A_729[%parallel_loop3A_730, %parallel_loop3A_731] {strides = array<i32>} : memref<25x1024xf32, #tpu.memory_space<vmem>>, vector<16xf32>,
        tpu.vector_store %parallel_loop3A_729[%parallel_loop3A_730, %parallel_loop3A_731], %parallel_loop3A_722 {strides = array<i32>} : memref<25x1024xf32, #tpu.memory_space<vmem>>, vector<16xf32>,
        %parallel_loop3A_733 = arith.mulf %parallel_loop3A_688, %parallel_loop3A_371 : vector<16xf32>
        %parallel_loop3A_734 = arith.constant 16 : i32
        %parallel_loop3A_735 = arith.muli %parallel_loop3A_241, %parallel_loop3A_734 : i32
        %parallel_loop3A_736 = arith.constant 24 : i32
        %parallel_loop3A_737 = arith.constant 0 : i32
        %parallel_loop3A_738 = arith.constant 0 : i32
        %parallel_loop3A_739 = tpu.memref_slice %arg5[%parallel_loop3A_224, %parallel_loop3A_737, %parallel_loop3A_738] : memref<2x25x1024xf32, #tpu.memory_space<vmem>> -> memref<1x25x1024xf32, #tpu.memory_space<vmem>>
        %parallel_loop3A_740 = tpu.memref_squeeze %parallel_loop3A_739 : memref<1x25x1024xf32, #tpu.memory_space<vmem>> -> memref<25x1024xf32, #tpu.memory_space<vmem>>
        %parallel_loop3A_741 = arith.index_cast %parallel_loop3A_736 : i32 to index
        %parallel_loop3A_742 = arith.index_cast %parallel_loop3A_735 : i32 to index
        %parallel_loop3A_743 = tpu.vector_load %parallel_loop3A_740[%parallel_loop3A_741, %parallel_loop3A_742] {strides = array<i32>} : memref<25x1024xf32, #tpu.memory_space<vmem>>, vector<16xf32>,
        tpu.vector_store %parallel_loop3A_740[%parallel_loop3A_741, %parallel_loop3A_742], %parallel_loop3A_733 {strides = array<i32>} : memref<25x1024xf32, #tpu.memory_space<vmem>>, vector<16xf32>,
      } {sc.loop_unroll_factor = 4 : i64, sc.parallel_access}
      %add3A_225 = arith.constant 1024 : i32
      %add3A_226 = arith.addi %mul3A_76, %add3A_225 : i32
      %add3A_227 = arith.addi %mul3A_2, %add3A_226 : i32
      %dma_start3A_228 = arith.constant 1 : i32
      %dma_start3A_229 = arith.constant 0 : i32
      %dma_start3A_230 = arith.constant 0 : i32
      %dma_start3A_231 = tpu.memref_slice %arg5[%dma_start3A_228, %dma_start3A_229, %dma_start3A_230] : memref<2x25x1024xf32, #tpu.memory_space<vmem>> -> memref<1x25x1024xf32, #tpu.memory_space<vmem>>
      %dma_start3A_232 = tpu.memref_squeeze %dma_start3A_231 : memref<1x25x1024xf32, #tpu.memory_space<vmem>> -> memref<25x1024xf32, #tpu.memory_space<vmem>>
      %dma_start3A_233 = arith.constant 0 : i32
      %dma_start3A_234 = tpu.memref_slice %arg3[%dma_start3A_233, %add3A_227] : memref<25x1048576xf32, #tpu.memory_space<hbm>> -> memref<25x1024xf32, #tpu.memory_space<hbm>>
      %dma_start3A_235 = arith.constant 0 : i32
      %dma_start3A_236 = tpu.memref_slice %arg3[%dma_start3A_235, %add3A_227] : memref<25x1048576xf32, #tpu.memory_space<hbm>> -> memref<25x1024xf32, #tpu.memory_space<hbm>>
      %dma_start3A_237 = arith.constant 0 : i32
      %dma_start3A_238 = arith.constant 0 : i32
      %dma_start3A_239 = tpu.memref_slice %arg5[%dma_start3A_228, %dma_start3A_237, %dma_start3A_238] : memref<2x25x1024xf32, #tpu.memory_space<vmem>> -> memref<1x25x1024xf32, #tpu.memory_space<vmem>>
      %dma_start3A_240 = tpu.memref_squeeze %dma_start3A_239 : memref<1x25x1024xf32, #tpu.memory_space<vmem>> -> memref<25x1024xf32, #tpu.memory_space<vmem>>
      tpu.enqueue_dma source(%dma_start3A_240 : memref<25x1024xf32, #tpu.memory_space<vmem>>) target(%dma_start3A_236 : memref<25x1024xf32, #tpu.memory_space<hbm>>) target_semaphore(%arg9 : memref<!tpu.dma_semaphore, #tpu.memory_space<semaphore_mem>>)
    }
    %scan3A_44 = arith.constant 16 : i32
    %add3A_45 = arith.constant 30720 : i32
    %add3A_46 = arith.addi %mul3A_2, %add3A_45 : i32
    %dma_wait3A = arith.constant 0 : i32
    %dma_wait3A_47 = arith.constant 0 : i32
    %dma_wait3A_48 = arith.constant 0 : i32
    %dma_wait3A_49 = tpu.memref_slice %arg5[%dma_wait3A, %dma_wait3A_47, %dma_wait3A_48] : memref<2x25x1024xf32, #tpu.memory_space<vmem>> -> memref<1x25x1024xf32, #tpu.memory_space<vmem>>
    %dma_wait3A_50 = tpu.memref_squeeze %dma_wait3A_49 : memref<1x25x1024xf32, #tpu.memory_space<vmem>> -> memref<25x1024xf32, #tpu.memory_space<vmem>>
    %dma_wait3A_51 = arith.constant 0 : i32
    %dma_wait3A_52 = tpu.memref_slice %arg3[%dma_wait3A_51, %add3A_46] : memref<25x1048576xf32, #tpu.memory_space<hbm>> -> memref<25x1024xf32, #tpu.memory_space<hbm>>
    %dma_wait3A_53 = arith.constant 0 : i32
    %dma_wait3A_54 = tpu.memref_slice %arg3[%dma_wait3A_53, %add3A_46] : memref<25x1048576xf32, #tpu.memory_space<hbm>> -> memref<25x1024xf32, #tpu.memory_space<hbm>>
    %dma_wait3A_55 = arith.constant 0 : i32
    %dma_wait3A_56 = arith.constant 0 : i32
    %dma_wait3A_57 = tpu.memref_slice %arg5[%dma_wait3A, %dma_wait3A_55, %dma_wait3A_56] : memref<2x25x1024xf32, #tpu.memory_space<vmem>> -> memref<1x25x1024xf32, #tpu.memory_space<vmem>>
    %dma_wait3A_58 = tpu.memref_squeeze %dma_wait3A_57 : memref<1x25x1024xf32, #tpu.memory_space<vmem>> -> memref<25x1024xf32, #tpu.memory_space<vmem>>
    tpu.wait_dma2 semaphore(%arg8 : memref<!tpu.dma_semaphore, #tpu.memory_space<semaphore_mem>>) src(%dma_wait3A_58 : memref<25x1024xf32, #tpu.memory_space<vmem>>) dst(%dma_wait3A_54 : memref<25x1024xf32, #tpu.memory_space<hbm>>)
    %add3A_59 = arith.constant 31744 : i32
    %add3A_60 = arith.addi %mul3A_2, %add3A_59 : i32
    %dma_wait3A_61 = arith.constant 1 : i32
    %dma_wait3A_62 = arith.constant 0 : i32
    %dma_wait3A_63 = arith.constant 0 : i32
    %dma_wait3A_64 = tpu.memref_slice %arg5[%dma_wait3A_61, %dma_wait3A_62, %dma_wait3A_63] : memref<2x25x1024xf32, #tpu.memory_space<vmem>> -> memref<1x25x1024xf32, #tpu.memory_space<vmem>>
    %dma_wait3A_65 = tpu.memref_squeeze %dma_wait3A_64 : memref<1x25x1024xf32, #tpu.memory_space<vmem>> -> memref<25x1024xf32, #tpu.memory_space<vmem>>
    %dma_wait3A_66 = arith.constant 0 : i32
    %dma_wait3A_67 = tpu.memref_slice %arg3[%dma_wait3A_66, %add3A_60] : memref<25x1048576xf32, #tpu.memory_space<hbm>> -> memref<25x1024xf32, #tpu.memory_space<hbm>>
    %dma_wait3A_68 = arith.constant 0 : i32
    %dma_wait3A_69 = tpu.memref_slice %arg3[%dma_wait3A_68, %add3A_60] : memref<25x1048576xf32, #tpu.memory_space<hbm>> -> memref<25x1024xf32, #tpu.memory_space<hbm>>
    %dma_wait3A_70 = arith.constant 0 : i32
    %dma_wait3A_71 = arith.constant 0 : i32
    %dma_wait3A_72 = tpu.memref_slice %arg5[%dma_wait3A_61, %dma_wait3A_70, %dma_wait3A_71] : memref<2x25x1024xf32, #tpu.memory_space<vmem>> -> memref<1x25x1024xf32, #tpu.memory_space<vmem>>
    %dma_wait3A_73 = tpu.memref_squeeze %dma_wait3A_72 : memref<1x25x1024xf32, #tpu.memory_space<vmem>> -> memref<25x1024xf32, #tpu.memory_space<vmem>>
    tpu.wait_dma2 semaphore(%arg9 : memref<!tpu.dma_semaphore, #tpu.memory_space<semaphore_mem>>) src(%dma_wait3A_73 : memref<25x1024xf32, #tpu.memory_space<vmem>>) dst(%dma_wait3A_69 : memref<25x1024xf32, #tpu.memory_space<hbm>>)
    return
  }
}

</mosaic_0001>

<sc_bundles>
// kernel: kernel.3.cloned.1.call-start
scs
__scs_entry_jumppad:
0x0: {  	(pc) =	sbr.rel $0x88, $3  }
0x1: {  	(tag) =	ssettag $0x0;
	lr =	simm.s32 $0x1  }
0x2: {  	[smem:$0x3FA0] =	sst lr;
	_ =	strace $0xD0000000  }
0x3: {  	_ = 	snop  }
0x4: {  	_ = 	snop  }
0x5: {  	_ = 	snop  }
0x6: {  	_ = 	snop  }
0x7: {  	_ = 	snop  }
__scs_overlays_trampoline_lowered:
0x8: {  	[smem:$0x3FAF] =	sst s0  }
0x9: {  	[smem:$0x3FB0] =	sst s1  }
0xa: {  	[smem:$0x3FB1] =	sst s2  }
0xb: {  	[smem:$0x3FB2] =	sst s3  }
0xc: {  	[smem:$0x3FB3] =	sst s4  }
0xd: {  	[smem:$0x3FB4] =	sst s5  }
0xe: {  	[smem:$0x3FB5] =	sst s6  }
0xf: {  	[smem:$0x3FB6] =	sst s7  }
0x10: {  	[smem:$0x3FB7] =	sst s8  }
0x11: {  	[smem:$0x3FB8] =	sst s9;
	s0 =	simm.s32 @!p0 $0x0  }
0x12: {  	s1 =	sld [smem:$0x3F9E];
	s0 =	simm.s32 @p0 $0x1  }
0x13: {  	[smem:$0x3FB9] =	sst s0;
	s0 =	simm.s32 @!p1 $0x0  }
0x14: {  	s2 =	sld [smem:$0x3F9D];
	s0 =	simm.s32 @p1 $0x1  }
0x15: {  	[smem:$0x3FBA] =	sst s0;
	s0 =	simm.s32 @!p2 $0x0  }
0x16: {  	s3 =	sld [smem:$0x3FDB];
	s0 =	simm.s32 @p2 $0x1  }
0x17: {  	s4 =	simm.s32 $0x1BF5;
	[smem:$0x3FBC] =	sst s0  }
0x18: {  	s0 =	sld [smem:$0x3F9F];
	_ =	swait.ge [sflag:s4], $0x0  }
0x19: {  	s7 =	sld [smem:$0x3FA0]  }
0x1a: {  	s8 =	sadd.s32 $0xFFFFE003, lr  }
0x1b: {  	s9 =	sadd.s32 $0xFFFFFEF7, lr;
	s5 =	simm.s32 $0xFFFFFFFF;
	p2 =	slt.u32 s8, $0xFFFFF086  }
0x1c: {  	p1 =	slt.u32 s9, $0xF7A;
	s5 =	simm.s32 @!p2 $0x0  }
0x1d: {  	s5 =	simm.s32 @p1 $0x1;
	p0 =	seq.s32 s7, s2  }
0x1e: {  	s7 =	smul.u32 @!p0 $0xF7A, s2;
	p2 =	seq.s32 @!p0 s5, $0x0  }
0x1f: {  	s9 =	smul.u32 $0xF7A, s1;
	s8 =	simm.s32 @!p0 $0x1BF5;
	p2 =	por !p2, p0  }
0x20: {  	[sflag:s8] =	ssyncset.s32 @!p0 $0xFFFFF086;
	s6 =	sadd.s32 @!p0 s3, s7;
	s7 =	simm.s32 @!p0 $0x108  }
0x21: {  	s3 =	sadd.s32 s3, s9;
	s6 =	sadd.s32 @!p0 $0x88, s6;
	s7 =	simm.s32 @p2 $0x1082  }
0x22: {  	[simem:s7], [sflag:s8] =	dma.local @!p0 [hbm:s6], $0xF7A  }
0x23: {  	s9 =	sor.u32 $0xD0000000, s2;
	s6 =	simm.s32 $0x108;
	_ =	swait.ge @!p0 [sflag:s8], $0x0  }
0x24: {  	s3 =	sadd.s32 $0x88, s3;
	s6 =	simm.s32 @!p1 $0x1082;
	[sflag:s4] =	ssyncset.s32 $0xFFFFF086  }
0x25: {  	[simem:s6], [sflag:s4] =	dma.local [hbm:s3], $0xF7A  }
0x26: {  	[smem:$0x3FA0] =	sst s1;
	(tag) =	ssettag s2;
	_ =	strace s9  }
0x27: {  	s1 =	sld [smem:$0x3FB0]  }
0x28: {  	s2 =	sld [smem:$0x3FB1]  }
0x29: {  	s4 =	sld [smem:$0x3FB3]  }
0x2a: {  	p0 =	seq.s32 s5, $0x0;
	s5 =	sld [smem:$0x3FB4]  }
0x2b: {  	s6 =	sld [smem:$0x3FB5]  }
0x2c: {  	s7 =	sld [smem:$0x3FB6]  }
0x2d: {  	s3 =	simm.s32 $0x108;
	s8 =	sld [smem:$0x3FB7]  }
0x2e: {  	s3 =	simm.s32 @!p0 $0x1082;
	s9 =	sld [smem:$0x3FB8]  }
0x2f: {  	lr =	sadd.s32 s0, s3;
	s0 =	sld [smem:$0x3FAF]  }
0x30: {  	s3 =	sld [smem:$0x3FB2]  }
0x31: {  	[smem:$0x3FBB] =	sst s10  }
0x32: {  	s10 =	sld [smem:$0x3FB9];
	_ =	sdelay $0x3  }
0x33: {  	p0 =	seq.s32 s10, $0x1;
	s10 =	sld [smem:$0x3FBB];
	_ =	sdelay $0x3  }
0x34: {  	[smem:$0x3FBB] =	sst s10  }
0x35: {  	s10 =	sld [smem:$0x3FBA];
	_ =	sdelay $0x3  }
0x36: {  	p1 =	seq.s32 s10, $0x1;
	s10 =	sld [smem:$0x3FBB];
	_ =	sdelay $0x3  }
0x37: {  	[smem:$0x3FBB] =	sst s10  }
0x38: {  	s10 =	sld [smem:$0x3FBC]  }
0x39: {  	_ = 	snop;
	(pc) =	sbr.ind lr, $3  }
0x3a: {  	_ = 	snop  }
0x3b: {  	_ = 	snop  }
0x3c: {  	p2 =	seq.s32 s10, $0x1;
	s10 =	sld [smem:$0x3FBB]  }
0x3d: {  	_ =	shalt  }
0x3e: {  	_ =	shalt  }
0x3f: {  	_ =	shalt  }
0x40: {  	_ =	shalt  }
0x41: {  	_ =	shalt  }
0x42: {  	_ =	shalt  }
0x43: {  	_ =	shalt  }
0x44: {  	_ =	shalt  }
0x45: {  	_ =	shalt  }
0x46: {  	_ =	shalt  }
0x47: {  	_ =	shalt  }
0x48: {  	_ =	shalt  }
0x49: {  	_ =	shalt  }
0x4a: {  	_ =	shalt  }
0x4b: {  	_ =	shalt  }
0x4c: {  	_ =	shalt  }
0x4d: {  	_ =	shalt  }
0x4e: {  	_ =	shalt  }
0x4f: {  	_ =	shalt  }
0x50: {  	_ =	shalt  }
0x51: {  	_ =	shalt  }
0x52: {  	_ =	shalt  }
0x53: {  	_ =	shalt  }
0x54: {  	_ =	shalt  }
0x55: {  	_ =	shalt  }
0x56: {  	_ =	shalt  }
0x57: {  	_ =	shalt  }
0x58: {  	_ =	shalt  }
0x59: {  	_ =	shalt  }
0x5a: {  	_ =	shalt  }
0x5b: {  	_ =	shalt  }
0x5c: {  	_ =	shalt  }
0x5d: {  	_ =	shalt  }
0x5e: {  	_ =	shalt  }
0x5f: {  	_ =	shalt  }
0x60: {  	_ =	shalt  }
0x61: {  	_ =	shalt  }
0x62: {  	_ =	shalt  }
0x63: {  	_ =	shalt  }
0x64: {  	_ =	shalt  }
0x65: {  	_ =	shalt  }
0x66: {  	_ =	shalt  }
0x67: {  	_ =	shalt  }
0x68: {  	_ =	shalt  }
0x69: {  	_ =	shalt  }
0x6a: {  	_ =	shalt  }
0x6b: {  	_ =	shalt  }
0x6c: {  	_ =	shalt  }
0x6d: {  	_ =	shalt  }
0x6e: {  	_ =	shalt  }
0x6f: {  	_ =	shalt  }
0x70: {  	_ =	shalt  }
0x71: {  	_ =	shalt  }
0x72: {  	_ =	shalt  }
0x73: {  	_ =	shalt  }
0x74: {  	_ =	shalt  }
0x75: {  	_ =	shalt  }
0x76: {  	_ =	shalt  }
0x77: {  	_ =	shalt  }
0x78: {  	_ =	shalt  }
0x79: {  	_ =	shalt  }
0x7a: {  	_ =	shalt  }
0x7b: {  	_ =	shalt  }
0x7c: {  	_ =	shalt  }
0x7d: {  	_ =	shalt  }
0x7e: {  	_ =	shalt  }
0x7f: {  	_ =	shalt  }
0x80: {  	_ =	shalt  }
0x81: {  	_ =	shalt  }
0x82: {  	_ =	shalt  }
0x83: {  	_ =	shalt  }
0x84: {  	_ =	shalt  }
0x85: {  	_ =	shalt  }
0x86: {  	_ =	shalt  }
0x87: {  	_ =	shalt  }
.Lfunc_end0:
.L_simem_size_0:
called_computation_lowered:
.L_overlay_start_0:
0x88: {  	s2 =	sld [smem:$0x3FD9]  }
0x89: {  	s3 =	sld [smem:$0x3FFE];
	_ =	sdelay $0x1  }
0x8a: {  	s1 =	srdreg.scid  }
0x8b: {  	s0 =	sand.u32 $0x1, s1  }
0x8c: {  	s18 =	sshll.u32 s0, $0xA;
	s2 =	sadd.s32 s3, s2  }
0x8d: {  	s2 =	sadd.s32 s2, s18  }
0x8e: {  	[smem:$0x3FC7] =	sst s2  }
0x8f: {  	_ = 	snop  }
0x90: {  	s2 =	sld [smem:$0x3FC9]  }
0x91: {  	s19 =	sld [smem:$0x3FD0];
	(tm) =	ssettm $0x1  }
0x92: {  	s4 =	sld [smem:$0x3FFB];
	_ =	sdelay $0x3  }
0x93: {  	_ =	strace s4  }
0x94: {  	s4 =	sld [smem:$0x3FFC];
	_ =	sdelay $0x3  }
0x95: {  	_ =	strace s4  }
0x96: {  	s4 =	sld [smem:$0x3FFD];
	_ =	sdelay $0x3  }
0x97: {  	_ =	strace s4  }
0x98: {  	_ =	strace $0x8FFFFFFF  }
0x99: {  	s20 =	sld [smem:$0x3FDB];
	_ =	sdelay $0x1  }
0x9a: {  	s5 =	simm.s32 $_scs_section_size  }
0x9b: {  	s6 =	simm.s32 $_size__tile_overlayer_lowered;
	s7 =	simm.s32 $_tile_overlayer_lowered  }
0x9c: {  	s23 =	simm.s32 $0x1BFF;
	s22 =	sshll.u32 s7, $0x1;
	s4 =	sadd.s32 s5, s20  }
0x9d: {  	s8 =	simm.s32 $0x0;
	s21 =	sshll.u32 s6, $0x1;
	s6 =	sadd.s32 s22, s4  }
0x9e: {  	[timem:s8], [sflag:s23] =	dma.local [hbm:s6], s21  }
0x9f: {  	_ =	swait.ge [sflag:s23], s21  }
0xa0: {  	s5 =	ssub.s32 $0x0, s21;
	[sflag:s23] =	ssyncset.done $0x0  }
0xa1: {  	[sflag:s23] =	ssyncadd.s32 s5;
	_ =	sdelay $0x1  }
0xa2: {  	s24 =	simm.s32 $0x1B8B  }
0xa3: {  	_ =	swait.ge [sflag:s24], $0x1  }
0xa4: {  	[sflag:s24] =	ssyncset.done $0x0  }
0xa5: {  	s25 =	simm.s32 $0x1B8E;
	[sflag:s24] =	ssyncadd.s32 $0xFFFFFFFF  }
0xa6: {  	s26 =	simm.s32 $execute0_lowered;
	[smem:$0x3FD2] =	sst s25  }
0xa7: {  	s5 =	sshll.u32 s26, $0x1;
	_ =	strace $0x80000046;
	[dreg:$0x1] =	wrdreg $0xFFFFFFFF  }
0xa8: {  	s28 =	simm.s32 $_size_execute0_lowered;
	s4 =	sadd.s32 s4, s5;
	[dreg:$0x0] =	wrdreg $0x0  }
0xa9: {  	s5 =	sshll.u32 s28, $0x1;
	[dreg:$0x2] =	wrdreg s4  }
0xaa: {  	[dreg:$0x3] =	wrdreg s5  }
0xab: {  	[dreg:$0x4] =	wrdreg $0xC0  }
0xac: {  	_ =	task [dreg:s8], $0x5FFFF  }
0xad: {  	[dreg:$0x1] =	wrdreg $0xFFFFFFFF  }
0xae: {  	[dreg:$0x0] =	wrdreg $0x60  }
0xaf: {  	[dreg:$0x2] =	wrdreg s2  }
0xb0: {  	[dreg:$0x3] =	wrdreg s19  }
0xb1: {  	[dreg:$0x4] =	wrdreg $0x9  }
0xb2: {  	_ =	task.clear_ibuf [dreg:s8], $0x5FFFF;
	_ =	strace $0x90000046  }
0xb3: {  	s29 =	simm.s32 $0x9;
	_ =	strace $0x80000048  }
0xb4: {  	_ =	swait.ge [sflag:s29], $0x1  }
0xb5: {  	[sflag:s29] =	ssyncadd.s32 $0xFFFFFFFF  }
0xb6: {  	_ =	strace $0x90000048  }
0xb7: {  	_ =	sfence  }
0xb8: {  	s30 =	sld [smem:$0x0];
	_ =	sdelay $0x2  }
0xb9: {  	s31 =	sshll.u32 s1, $0xD;
	s1 =	sshrl.u32 s1, $0x2  }
0xba: {  	s3 =	sand.u32 $0x4000, s31;
	s1 =	sadd.s32 s1, s30  }
0xbb: {  	s0 =	sor.u32 s3, s0;
	s1 =	sshll.u32 s1, $0x11  }
0xbc: {  	s0 =	sor.u32 s1, s0  }
0xbd: {  	s0 =	sadd.s32 $0x8F2B, s0  }
0xbe: {  	[sflag:s0] =	ssyncadd.remote.s32 $0x1  }
0xbf: {  	_ =	sfence.sel $0xFFFF  }
0xc0: {  	[dreg:$0x0] =	wrdreg $0xFFFFFFFF;
	(pc) =	sbr.abs _section_cstart, $3  }
0xc1: {  	[dreg:$0x1] =	wrdreg $0xFFFFFFFF  }
0xc2: {  	_ =	task.clear_ibuf [dreg:s8], $0x2FFFF;
	_ =	strace $0x9FFFFFFF  }
0xc3: {  	(tm) =	ssettm $0x7FFFFFFF  }
tec
execute0_lowered:
.L_overlay_start_1:
0x0: {  	(tag) =	ssettag $0x1  }
0x1: {  	s4 =	rddreg [dreg:$0x0];
	s0 =	simm.s32 $0x0;
	s19 =	srdreg.scid  }
0x2: {  	s2 =	stileid.u32;
	[smem:$0x7FF] =	sst s0;
	s0 =	sand.u32 $0x1, s19  }
0x3: {  	s2 =	sshll.u32 s2, $0x10;
	s1 =	ssub.s32 $0x2, s0;
	s0 =	sshll.u32 s0, $0xF  }
0x4: {  	s5 =	rddreg [dreg:$0x1];
	s20 =	sadd.s32 $0x100000, s4;
	s0 =	sor.u32 s0, s2  }
0x5: {  	_ =	strace $0x80000047;
	[smem:$0x7F0] =	sst s20;
	s2 =	sadd.s32 s0, s20  }
0x6: {  	s22 =	sadd.s32 s5, s0;
	[smem:$0x7F1] =	sst s2  }
0x7: {  	s23 =	sor.u32 $0x800, s0;
	[smem:$0x7F2] =	sst s22  }
0x8: {  	s3 =	sshrl.u32 s1, $0x1;
	s21 =	sadd.s32 s4, s0;
	[smem:$0x7F3] =	sst s23  }
0x9: {  	s1 =	ssub.s32 s1, s3;
	s0 =	sor.u32 $0x400, s0;
	[smem:$0x7FB] =	sst s21  }
0xa: {  	s1 =	smax.u32 s1, $0x1;
	[smem:$0x7FD] =	sst s0  }
0xb: {  	s24 =	sadd.s32 $0x80, s21;
	[smem:$0x7F4] =	sst s1  }
0xc: {  	s25 =	sadd.s32 $0x100, s21;
	[smem:$0x7F5] =	sst s24  }
0xd: {  	s26 =	sadd.s32 $0x180, s21;
	[smem:$0x7F6] =	sst s25  }
0xe: {  	s28 =	sadd.s32 $0x200, s21;
	[smem:$0x7F7] =	sst s26  }
0xf: {  	s29 =	sadd.s32 $0x280, s21;
	[smem:$0x7F8] =	sst s28  }
0x10: {  	s30 =	sadd.s32 $0x300, s21;
	[smem:$0x7F9] =	sst s29  }
0x11: {  	s3 =	simm.s32 $0x800000;
	s31 =	sadd.s32 $0x380, s21;
	[smem:$0x7FA] =	sst s30  }
0x12: {  	s4 =	simm.s32 $0x2000;
	s2 =	simm.s32 $0x0;
	[smem:$0x7FC] =	sst s31  }
.LBB2_1:
0x13: {  	s1 =	sld [smem:$0x7FB];
	_ =	sdelay $0x1  }
0x14: {  	s0 =	simm.s32 $0x0;
	s16 =	sld [smem:$0x7F5]  }
0x15: {  	[tilespmem:s0], [sflag:$0x1] =	stream.linear.gather [hbm4b:s1+s0], $0x280, $0x38;
	[tilespmem:$0x1C000] =	vst v63  }
0x16: {  	s17 =	simm.s32 $0x400;
	s18 =	sld [smem:$0x7F6]  }
0x17: {  	[tilespmem:s17], [sflag:$0x1] =	stream.linear.gather [hbm4b:s16+s0], $0x280, $0x38;
	[tilespmem:$0x1C000] =	vst v63  }
0x18: {  	s19 =	simm.s32 $0x800;
	s20 =	sld [smem:$0x7F7]  }
0x19: {  	[tilespmem:s19], [sflag:$0x1] =	stream.linear.gather [hbm4b:s18+s0], $0x280, $0x38;
	[tilespmem:$0x1C000] =	vst v63  }
0x1a: {  	s21 =	simm.s32 $0xC00;
	s22 =	sld [smem:$0x7F8]  }
0x1b: {  	[tilespmem:s21], [sflag:$0x1] =	stream.linear.gather [hbm4b:s20+s0], $0x280, $0x38;
	[tilespmem:$0x1C000] =	vst v63  }
0x1c: {  	s23 =	simm.s32 $0x1000;
	s24 =	sld [smem:$0x7F9]  }
0x1d: {  	[tilespmem:s23], [sflag:$0x1] =	stream.linear.gather [hbm4b:s22+s0], $0x280, $0x38;
	[tilespmem:$0x1C000] =	vst v63  }
0x1e: {  	s25 =	simm.s32 $0x1400;
	s26 =	sld [smem:$0x7FA]  }
0x1f: {  	[tilespmem:s25], [sflag:$0x1] =	stream.linear.gather [hbm4b:s24+s0], $0x280, $0x38;
	[tilespmem:$0x1C000] =	vst v63  }
0x20: {  	s28 =	simm.s32 $0x1800;
	s29 =	sld [smem:$0x7FC]  }
0x21: {  	[tilespmem:s28], [sflag:$0x1] =	stream.linear.gather [hbm4b:s26+s0], $0x280, $0x38;
	[tilespmem:$0x1C000] =	vst v63  }
0x22: {  	s30 =	simm.s32 $0x1C00;
	s31 =	sld [smem:$0x7F1]  }
0x23: {  	[tilespmem:s30], [sflag:$0x1] =	stream.linear.gather [hbm4b:s29+s0], $0x280, $0x38;
	[tilespmem:$0x1C000] =	vst v63  }
0x24: {  	[smem:$0x7EF] =	sst s2;
	s7 =	simm.s32 $0x0  }
0x25: {  	[tilespmem:s4], [sflag:$0x1] =	stream.strided.gather [hbm4b:s31+s4], $0x4000, s3, s4, $0x38;
	[tilespmem:$0x1C000] =	vst v63  }
.LBB2_2:
0x26: {  	s0 =	sld [smem:$0x7FD];
	_ =	sdelay $0x1  }
0x27: {  	s1 =	sshll.u32 s7, $0xB  }
0x28: {  	s12 =	rddreg [dreg:$0x0];
	s6 =	sor.u32 s0, s1  }
0x29: {  	s2 =	simm.s32 $0x0;
	s13 =	simm.s32 $0x6000;
	s0 =	sadd.s32 s12, s6  }
0x2a: {  	[tilespmem:s13], [sflag:$0x2] =	stream.linear.gather [hbm4b:s0+s2], $0x280, $0x38;
	[tilespmem:$0x1C000] =	vst v63  }
0x2b: {  	s5 =	simm.s32 $0x6400;
	s14 =	sadd.s32 $0x80, s0  }
0x2c: {  	[tilespmem:s5], [sflag:$0x2] =	stream.linear.gather [hbm4b:s14+s2], $0x280, $0x38;
	[tilespmem:$0x1C000] =	vst v63  }
0x2d: {  	s16 =	simm.s32 $0x6800;
	s15 =	sadd.s32 $0x100, s0  }
0x2e: {  	[tilespmem:s16], [sflag:$0x2] =	stream.linear.gather [hbm4b:s15+s2], $0x280, $0x38;
	[tilespmem:$0x1C000] =	vst v63  }
0x2f: {  	s18 =	simm.s32 $0x6C00;
	s17 =	sadd.s32 $0x180, s0  }
0x30: {  	[tilespmem:s18], [sflag:$0x2] =	stream.linear.gather [hbm4b:s17+s2], $0x280, $0x38;
	[tilespmem:$0x1C000] =	vst v63  }
0x31: {  	s20 =	simm.s32 $0x7000;
	s19 =	sadd.s32 $0x200, s0  }
0x32: {  	[tilespmem:s20], [sflag:$0x2] =	stream.linear.gather [hbm4b:s19+s2], $0x280, $0x38;
	[tilespmem:$0x1C000] =	vst v63  }
0x33: {  	s22 =	simm.s32 $0x7400;
	s24 =	simm.s32 $0x7800;
	s21 =	sadd.s32 $0x280, s0  }
0x34: {  	[tilespmem:s22], [sflag:$0x2] =	stream.linear.gather [hbm4b:s21+s2], $0x280, $0x38;
	[tilespmem:$0x1C000] =	vst v63  }
0x35: {  	s25 =	simm.s32 $0x7C00;
	s26 =	sld [smem:$0x7F0];
	s23 =	sadd.s32 $0x300, s0  }
0x36: {  	[tilespmem:s24], [sflag:$0x2] =	stream.linear.gather [hbm4b:s23+s2], $0x280, $0x38;
	[tilespmem:$0x1C000] =	vst v63  }
0x37: {  	s28 =	simm.s32 $0x8000;
	[smem:$0x7EA] =	sst s1;
	s0 =	sadd.s32 $0x380, s0  }
0x38: {  	[tilespmem:s25], [sflag:$0x2] =	stream.linear.gather [hbm4b:s0+s2], $0x280, $0x38;
	[tilespmem:$0x1C000] =	vst v63  }
0x39: {  	s30 =	simm.s32 $0x1;
	[smem:$0x7EB] =	sst s6;
	s0 =	sadd.s32 s6, s26  }
0x3a: {  	[tilespmem:s28], [sflag:$0x2] =	stream.strided.gather [hbm4b:s0+s4], $0x4000, s3, s4, $0x38;
	[tilespmem:$0x1C000] =	vst v63  }
0x3b: {  	_ =	swait.ge [sflag:s30], $0x1400  }
0x3c: {  	[sflag:s30] =	ssyncset.done $0x0  }
0x3d: {  	[sflag:s30] =	ssyncadd.s32 $0xFFFFEC00  }
0x3e: {  	_ =	swait.ge [sflag:s30], $0x4000  }
0x3f: {  	p0 =	seq.s32 s7, $0x0;
	s23 =	simm.s32 $0x0;
	[sflag:s30] =	ssyncset.done $0x0  }
0x40: {  	s0 =	simm.s32 @!p0 $0x3;
	[smem:$0x7EC] =	sst s7;
	[sflag:s30] =	ssyncadd.s32 $0xFFFFC000  }
0x41: {  	p1 =	por $0x0, $0x0;
	s1 =	sand.u32 $0x40, s23;
	_ =	swait.ge @!p0 [sflag:s0], $0x8000  }
0x42: {  	s11 =	sand.u32 $0x1C00, s23;
	s10 =	sor.u32 $0x30, s1;
	[sflag:s0] =	ssyncset.done @!p0 $0x0  }
0x43: {  	s31 =	sor.u32 s11, s10;
	[sflag:s0] =	ssyncadd.s32 @!p0 $0xFFFF8000;
	s0 =	simm.s32 $0x1  }
0x44: {  	s0 =	simm.s32 @!p1 $0x0;
	v0 =	vld [tilespmem:s31+$0x2000]  }
0x45: {  	v1 =	vld [tilespmem:s31+$0x2080];
	s0 =	sshll.u32 s0, $0x6  }
0x46: {  	v2 =	vld [tilespmem:s31+$0x2100];
	s0 =	sadd.s32 $0x0, s0  }
0x47: {  	v3 =	vld [tilespmem:s31+$0x2180];
	s6 =	sadd.s32 $0x30, s0  }
0x48: {  	v4 =	vld [tilespmem:s31+$0x0];
	s8 =	sor.u32 $0x4280, s6  }
0x49: {  	v5 =	vld [tilespmem:s8+$0x0]  }
0x4a: {  	v6 =	vld [tilespmem:s31+$0x4000]  }
0x4b: {  	v7 =	vld [tilespmem:s31+$0x4080]  }
0x4c: {  	v8 =	vld [tilespmem:s31+$0x4100]  }
0x4d: {  	v9 =	vld [tilespmem:s31+$0x80];
	s12 =	sor.u32 $0x2280, s6  }
0x4e: {  	s7 =	sor.u32 $0x2200, s6;
	v10 =	vld [tilespmem:s12+$0x0];
	v11 =	vmul.f32 v5, v4  }
0x4f: {  	v12 =	vld [tilespmem:s7+$0x0]  }
0x50: {  	v17 =	vld [tilespmem:s31+$0x4180];
	s16 =	sor.u32 $0x4200, s6;
	v13 =	vmul.f32 v11, v0  }
0x51: {  	s19 =	sor.u32 $0x200, s6;
	v14 =	vld [tilespmem:s16+$0x0];
	v15 =	vmul.f32 v11, v1  }
0x52: {  	v16 =	vld [tilespmem:s19+$0x0];
	[tilespmem:s31+$0xC000] =	vst v13;
	v13 =	vmul.f32 v11, v2  }
0x53: {  	v18 =	vld [tilespmem:s31+$0x100];
	v9 =	vmul.f32 v10, v9;
	[tilespmem:s31+$0xC080] =	vst v15;
	v15 =	vmul.f32 v11, v3  }
0x54: {  	v11 =	vmul.f32 v11, v12;
	[tilespmem:s31+$0xC100] =	vst v13  }
0x55: {  	[tilespmem:s31+$0xC180] =	vst v15;
	v13 =	vmul.f32 v6, v9  }
0x56: {  	s20 =	sor.u32 $0x280, s6;
	v15 =	vld [tilespmem:s31+$0x180];
	[tilespmem:s19+$0xC000] =	vst v11;
	v11 =	vmul.f32 v7, v9  }
0x57: {  	s21 =	sor.u32 $0x300, s6;
	[tilespmem:s20+$0xC000] =	vst v13;
	v13 =	vmul.f32 v8, v9  }
0x58: {  	s18 =	sadd.s32 $0x10, s0;
	s2 =	sor.u32 $0x380, s6;
	v18 =	vmul.f32 v10, v18;
	[tilespmem:s21+$0xC000] =	vst v11;
	v11 =	vmul.f32 v17, v9  }
0x59: {  	s6 =	sadd.s32 $0x20, s0;
	s15 =	sor.u32 $0x4280, s18;
	v9 =	vmul.f32 v14, v9;
	[tilespmem:s2+$0xC000] =	vst v13  }
0x5a: {  	s9 =	sor.u32 $0x200, s6;
	v20 =	vld [tilespmem:s15+$0x0];
	[tilespmem:s31+$0xE000] =	vst v11;
	v11 =	vmul.f32 v6, v18  }
0x5b: {  	s4 =	sor.u32 $0x2280, s6;
	v21 =	vld [tilespmem:s9+$0x0];
	[tilespmem:s31+$0xE080] =	vst v9;
	v9 =	vmul.f32 v7, v18  }
0x5c: {  	s14 =	sor.u32 $0x10, s1;
	s29 =	sor.u32 $0x4280, s6;
	v22 =	vld [tilespmem:s4+$0x0];
	[tilespmem:s31+$0xE100] =	vst v11;
	v11 =	vmul.f32 v8, v18  }
0x5d: {  	s13 =	sor.u32 s11, s14;
	v23 =	vld [tilespmem:s29+$0x0];
	v15 =	vmul.f32 v10, v15;
	[tilespmem:s31+$0xE180] =	vst v9;
	v9 =	vmul.f32 v17, v18  }
0x5e: {  	v5 =	vmul.f32 v5, v16;
	v16 =	vld [tilespmem:s13+$0x4180];
	s20 =	sor.u32 $0x200, s18;
	s2 =	sor.u32 $0xE300, s11;
	[tilespmem:s7+$0xC000] =	vst v11;
	v11 =	vmul.f32 v14, v18  }
0x5f: {  	s3 =	sor.u32 $0xE380, s11;
	s17 =	sor.u32 $0x2280, s18;
	v4 =	vmul.f32 v10, v4;
	v19 =	vld [tilespmem:s20+$0x0];
	s22 =	sor.u32 s10, s2;
	v6 =	vmul.f32 v6, v15;
	[tilespmem:s12+$0xC000] =	vst v9  }
0x60: {  	s24 =	sor.u32 s10, s3;
	v13 =	vld [tilespmem:s17+$0x0];
	v7 =	vmul.f32 v7, v15;
	[tilespmem:s22+$0x0] =	vst v11  }
0x61: {  	v4 =	vmul.f32 v14, v4;
	v18 =	vld [tilespmem:s13+$0x0];
	[tilespmem:s24+$0x0] =	vst v6  }
0x62: {  	v14 =	vld [tilespmem:s13+$0x4080];
	[tilespmem:s31+$0x10000] =	vst v7;
	v7 =	vmul.f32 v17, v15  }
0x63: {  	v9 =	vld [tilespmem:s13+$0x80];
	v6 =	vmul.f32 v8, v15;
	[tilespmem:s31+$0x10180] =	vst v4  }
0x64: {  	v0 =	vmul.f32 v5, v0;
	[tilespmem:s31+$0x10100] =	vst v7;
	v7 =	vld [tilespmem:s13+$0x2000]  }
0x65: {  	v1 =	vmul.f32 v5, v1;
	v4 =	vld [tilespmem:s13+$0x2080];
	[tilespmem:s31+$0x10080] =	vst v6  }
0x66: {  	s22 =	sor.u32 $0x10300, s11;
	[tilespmem:s16+$0xC000] =	vst v0;
	v0 =	vmul.f32 v5, v2;
	v2 =	vld [tilespmem:s13+$0x2100]  }
0x67: {  	s21 =	sor.u32 $0x2200, s18;
	s7 =	sor.u32 $0x10380, s11;
	s25 =	sor.u32 s10, s22;
	v10 =	vmul.f32 v20, v18;
	[tilespmem:s8+$0xC000] =	vst v1;
	v1 =	vmul.f32 v5, v3;
	v3 =	vld [tilespmem:s13+$0x2180]  }
0x68: {  	s26 =	sor.u32 s10, s7;
	v6 =	vld [tilespmem:s21+$0x0];
	s8 =	sor.u32 $0x12000, s11;
	[tilespmem:s25+$0x0] =	vst v0;
	v0 =	vmul.f32 v5, v12  }
0x69: {  	s28 =	sor.u32 s10, s8;
	[tilespmem:s26+$0x0] =	vst v1;
	v1 =	vld [tilespmem:s13+$0x4000];
	v12 =	vmul.f32 v10, v7  }
0x6a: {  	s19 =	sor.u32 $0x4200, s18;
	v11 =	vld [tilespmem:s13+$0x100];
	[tilespmem:s28+$0x0] =	vst v0;
	v0 =	vmul.f32 v10, v4  }
0x6b: {  	v5 =	vld [tilespmem:s19+$0x0];
	[tilespmem:s13+$0xC000] =	vst v12;
	v12 =	vmul.f32 v10, v2  }
0x6c: {  	v15 =	vld [tilespmem:s13+$0x4100];
	v9 =	vmul.f32 v13, v9;
	[tilespmem:s13+$0xC080] =	vst v0;
	v0 =	vmul.f32 v10, v3  }
0x6d: {  	v8 =	vld [tilespmem:s13+$0x180];
	s16 =	sor.u32 $0x200, s0;
	s26 =	sor.u32 $0x20, s1;
	v10 =	vmul.f32 v10, v6;
	[tilespmem:s13+$0xC100] =	vst v12  }
0x6e: {  	v17 =	vld [tilespmem:s16+$0x0];
	s12 =	sor.u32 s11, s26;
	v12 =	vmul.f32 v20, v19;
	v20 =	vmul.f32 v1, v9;
	[tilespmem:s13+$0xC180] =	vst v0  }
0x6f: {  	s30 =	sor.u32 $0x280, s18;
	v19 =	vld [tilespmem:s12+$0x0];
	v0 =	vmul.f32 v23, v21;
	v21 =	vmul.f32 v14, v9;
	[tilespmem:s20+$0xC000] =	vst v10  }
0x70: {  	s31 =	sor.u32 $0x300, s18;
	v10 =	vld [tilespmem:s12+$0x80];
	[tilespmem:s30+$0xC000] =	vst v20  }
0x71: {  	s5 =	sor.u32 $0x4280, s0;
	v24 =	vmul.f32 v15, v9;
	v20 =	vld [tilespmem:s12+$0x100];
	[tilespmem:s31+$0xC000] =	vst v21  }
0x72: {  	s18 =	sor.u32 $0x380, s18;
	v25 =	vmul.f32 v16, v9;
	v21 =	vld [tilespmem:s12+$0x180];
	[smem:$0x7ED] =	sst s5  }
0x73: {  	v11 =	vmul.f32 v13, v11;
	[tilespmem:s18+$0xC000] =	vst v24  }
0x74: {  	v8 =	vmul.f32 v13, v8;
	s11 =	sor.u32 s1, s11;
	v9 =	vmul.f32 v5, v9;
	s20 =	sor.u32 $0x2280, s0;
	v26 =	vld [tilespmem:s5+$0x0];
	[tilespmem:s13+$0xE000] =	vst v25  }
0x75: {  	v13 =	vmul.f32 v13, v18;
	v18 =	vld [tilespmem:s11+$0x0];
	v24 =	vmul.f32 v1, v11;
	[dreg:$0x4] =	wrdreg s20  }
0x76: {  	v27 =	vmul.f32 v14, v11;
	[tilespmem:s13+$0xE080] =	vst v9  }
0x77: {  	v28 =	vmul.f32 v15, v11;
	[tilespmem:s13+$0xE100] =	vst v24  }
0x78: {  	v29 =	vmul.f32 v16, v11;
	v25 =	vld [tilespmem:s20+$0x0];
	[tilespmem:s13+$0xE180] =	vst v27  }
0x79: {  	v11 =	vmul.f32 v5, v11;
	v9 =	vld [tilespmem:s11+$0x80];
	[tilespmem:s21+$0xC000] =	vst v28  }
0x7a: {  	s25 =	sor.u32 s14, s2;
	v1 =	vmul.f32 v1, v8;
	v24 =	vld [tilespmem:s11+$0x100];
	[tilespmem:s17+$0xC000] =	vst v29  }
0x7b: {  	s24 =	sor.u32 $0x2200, s6;
	v14 =	vmul.f32 v14, v8;
	s30 =	sor.u32 s14, s3;
	v23 =	vmul.f32 v23, v19;
	v27 =	vld [tilespmem:s11+$0x180];
	[tilespmem:s25+$0x0] =	vst v11  }
0x7c: {  	s28 =	sor.u32 $0x2200, s0;
	v10 =	vmul.f32 v22, v10;
	v20 =	vmul.f32 v22, v20;
	s17 =	sor.u32 $0x4200, s6;
	v29 =	vld [tilespmem:s24+$0x0];
	[tilespmem:s30+$0x0] =	vst v1  }
0x7d: {  	s31 =	sor.u32 $0x4200, s0;
	v21 =	vmul.f32 v22, v21;
	v22 =	vmul.f32 v22, v19;
	v11 =	vld [tilespmem:s17+$0x0];
	[dreg:$0x9] =	wrdreg s28  }
0x7e: {  	v1 =	vmul.f32 v25, v9;
	v9 =	vmul.f32 v15, v8;
	v19 =	vld [tilespmem:s28+$0x0];
	[dreg:$0x18] =	wrdreg s31  }
0x7f: {  	v8 =	vmul.f32 v16, v8;
	[tilespmem:s13+$0x10000] =	vst v14  }
0x80: {  	v5 =	vmul.f32 v5, v13;
	[tilespmem:s13+$0x10080] =	vst v9  }
0x81: {  	v7 =	vmul.f32 v12, v7;
	v15 =	vld [tilespmem:s12+$0x2000];
	[tilespmem:s13+$0x10100] =	vst v8  }
0x82: {  	v4 =	vmul.f32 v12, v4;
	v2 =	vmul.f32 v12, v2;
	v9 =	vld [tilespmem:s12+$0x2080];
	[tilespmem:s13+$0x10180] =	vst v5  }
0x83: {  	v3 =	vmul.f32 v12, v3;
	v5 =	vmul.f32 v12, v6;
	v6 =	vld [tilespmem:s12+$0x2100];
	[tilespmem:s19+$0xC000] =	vst v7  }
0x84: {  	s10 =	sor.u32 s14, s22;
	v28 =	vmul.f32 v26, v18;
	v26 =	vmul.f32 v26, v17;
	v8 =	vld [tilespmem:s12+$0x2180];
	[tilespmem:s15+$0xC000] =	vst v4  }
0x85: {  	v31 =	vmul.f32 v25, v18;
	v32 =	vld [tilespmem:s31+$0x0];
	s13 =	sor.u32 s14, s7;
	v39 =	vmul.f32 v11, v22;
	[tilespmem:s10+$0x0] =	vst v2  }
0x86: {  	v12 =	vld [tilespmem:s12+$0x4000];
	v4 =	vmul.f32 v11, v10;
	s15 =	sor.u32 s14, s8;
	[tilespmem:s13+$0x0] =	vst v3;
	v17 =	vmul.f32 v23, v15  }
0x87: {  	v2 =	vmul.f32 v11, v20;
	v11 =	vld [tilespmem:s12+$0x4080];
	[tilespmem:s15+$0x0] =	vst v5;
	v18 =	vmul.f32 v23, v9  }
0x88: {  	v16 =	vld [tilespmem:s12+$0x4100];
	v22 =	vmul.f32 v23, v6;
	[tilespmem:s12+$0xC000] =	vst v17  }
0x89: {  	v38 =	vmul.f32 v25, v24;
	v5 =	vld [tilespmem:s12+$0x4180];
	v17 =	vmul.f32 v23, v8;
	[tilespmem:s12+$0xC080] =	vst v18  }
0x8a: {  	v25 =	vmul.f32 v25, v27;
	v7 =	vmul.f32 v23, v29;
	[tilespmem:s12+$0xC100] =	vst v22  }
0x8b: {  	v14 =	vmul.f32 v0, v29;
	v23 =	vmul.f32 v12, v10;
	[tilespmem:s12+$0xC180] =	vst v17  }
0x8c: {  	v40 =	vld [tilespmem:s11+$0x2080];
	s19 =	sor.u32 $0x280, s6;
	v13 =	vmul.f32 v28, v19;
	v24 =	vmul.f32 v11, v10;
	[tilespmem:s9+$0xC000] =	vst v7  }
0x8d: {  	s20 =	sor.u32 $0x300, s6;
	v41 =	vld [tilespmem:s11+$0x2100];
	v3 =	vmul.f32 v32, v1;
	v27 =	vmul.f32 v16, v10;
	[tilespmem:s19+$0xC000] =	vst v23  }
0x8e: {  	v48 =	vld [tilespmem:s11+$0x4100];
	s6 =	sor.u32 $0x380, s6;
	v44 =	vmul.f32 v12, v21;
	v10 =	vmul.f32 v5, v10;
	[tilespmem:s20+$0xC000] =	vst v24  }
0x8f: {  	v49 =	vld [tilespmem:s11+$0x4180];
	v47 =	vmul.f32 v16, v21;
	v37 =	vmul.f32 v0, v9;
	[tilespmem:s6+$0xC000] =	vst v27  }
0x90: {  	v29 =	vld [tilespmem:s11+$0x2000];
	v36 =	vmul.f32 v0, v6;
	v18 =	vmul.f32 v12, v20;
	[tilespmem:s12+$0xE000] =	vst v10  }
0x91: {  	v45 =	vld [tilespmem:s11+$0x4080];
	v35 =	vmul.f32 v0, v8;
	v22 =	vmul.f32 v11, v20;
	[tilespmem:s12+$0xE080] =	vst v4  }
0x92: {  	v33 =	vmul.f32 v28, v40;
	v7 =	vmul.f32 v16, v20;
	[tilespmem:s12+$0xE100] =	vst v18  }
0x93: {  	v30 =	vmul.f32 v28, v41;
	v43 =	vmul.f32 v5, v20;
	[tilespmem:s12+$0xE180] =	vst v22  }
0x94: {  	v9 =	vmul.f32 v48, v25;
	v6 =	vmul.f32 v49, v25;
	[tilespmem:s24+$0xC000] =	vst v7  }
0x95: {  	s21 =	sor.u32 s26, s2;
	v42 =	vld [tilespmem:s11+$0x2180];
	v34 =	vmul.f32 v28, v29;
	v12 =	vmul.f32 v49, v38;
	[tilespmem:s4+$0xC000] =	vst v43  }
0x96: {  	v8 =	vmul.f32 v45, v25;
	v46 =	vmul.f32 v11, v21;
	s24 =	sor.u32 s26, s3;
	[tilespmem:s21+$0x0] =	vst v2  }
0x97: {  	v11 =	vmul.f32 v32, v38;
	v5 =	vmul.f32 v5, v21;
	[tilespmem:s24+$0x0] =	vst v44  }
0x98: {  	s28 =	sor.u32 s1, s2;
	v21 =	vmul.f32 v0, v15;
	v20 =	vmul.f32 v48, v1;
	v23 =	vld [tilespmem:s11+$0x4000];
	[tilespmem:s12+$0x10000] =	vst v46  }
0x99: {  	v16 =	vmul.f32 v45, v38;
	v15 =	vmul.f32 v48, v38;
	[dreg:$0x5] =	wrdreg s28  }
0x9a: {  	s30 =	sor.u32 s1, s3;
	v0 =	vmul.f32 v26, v19;
	v27 =	vmul.f32 v28, v42;
	[tilespmem:s12+$0x10080] =	vst v47  }
0x9b: {  	s5 =	sor.u32 s1, s8;
	v22 =	vmul.f32 v45, v1;
	v18 =	vmul.f32 v49, v1;
	[dreg:$0x6] =	wrdreg s30  }
0x9c: {  	s25 =	sor.u32 s23, s23;
	s2 =	sor.u32 s1, s22;
	s31 =	simm.s32 $0x0;
	v4 =	vmul.f32 v26, v29;
	v7 =	vmul.f32 v32, v31;
	[tilespmem:s12+$0x10100] =	vst v5  }
0x9d: {  	s14 =	sor.u32 s26, s8;
	s13 =	sor.u32 $0x300, s0;
	s15 =	sor.u32 $0x380, s25;
	v24 =	vmul.f32 v23, v1;
	v17 =	vmul.f32 v23, v38;
	[tilespmem:s12+$0x10180] =	vst v39  }
0x9e: {  	s25 =	sor.u32 s26, s22;
	s20 =	sor.u32 $0x280, s0;
	v10 =	vmul.f32 v23, v25;
	v1 =	vmul.f32 v26, v42;
	[smem:$0x7EE] =	sst s31  }
0x9f: {  	s3 =	sor.u32 s1, s7;
	s4 =	sor.u32 s26, s7;
	s7 =	simm.s32 $0x40;
	v44 =	vmul.f32 v26, v41;
	v5 =	vmul.f32 v26, v40;
	[tilespmem:s17+$0xC000] =	vst v21  }
.LBB2_3:
0xa0: {  	[tilespmem:s29+$0xC000] =	vst v37  }
0xa1: {  	[tilespmem:s11+$0xC000] =	vst v34  }
0xa2: {  	[tilespmem:s11+$0xC080] =	vst v33  }
0xa3: {  	[smem:$0x7E2] =	sst s3;
	[tilespmem:s11+$0xC100] =	vst v30  }
0xa4: {  	[smem:$0x7E1] =	sst s2;
	[tilespmem:s11+$0xC180] =	vst v27  }
0xa5: {  	[dreg:$0x1f] =	wrdreg s5;
	p1 =	por !p1, !p1;
	s0 =	simm.s32 $0x1;
	[tilespmem:s25+$0x0] =	vst v36  }
0xa6: {  	s9 =	sand.u32 $0x40, s7;
	s23 =	sadd.s32 $0x200, s23;
	s0 =	simm.s32 @!p1 $0x0;
	[tilespmem:s16+$0xC000] =	vst v13  }
0xa7: {  	s18 =	sand.u32 $0x1C00, s23;
	s6 =	sor.u32 $0x30, s9;
	s0 =	sshll.u32 s0, $0x6;
	[tilespmem:s4+$0x0] =	vst v35  }
0xa8: {  	s30 =	sor.u32 s23, s7;
	s25 =	sor.u32 s18, s6;
	[tilespmem:s14+$0x0] =	vst v14;
	s14 =	sadd.s32 s0, s23  }
0xa9: {  	s5 =	sor.u32 $0x380, s30;
	[tilespmem:s20+$0xC000] =	vst v24;
	s0 =	smov.u32 s23;
	s3 =	sadd.s32 $0x10, s14  }
0xaa: {  	[tilespmem:s13+$0xC000] =	vst v22;
	s19 =	sadd.s32 $0x20, s14;
	s26 =	sadd.s32 $0x30, s14;
	s10 =	sor.u32 $0x200, s14  }
0xab: {  	s30 =	sor.u32 $0x2280, s14;
	s2 =	sor.u32 $0x4280, s14;
	[tilespmem:s15+$0xC000] =	vst v20;
	s15 =	sor.u32 $0x4200, s14  }
0xac: {  	v19 =	vld [tilespmem:s25+$0x2000];
	s20 =	sor.u32 $0x2200, s14;
	s31 =	sor.u32 $0x2200, s3;
	[smem:$0x7E0] =	sst s15  }
0xad: {  	v23 =	vld [tilespmem:s25+$0x2080];
	s22 =	sor.u32 $0x200, s3;
	s15 =	sor.u32 $0x300, s3;
	[smem:$0x7DB] =	sst s31  }
0xae: {  	v21 =	vld [tilespmem:s25+$0x2100];
	s23 =	sor.u32 $0x2280, s3;
	s31 =	sor.u32 $0x4200, s3;
	[smem:$0x7E6] =	sst s15  }
0xaf: {  	v25 =	vld [tilespmem:s25+$0x0];
	s4 =	sor.u32 $0x4280, s26;
	s15 =	sor.u32 $0x280, s19;
	[smem:$0x7DC] =	sst s31  }
0xb0: {  	v13 =	vld [tilespmem:s25+$0x4000];
	s24 =	sor.u32 $0x4280, s3;
	s31 =	sor.u32 $0x2200, s19;
	[dreg:$0x10] =	wrdreg s15  }
0xb1: {  	s29 =	sor.u32 $0x200, s19;
	v26 =	vld [tilespmem:s4+$0x0];
	s15 =	sor.u32 $0x300, s19;
	[smem:$0x7DD] =	sst s31  }
0xb2: {  	v24 =	vld [tilespmem:s25+$0x4080];
	s21 =	sor.u32 $0x2280, s19;
	s31 =	sor.u32 $0x4200, s19;
	[dreg:$0xe] =	wrdreg s15  }
0xb3: {  	v14 =	vld [tilespmem:s25+$0x2180];
	s16 =	sor.u32 $0x4280, s19;
	s15 =	sor.u32 $0x380, s19;
	[smem:$0x7DE] =	sst s31  }
0xb4: {  	v22 =	vld [tilespmem:s25+$0x4100];
	s19 =	sor.u32 $0x280, s14;
	s31 =	sor.u32 $0x280, s3;
	[dreg:$0xc] =	wrdreg s15  }
0xb5: {  	v20 =	vld [tilespmem:s25+$0x80];
	[tilespmem:s11+$0xE000] =	vst v18;
	s3 =	sor.u32 $0x380, s3;
	[smem:$0x7E5] =	sst s31;
	s31 =	sor.u32 $0x2280, s26  }
0xb6: {  	[tilespmem:s11+$0xE080] =	vst v3;
	s14 =	sor.u32 $0x300, s14;
	[smem:$0x7E7] =	sst s3;
	s3 =	sor.u32 $0x2200, s26;
	v18 =	vld [tilespmem:s31+$0x0];
	v27 =	vmul.f32 v26, v25  }
0xb7: {  	[tilespmem:s11+$0xE100] =	vst v17;
	[smem:$0x7DF] =	sst s14;
	v3 =	vld [tilespmem:s3+$0x0]  }
0xb8: {  	v17 =	vld [tilespmem:s25+$0x4180];
	[tilespmem:s11+$0xE180] =	vst v16;
	s14 =	sor.u32 $0x4200, s26;
	s15 =	rddreg [dreg:$0x9];
	v28 =	vmul.f32 v27, v19  }
0xb9: {  	[smem:$0x7E3] =	sst s19;
	s19 =	sor.u32 $0x200, s26;
	v29 =	vld [tilespmem:s14+$0x0];
	[tilespmem:s15+$0xC000] =	vst v15;
	v16 =	vmul.f32 v27, v23  }
0xba: {  	v30 =	vld [tilespmem:s19+$0x0];
	v15 =	vmul.f32 v27, v21;
	[tilespmem:s25+$0xC000] =	vst v28  }
0xbb: {  	v28 =	vld [tilespmem:s25+$0x100];
	[tilespmem:s25+$0xC080] =	vst v16;
	v16 =	vmul.f32 v27, v14;
	v20 =	vmul.f32 v18, v20  }
0xbc: {  	[tilespmem:s25+$0xC100] =	vst v15;
	v15 =	vmul.f32 v27, v3  }
0xbd: {  	s12 =	sor.u32 $0x10, s9;
	v32 =	vld [tilespmem:s23+$0x0];
	[tilespmem:s25+$0xC180] =	vst v16;
	v16 =	vmul.f32 v13, v20  }
0xbe: {  	[smem:$0x7E8] =	sst s23;
	s23 =	smov.u32 s0;
	s0 =	sor.u32 $0x280, s26;
	v27 =	vld [tilespmem:s25+$0x180];
	[tilespmem:s19+$0xC000] =	vst v15;
	v15 =	vmul.f32 v24, v20  }
0xbf: {  	s28 =	sor.u32 s18, s12;
	s19 =	sor.u32 $0x300, s26;
	[tilespmem:s0+$0xC000] =	vst v16;
	v16 =	vmul.f32 v22, v20  }
0xc0: {  	v39 =	vld [tilespmem:s28+$0x0];
	s15 =	smov.u32 s20;
	s20 =	sor.u32 $0x380, s26;
	v28 =	vmul.f32 v18, v28;
	[tilespmem:s19+$0xC000] =	vst v15;
	v15 =	vmul.f32 v17, v20  }
0xc1: {  	v40 =	vld [tilespmem:s28+$0x80];
	[tilespmem:s20+$0xC000] =	vst v16;
	v16 =	vmul.f32 v29, v20  }
0xc2: {  	v50 =	vld [tilespmem:s28+$0x100];
	[smem:$0x7E4] =	sst s22;
	[tilespmem:s25+$0xE000] =	vst v15;
	v15 =	vmul.f32 v13, v28  }
0xc3: {  	s8 =	sor.u32 $0x20, s9;
	[dreg:$0x19] =	wrdreg s24;
	v31 =	vld [tilespmem:s22+$0x0];
	v48 =	vmul.f32 v24, v28;
	[tilespmem:s25+$0xE080] =	vst v16  }
0xc4: {  	s1 =	sor.u32 s18, s8;
	[dreg:$0x14] =	wrdreg s21;
	v45 =	vld [tilespmem:s24+$0x0];
	[tilespmem:s25+$0xE100] =	vst v15;
	v15 =	vmul.f32 v22, v28  }
0xc5: {  	s17 =	sor.u32 s9, s18;
	v35 =	vld [tilespmem:s21+$0x0];
	s21 =	sld [smem:$0x7EE];
	s22 =	sor.u32 $0xE300, s18;
	v27 =	vmul.f32 v18, v27;
	v49 =	vmul.f32 v17, v28;
	[tilespmem:s25+$0xE180] =	vst v48  }
0xc6: {  	s13 =	smov.u32 s5;
	[dreg:$0x16] =	wrdreg s29;
	v46 =	vld [tilespmem:s29+$0x0];
	s5 =	sor.u32 s8, s22;
	v28 =	vmul.f32 v29, v28;
	[tilespmem:s3+$0xC000] =	vst v15  }
0xc7: {  	s24 =	sor.u32 $0xE380, s18;
	s29 =	sor.u32 s6, s22;
	[dreg:$0x1d] =	wrdreg s5;
	v47 =	vld [tilespmem:s10+$0x0];
	v13 =	vmul.f32 v13, v27;
	[tilespmem:s31+$0xC000] =	vst v49  }
0xc8: {  	v38 =	vld [tilespmem:s30+$0x0];
	s26 =	smov.u32 s16;
	s0 =	sadd.s32 $0x4, s21;
	v24 =	vmul.f32 v24, v27;
	[tilespmem:s29+$0x0] =	vst v28;
	s29 =	sor.u32 s6, s24  }
0xc9: {  	s21 =	sor.u32 $0x10380, s18;
	[smem:$0x7EE] =	sst s0;
	p2 =	slt.u32 s0, $0x3C;
	v18 =	vmul.f32 v18, v25;
	v25 =	vld [tilespmem:s1+$0x0];
	[tilespmem:s29+$0x0] =	vst v13;
	v13 =	vmul.f32 v22, v27  }
0xca: {  	s19 =	sor.u32 s9, s24;
	v20 =	vld [tilespmem:s16+$0x0];
	s16 =	smov.u32 s10;
	s20 =	sor.u32 s8, s24;
	v17 =	vmul.f32 v17, v27;
	v22 =	vmul.f32 v26, v30;
	[tilespmem:s25+$0x10000] =	vst v24  }
0xcb: {  	s10 =	smov.u32 s2;
	[dreg:$0x1b] =	wrdreg s20;
	v16 =	vmul.f32 v45, v31;
	v31 =	vld [tilespmem:s2+$0x0];
	s2 =	sor.u32 s12, s22;
	[tilespmem:s25+$0x10080] =	vst v13;
	v13 =	vmul.f32 v29, v18  }
0xcc: {  	s5 =	sor.u32 s9, s21;
	[smem:$0x7E9] =	sst s2;
	s2 =	sor.u32 $0x12000, s18;
	v28 =	vld [tilespmem:s28+$0x180];
	[tilespmem:s25+$0x10100] =	vst v17;
	v17 =	vmul.f32 v22, v19  }
0xcd: {  	s20 =	sor.u32 s9, s2;
	s3 =	sor.u32 s9, s22;
	s22 =	sor.u32 s6, s21;
	v18 =	vld [tilespmem:s1+$0x100];
	[tilespmem:s25+$0x10180] =	vst v13;
	v13 =	vmul.f32 v22, v23  }
0xce: {  	s31 =	sor.u32 s12, s24;
	s24 =	sor.u32 s6, s2;
	v19 =	vld [tilespmem:s1+$0x180];
	s25 =	sor.u32 $0x10300, s18;
	[tilespmem:s14+$0xC000] =	vst v17;
	v17 =	vmul.f32 v22, v21  }
0xcf: {  	v23 =	vld [tilespmem:s17+$0x0];
	s18 =	sor.u32 s12, s21;
	s29 =	sor.u32 s9, s25;
	s0 =	sor.u32 s6, s25;
	[tilespmem:s4+$0xC000] =	vst v13;
	v13 =	vmul.f32 v22, v14  }
0xd0: {  	v29 =	vld [tilespmem:s17+$0x180];
	s9 =	sor.u32 s12, s25;
	s6 =	sor.u32 s12, s2;
	s12 =	sld [smem:$0x7DD];
	[tilespmem:s0+$0x0] =	vst v17  }
0xd1: {  	v3 =	vmul.f32 v22, v3;
	v27 =	vmul.f32 v32, v28;
	v28 =	vld [tilespmem:s17+$0x80];
	s0 =	rddreg [dreg:$0x4];
	[tilespmem:s22+$0x0] =	vst v13  }
0xd2: {  	s14 =	sor.u32 s8, s2;
	s2 =	smov.u32 s30;
	s30 =	rddreg [dreg:$0x6];
	v14 =	vld [tilespmem:s17+$0x100];
	[tilespmem:s0+$0xC000] =	vst v12  }
0xd3: {  	v56 =	vld [tilespmem:s28+$0x2080];
	s25 =	sor.u32 s8, s25;
	s4 =	sor.u32 s8, s21;
	s8 =	rddreg [dreg:$0x5];
	[tilespmem:s24+$0x0] =	vst v3  }
0xd4: {  	v42 =	vld [tilespmem:s1+$0x2100];
	s21 =	smov.u32 s3;
	s3 =	sld [smem:$0x7E0];
	v2 =	vmul.f32 v38, v23;
	[tilespmem:s8+$0x0] =	vst v11  }
0xd5: {  	v51 =	vmul.f32 v45, v39;
	v24 =	vmul.f32 v32, v40;
	v40 =	vld [tilespmem:s1+$0x2080];
	[dreg:$0x4] =	wrdreg s2;
	[tilespmem:s30+$0x0] =	vst v10  }
0xd6: {  	v53 =	vmul.f32 v35, v25;
	v52 =	vmul.f32 v20, v25;
	s22 =	sld [smem:$0x7DB];
	v54 =	vld [tilespmem:s12+$0x0];
	[tilespmem:$0x1FFF0] =	vst v2  }
0xd7: {  	v22 =	vmul.f32 v35, v18;
	v18 =	vmul.f32 v35, v19;
	s24 =	sld [smem:$0x7DC];
	v25 =	vld [tilespmem:s15+$0x0];
	[tilespmem:s11+$0x10000] =	vst v8  }
0xd8: {  	v19 =	vmul.f32 v31, v47;
	v17 =	vmul.f32 v31, v23;
	s8 =	sld [smem:$0x7DE];
	v31 =	vld [tilespmem:s3+$0x0];
	[tilespmem:s11+$0x10080] =	vst v9  }
0xd9: {  	v58 =	vmul.f32 v51, v56;
	[dreg:$0x5] =	wrdreg s21;
	v13 =	vld [tilespmem:s22+$0x0];
	[tilespmem:s11+$0x10100] =	vst v6  }
0xda: {  	v15 =	vmul.f32 v20, v46;
	v46 =	vmul.f32 v52, v40;
	s2 =	smov.u32 s19;
	s19 =	rddreg [dreg:$0x18];
	v3 =	vld [tilespmem:s24+$0x0];
	[tilespmem:s11+$0x10180] =	vst v7  }
0xdb: {  	v48 =	vmul.f32 v52, v42;
	[dreg:$0x6] =	wrdreg s2;
	v11 =	vmul.f32 v38, v14;
	v14 =	vld [tilespmem:s8+$0x0];
	[tilespmem:s28+$0xC080] =	vst v58  }
0xdc: {  	s30 =	sld [smem:$0x7ED];
	v9 =	vld [tilespmem:s28+$0x2000];
	[tilespmem:s1+$0xC080] =	vst v46  }
0xdd: {  	s21 =	smov.u32 s3;
	v7 =	vld [tilespmem:s28+$0x2100];
	s3 =	sld [smem:$0x7E1];
	[tilespmem:s1+$0xC100] =	vst v48  }
0xde: {  	s2 =	smov.u32 s10;
	s10 =	sld [smem:$0x7E2];
	[tilespmem:s19+$0xC000] =	vst v4;
	v4 =	vld [tilespmem:s28+$0x2180]  }
0xdf: {  	v2 =	vld [tilespmem:s28+$0x4080];
	[tilespmem:s30+$0xC000] =	vst v5  }
0xe0: {  	v5 =	vld [tilespmem:s28+$0x4000];
	[tilespmem:s3+$0x0] =	vst v44  }
0xe1: {  	s11 =	smov.u32 s17;
	s17 =	rddreg [dreg:$0x1f];
	v44 =	vld [tilespmem:s1+$0x2180];
	[tilespmem:s10+$0x0] =	vst v1;
	v57 =	vmul.f32 v51, v9  }
0xe2: {  	v30 =	vmul.f32 v32, v50;
	[dreg:$0x18] =	wrdreg s21;
	[tilespmem:s17+$0x0] =	vst v0;
	v59 =	vmul.f32 v51, v7  }
0xe3: {  	v32 =	vmul.f32 v32, v39;
	s19 =	sld [smem:$0x7E4];
	v1 =	vld [tilespmem:s28+$0x4100];
	v60 =	vmul.f32 v51, v4;
	[tilespmem:s28+$0xC000] =	vst v57  }
0xe4: {  	v39 =	vmul.f32 v16, v56;
	s21 =	sld [smem:$0x7E5];
	v10 =	vmul.f32 v51, v13;
	v0 =	vld [tilespmem:s28+$0x4180];
	[tilespmem:s28+$0xC100] =	vst v59  }
0xe5: {  	[smem:$0x7ED] =	sst s2;
	v8 =	vmul.f32 v16, v13;
	v61 =	vmul.f32 v5, v24;
	[tilespmem:s28+$0xC180] =	vst v60  }
0xe6: {  	s2 =	smov.u32 s29;
	s29 =	smov.u32 s26;
	s26 =	sld [smem:$0x7E6];
	v63 =	vmul.f32 v2, v24;
	v49 =	vmul.f32 v52, v44;
	[tilespmem:s19+$0xC000] =	vst v10  }
0xe7: {  	v26 =	vld [tilespmem:s1+$0x80];
	s30 =	sld [smem:$0x7E7];
	v9 =	vmul.f32 v16, v9;
	v7 =	vmul.f32 v16, v7;
	[tilespmem:s21+$0xC000] =	vst v61  }
0xe8: {  	v4 =	vmul.f32 v16, v4;
	v16 =	vld [tilespmem:s1+$0x2000];
	v10 =	vmul.f32 v1, v24;
	[tilespmem:s1+$0xC180] =	vst v49  }
0xe9: {  	v55 =	vmul.f32 v3, v24;
	v24 =	vmul.f32 v0, v24;
	[tilespmem:s26+$0xC000] =	vst v63  }
0xea: {  	[tilespmem:s30+$0xC000] =	vst v10  }
0xeb: {  	v62 =	vmul.f32 v5, v30;
	[tilespmem:s28+$0xE000] =	vst v24  }
0xec: {  	v34 =	vld [tilespmem:s1+$0x4000];
	v20 =	vmul.f32 v35, v26;
	v41 =	vmul.f32 v2, v30;
	[tilespmem:s28+$0xE080] =	vst v55  }
0xed: {  	v29 =	vmul.f32 v38, v29;
	v45 =	vmul.f32 v52, v16;
	[tilespmem:s28+$0xE100] =	vst v62  }
0xee: {  	v12 =	vmul.f32 v38, v28;
	v43 =	vmul.f32 v1, v30;
	[tilespmem:s28+$0xE180] =	vst v41  }
0xef: {  	v35 =	vld [tilespmem:s1+$0x4080];
	s10 =	sld [smem:$0x7E8];
	v6 =	vmul.f32 v3, v32;
	v32 =	vmul.f32 v52, v54;
	[tilespmem:s1+$0xC000] =	vst v45  }
0xf0: {  	v38 =	vmul.f32 v3, v30;
	v30 =	vmul.f32 v0, v30;
	s21 =	rddreg [dreg:$0x16];
	v10 =	vld [tilespmem:s1+$0x4100];
	[tilespmem:s22+$0xC000] =	vst v43  }
0xf1: {  	s17 =	sld [smem:$0x7E9];
	v51 =	vmul.f32 v34, v20;
	v24 =	vld [tilespmem:s1+$0x4180];
	[tilespmem:s21+$0xC000] =	vst v32  }
0xf2: {  	s22 =	rddreg [dreg:$0x10];
	[tilespmem:s10+$0xC000] =	vst v30  }
0xf3: {  	v5 =	vmul.f32 v5, v27;
	[tilespmem:s22+$0xC000] =	vst v51  }
0xf4: {  	v2 =	vmul.f32 v2, v27;
	[tilespmem:s17+$0x0] =	vst v38  }
0xf5: {  	v1 =	vmul.f32 v1, v27;
	[tilespmem:s31+$0x0] =	vst v5  }
0xf6: {  	v0 =	vmul.f32 v0, v27;
	[tilespmem:s28+$0x10000] =	vst v2  }
0xf7: {  	[tilespmem:s28+$0x10080] =	vst v1  }
0xf8: {  	v36 =	vmul.f32 v15, v42;
	v37 =	vmul.f32 v15, v40;
	[tilespmem:s28+$0x10100] =	vst v0  }
0xf9: {  	v13 =	vmul.f32 v17, v25;
	v28 =	vmul.f32 v14, v20;
	[tilespmem:s28+$0x10180] =	vst v6  }
0xfa: {  	v26 =	vmul.f32 v14, v22;
	v50 =	vld [tilespmem:s11+$0x2080];
	s19 =	rddreg [dreg:$0x19];
	v41 =	vmul.f32 v35, v20;
	[tilespmem:s24+$0xC000] =	vst v9  }
0xfb: {  	v23 =	vmul.f32 v14, v53;
	v14 =	vmul.f32 v15, v54;
	v53 =	vld [tilespmem:s11+$0x2100];
	s24 =	rddreg [dreg:$0xe];
	[tilespmem:s19+$0xC000] =	vst v39  }
0xfc: {  	v21 =	vmul.f32 v31, v12;
	v47 =	vld [tilespmem:s11+$0x2000];
	v43 =	vmul.f32 v10, v20;
	[tilespmem:s24+$0xC000] =	vst v41  }
0xfd: {  	v54 =	vmul.f32 v35, v22;
	v61 =	vmul.f32 v35, v18;
	s26 =	rddreg [dreg:$0xc];
	[tilespmem:s9+$0x0] =	vst v7  }
0xfe: {  	v57 =	vld [tilespmem:s11+$0x4000];
	v52 =	vmul.f32 v34, v22;
	v58 =	vmul.f32 v24, v20;
	[tilespmem:s26+$0xC000] =	vst v43  }
0xff: {  	v60 =	vld [tilespmem:s11+$0x4080];
	v33 =	vmul.f32 v17, v50;
	v35 =	vmul.f32 v15, v44;
	[tilespmem:s18+$0x0] =	vst v4  }
0x100: {  	v55 =	vld [tilespmem:s11+$0x2180];
	v44 =	vmul.f32 v19, v53;
	v30 =	vmul.f32 v17, v53;
	[tilespmem:s1+$0xE000] =	vst v58  }
0x101: {  	v62 =	vld [tilespmem:s11+$0x4100];
	v38 =	vmul.f32 v34, v18;
	v34 =	vmul.f32 v17, v47;
	[tilespmem:s1+$0xE080] =	vst v28  }
0x102: {  	v56 =	vmul.f32 v10, v22;
	v63 =	vmul.f32 v10, v18;
	[tilespmem:s1+$0xE100] =	vst v52  }
0x103: {  	v10 =	vmul.f32 v57, v29;
	v59 =	vmul.f32 v24, v22;
	[tilespmem:s1+$0xE180] =	vst v54  }
0x104: {  	v5 =	vld [tilespmem:s11+$0x4180];
	v3 =	vmul.f32 v24, v18;
	v2 =	vmul.f32 v15, v16;
	[tilespmem:s6+$0x0] =	vst v8  }
0x105: {  	v27 =	vmul.f32 v17, v55;
	v24 =	vmul.f32 v57, v12;
	s28 =	rddreg [dreg:$0x14];
	[tilespmem:s12+$0xC000] =	vst v56  }
0x106: {  	s30 =	rddreg [dreg:$0x1d];
	v22 =	vmul.f32 v60, v12;
	v20 =	vmul.f32 v62, v12;
	[tilespmem:s28+$0xC000] =	vst v59  }
0x107: {  	s31 =	rddreg [dreg:$0x1b];
	v17 =	vmul.f32 v57, v11;
	v16 =	vmul.f32 v60, v11;
	[tilespmem:s30+$0x0] =	vst v26  }
0x108: {  	v15 =	vmul.f32 v62, v11;
	v0 =	vld [tilespmem:$0x1FFF0];
	v1 =	vmul.f32 v19, v55;
	[tilespmem:s31+$0x0] =	vst v38  }
.Ltmp0:
0x109: {  	v9 =	vmul.f32 v62, v29;
	v18 =	vmul.f32 v5, v12;
	[tilespmem:s1+$0x10000] =	vst v61;
	(pc) =	sbr.rel @p2 .LBB2_3-.Ltmp0, $4  }
0x10a: {  	v12 =	vmul.f32 v5, v11;
	v11 =	vmul.f32 v31, v11;
	[tilespmem:s1+$0x10080] =	vst v63  }
0x10b: {  	[dreg:$0x9] =	wrdreg s15;
	v6 =	vmul.f32 v5, v29;
	v4 =	vmul.f32 v19, v47;
	[tilespmem:s1+$0x10100] =	vst v3  }
0x10c: {  	s7 =	sadd.s32 $0x40, s7;
	s15 =	smov.u32 s13;
	s13 =	sld [smem:$0x7DF];
	v5 =	vmul.f32 v19, v50;
	v8 =	vmul.f32 v60, v29;
	[tilespmem:s1+$0x10180] =	vst v23  }
0x10d: {  	s3 =	smov.u32 s5;
	s5 =	smov.u32 s20;
	s20 =	sld [smem:$0x7E3];
	v7 =	vmul.f32 v31, v0;
	v0 =	vmul.f32 v19, v25;
	v3 =	vmov v21;
	[tilespmem:s8+$0xC000] =	vst v2  }
0x10e: {  	[tilespmem:s29+$0xC000] =	vst v37  }
0x10f: {  	[tilespmem:s11+$0xC000] =	vst v34  }
0x110: {  	[tilespmem:s11+$0xC080] =	vst v33  }
0x111: {  	[tilespmem:s11+$0xC100] =	vst v30  }
0x112: {  	[tilespmem:s11+$0xC180] =	vst v27  }
0x113: {  	[tilespmem:s25+$0x0] =	vst v36  }
0x114: {  	[tilespmem:s16+$0xC000] =	vst v13  }
0x115: {  	[tilespmem:s4+$0x0] =	vst v35  }
0x116: {  	[tilespmem:s20+$0xC000] =	vst v24  }
0x117: {  	[tilespmem:s14+$0x0] =	vst v14  }
0x118: {  	[tilespmem:s13+$0xC000] =	vst v22  }
0x119: {  	[tilespmem:s15+$0xC000] =	vst v20  }
0x11a: {  	[tilespmem:s11+$0xE000] =	vst v18  }
0x11b: {  	[tilespmem:s11+$0xE080] =	vst v3  }
0x11c: {  	[tilespmem:s11+$0xE100] =	vst v17  }
0x11d: {  	[tilespmem:s11+$0xE180] =	vst v16  }
0x11e: {  	s0 =	rddreg [dreg:$0x9]  }
0x11f: {  	[tilespmem:s0+$0xC000] =	vst v15  }
0x120: {  	s0 =	rddreg [dreg:$0x4]  }
0x121: {  	[tilespmem:s0+$0xC000] =	vst v12  }
0x122: {  	s0 =	rddreg [dreg:$0x5]  }
0x123: {  	[tilespmem:s0+$0x0] =	vst v11  }
0x124: {  	s0 =	rddreg [dreg:$0x6]  }
0x125: {  	[tilespmem:s0+$0x0] =	vst v10  }
0x126: {  	[tilespmem:s11+$0x10000] =	vst v8  }
0x127: {  	[tilespmem:s11+$0x10080] =	vst v9  }
0x128: {  	[tilespmem:s11+$0x10100] =	vst v6  }
0x129: {  	[tilespmem:s11+$0x10180] =	vst v7  }
0x12a: {  	s0 =	rddreg [dreg:$0x18]  }
0x12b: {  	[tilespmem:s0+$0xC000] =	vst v4  }
0x12c: {  	s0 =	sld [smem:$0x7ED];
	_ =	sdelay $0x2  }
0x12d: {  	[tilespmem:s0+$0xC000] =	vst v5  }
0x12e: {  	[tilespmem:s2+$0x0] =	vst v44  }
0x12f: {  	[tilespmem:s3+$0x0] =	vst v1  }
0x130: {  	[tilespmem:s5+$0x0] =	vst v0  }
0x131: {  	s0 =	sld [smem:$0x7F2]  }
0x132: {  	s4 =	sld [smem:$0x7EA];
	_ =	sdelay $0x1  }
0x133: {  	s1 =	simm.s32 $0x800000  }
0x134: {  	s22 =	simm.s32 $0x2000;
	s23 =	simm.s32 $0xC000;
	s0 =	sadd.s32 s4, s0  }
0x135: {  	[hbm4b:s0+s22] =	stream.strided.scatter [tilespmem:s23], [sflag:$0x3], $0x8000, s1, s22, $0x38;
	[tilespmem:$0x1C000] =	vst v63  }
0x136: {  	s23 =	sld [smem:$0x7EC]  }
0x137: {  	s0 =	sld [smem:$0x7F3];
	_ =	sdelay $0x1  }
0x138: {  	p1 =	seq.s32 s23, $0xF  }
0x139: {  	s1 =	rddreg [dreg:$0x0];
	s0 =	sadd.s32 @!p1 s4, s0  }
0x13a: {  	s2 =	simm.s32 @!p1 $0x0;
	s1 =	sadd.s32 @!p1 s1, s0  }
0x13b: {  	[tilespmem:s2], [sflag:$0x1] =	stream.linear.gather @!p1 [hbm4b:s1+s2], $0x280, $0x38;
	[tilespmem:$0x1C000] =	vst v63  }
0x13c: {  	s4 =	simm.s32 @!p1 $0x400;
	s3 =	sadd.s32 @!p1 $0x80, s1  }
0x13d: {  	[tilespmem:s4], [sflag:$0x1] =	stream.linear.gather @!p1 [hbm4b:s3+s2], $0x280, $0x38;
	[tilespmem:$0x1C000] =	vst v63  }
0x13e: {  	s3 =	sadd.s32 @!p1 $0x100, s1;
	s4 =	simm.s32 @!p1 $0x800  }
0x13f: {  	[tilespmem:s4], [sflag:$0x1] =	stream.linear.gather @!p1 [hbm4b:s3+s2], $0x280, $0x38;
	[tilespmem:$0x1C000] =	vst v63  }
0x140: {  	s3 =	sadd.s32 @!p1 $0x180, s1;
	s4 =	simm.s32 @!p1 $0xC00  }
0x141: {  	[tilespmem:s4], [sflag:$0x1] =	stream.linear.gather @!p1 [hbm4b:s3+s2], $0x280, $0x38;
	[tilespmem:$0x1C000] =	vst v63  }
0x142: {  	s3 =	sadd.s32 @!p1 $0x200, s1;
	s4 =	simm.s32 @!p1 $0x1000  }
0x143: {  	[tilespmem:s4], [sflag:$0x1] =	stream.linear.gather @!p1 [hbm4b:s3+s2], $0x280, $0x38;
	[tilespmem:$0x1C000] =	vst v63  }
0x144: {  	s3 =	sadd.s32 @!p1 $0x280, s1;
	s4 =	simm.s32 @!p1 $0x1400  }
0x145: {  	[tilespmem:s4], [sflag:$0x1] =	stream.linear.gather @!p1 [hbm4b:s3+s2], $0x280, $0x38;
	[tilespmem:$0x1C000] =	vst v63  }
0x146: {  	s3 =	sadd.s32 @!p1 $0x300, s1;
	s4 =	simm.s32 @!p1 $0x1800  }
0x147: {  	[tilespmem:s4], [sflag:$0x1] =	stream.linear.gather @!p1 [hbm4b:s3+s2], $0x280, $0x38;
	[tilespmem:$0x1C000] =	vst v63  }
0x148: {  	s1 =	sadd.s32 @!p1 $0x380, s1;
	s3 =	simm.s32 @!p1 $0x1C00  }
0x149: {  	[tilespmem:s3], [sflag:$0x1] =	stream.linear.gather @!p1 [hbm4b:s1+s2], $0x280, $0x38;
	[tilespmem:$0x1C000] =	vst v63  }
0x14a: {  	s1 =	sld [smem:$0x7F0];
	_ =	sdelay $0x1  }
0x14b: {  	s24 =	simm.s32 $0x2  }
0x14c: {  	s2 =	simm.s32 @!p1 $0x2000;
	s0 =	sadd.s32 @!p1 s0, s1;
	s1 =	simm.s32 @!p1 $0x800000  }
0x14d: {  	[tilespmem:s2], [sflag:$0x1] =	stream.strided.gather @!p1 [hbm4b:s0+s2], $0x4000, s1, s2, $0x38;
	[tilespmem:$0x1C000] =	vst v63  }
0x14e: {  	_ =	swait.ge [sflag:s24], $0x1400  }
0x14f: {  	[sflag:s24] =	ssyncset.done $0x0  }
0x150: {  	[sflag:s24] =	ssyncadd.s32 $0xFFFFEC00  }
0x151: {  	_ =	swait.ge [sflag:s24], $0x4000  }
0x152: {  	[sflag:s24] =	ssyncset.done $0x0  }
0x153: {  	s0 =	simm.s32 @!p0 $0x4;
	[sflag:s24] =	ssyncadd.s32 $0xFFFFC000  }
0x154: {  	s24 =	simm.s32 $0x0;
	_ =	swait.ge @!p0 [sflag:s0], $0x8000  }
0x155: {  	s1 =	sand.u32 $0x40, s24;
	[sflag:s0] =	ssyncset.done @!p0 $0x0  }
0x156: {  	s10 =	sand.u32 $0x1C00, s24;
	s11 =	sor.u32 $0x30, s1;
	[sflag:s0] =	ssyncadd.s32 @!p0 $0xFFFF8000  }
0x157: {  	p0 =	por $0x0, $0x0;
	s25 =	sor.u32 s10, s11;
	s0 =	simm.s32 $0x1  }
0x158: {  	s0 =	simm.s32 @!p0 $0x0;
	v0 =	vld [tilespmem:s25+$0x8000]  }
0x159: {  	v1 =	vld [tilespmem:s25+$0x8080];
	s0 =	sshll.u32 s0, $0x6  }
0x15a: {  	v2 =	vld [tilespmem:s25+$0x8100];
	s0 =	sadd.s32 $0x0, s0  }
0x15b: {  	v3 =	vld [tilespmem:s25+$0x8180];
	s28 =	sadd.s32 $0x30, s0  }
0x15c: {  	v4 =	vld [tilespmem:s25+$0x6000];
	s8 =	sor.u32 $0x4280, s28  }
0x15d: {  	v5 =	vld [tilespmem:s8+$0x6000]  }
0x15e: {  	v6 =	vld [tilespmem:s25+$0xA000]  }
0x15f: {  	v7 =	vld [tilespmem:s25+$0xA080]  }
0x160: {  	v8 =	vld [tilespmem:s25+$0xA100]  }
0x161: {  	v9 =	vld [tilespmem:s25+$0x6080];
	s29 =	sor.u32 $0x2280, s28  }
0x162: {  	s31 =	sor.u32 $0x2200, s28;
	v10 =	vld [tilespmem:s29+$0x6000];
	v11 =	vmul.f32 v5, v4  }
0x163: {  	v12 =	vld [tilespmem:s31+$0x6000]  }
0x164: {  	v17 =	vld [tilespmem:s25+$0xA180];
	s7 =	sor.u32 $0x4200, s28;
	v13 =	vmul.f32 v11, v0  }
0x165: {  	s6 =	sor.u32 $0x200, s28;
	v14 =	vld [tilespmem:s7+$0x6000];
	v15 =	vmul.f32 v11, v1  }
0x166: {  	v16 =	vld [tilespmem:s6+$0x6000];
	[tilespmem:s25+$0x14000] =	vst v13;
	v13 =	vmul.f32 v11, v2  }
0x167: {  	v18 =	vld [tilespmem:s25+$0x6100];
	v9 =	vmul.f32 v10, v9;
	[tilespmem:s25+$0x14080] =	vst v15;
	v15 =	vmul.f32 v11, v3  }
0x168: {  	v11 =	vmul.f32 v11, v12;
	[tilespmem:s25+$0x14100] =	vst v13  }
0x169: {  	[tilespmem:s25+$0x14180] =	vst v15;
	v13 =	vmul.f32 v6, v9  }
0x16a: {  	s9 =	sor.u32 $0x280, s28;
	v15 =	vld [tilespmem:s25+$0x6180];
	[tilespmem:s6+$0x14000] =	vst v11;
	v11 =	vmul.f32 v7, v9  }
0x16b: {  	s12 =	sor.u32 $0x300, s28;
	[tilespmem:s9+$0x14000] =	vst v13;
	v13 =	vmul.f32 v8, v9  }
0x16c: {  	s17 =	sadd.s32 $0x10, s0;
	s2 =	sor.u32 $0x380, s28;
	v18 =	vmul.f32 v10, v18;
	[tilespmem:s12+$0x14000] =	vst v11;
	v11 =	vmul.f32 v17, v9  }
0x16d: {  	s20 =	sor.u32 $0x200, s17;
	v9 =	vmul.f32 v14, v9;
	[tilespmem:s2+$0x14000] =	vst v13  }
0x16e: {  	s16 =	sor.u32 $0x10, s1;
	s28 =	sor.u32 $0x4280, s17;
	v19 =	vld [tilespmem:s20+$0x6000];
	[tilespmem:s25+$0x16000] =	vst v11;
	v11 =	vmul.f32 v6, v18  }
0x16f: {  	s18 =	sor.u32 s10, s16;
	v20 =	vld [tilespmem:s28+$0x6000];
	s6 =	sadd.s32 $0x20, s0;
	[tilespmem:s25+$0x16080] =	vst v9;
	v9 =	vmul.f32 v7, v18  }
0x170: {  	v5 =	vmul.f32 v5, v16;
	v16 =	vld [tilespmem:s18+$0xA180];
	s9 =	sor.u32 $0x200, s6;
	[tilespmem:s25+$0x16100] =	vst v11;
	v11 =	vmul.f32 v8, v18  }
0x171: {  	s26 =	sor.u32 $0x4280, s6;
	v21 =	vld [tilespmem:s9+$0x6000];
	v15 =	vmul.f32 v10, v15;
	[tilespmem:s25+$0x16180] =	vst v9;
	v9 =	vmul.f32 v17, v18  }
0x172: {  	s3 =	sor.u32 $0x16300, s10;
	s12 =	sor.u32 $0x2280, s17;
	v23 =	vld [tilespmem:s26+$0x6000];
	[tilespmem:s31+$0x14000] =	vst v11;
	v11 =	vmul.f32 v14, v18  }
0x173: {  	s4 =	sor.u32 $0x16380, s10;
	s13 =	sor.u32 s11, s3;
	v4 =	vmul.f32 v10, v4;
	v13 =	vld [tilespmem:s12+$0x6000];
	s2 =	sor.u32 $0x2280, s6;
	v6 =	vmul.f32 v6, v15;
	[tilespmem:s29+$0x14000] =	vst v9  }
0x174: {  	s14 =	sor.u32 s11, s4;
	v22 =	vld [tilespmem:s2+$0x6000];
	v7 =	vmul.f32 v7, v15;
	[tilespmem:s13+$0x0] =	vst v11  }
0x175: {  	v4 =	vmul.f32 v14, v4;
	v18 =	vld [tilespmem:s18+$0x6000];
	[tilespmem:s14+$0x0] =	vst v6  }
0x176: {  	v14 =	vld [tilespmem:s18+$0xA080];
	[tilespmem:s25+$0x18000] =	vst v7;
	v7 =	vmul.f32 v17, v15  }
0x177: {  	v9 =	vld [tilespmem:s18+$0x6080];
	v6 =	vmul.f32 v8, v15;
	[tilespmem:s25+$0x18180] =	vst v4  }
0x178: {  	v0 =	vmul.f32 v5, v0;
	[tilespmem:s25+$0x18100] =	vst v7;
	v7 =	vld [tilespmem:s18+$0x8000]  }
0x179: {  	v1 =	vmul.f32 v5, v1;
	v4 =	vld [tilespmem:s18+$0x8080];
	[tilespmem:s25+$0x18080] =	vst v6  }
0x17a: {  	s22 =	sor.u32 $0x18300, s10;
	[tilespmem:s7+$0x14000] =	vst v0;
	v0 =	vmul.f32 v5, v2;
	v2 =	vld [tilespmem:s18+$0x8100]  }
0x17b: {  	s15 =	sor.u32 s11, s22;
	s21 =	sor.u32 $0x2200, s17;
	v10 =	vmul.f32 v20, v18;
	s7 =	sor.u32 $0x18380, s10;
	[tilespmem:s8+$0x14000] =	vst v1;
	v1 =	vmul.f32 v5, v3;
	v3 =	vld [tilespmem:s18+$0x8180]  }
0x17c: {  	v6 =	vld [tilespmem:s21+$0x6000];
	s8 =	sor.u32 $0x1A000, s10;
	s25 =	sor.u32 s11, s7;
	[tilespmem:s15+$0x0] =	vst v0;
	v0 =	vmul.f32 v5, v12  }
0x17d: {  	s29 =	sor.u32 s11, s8;
	[tilespmem:s25+$0x0] =	vst v1;
	v1 =	vld [tilespmem:s18+$0xA000];
	v12 =	vmul.f32 v10, v7  }
0x17e: {  	s19 =	sor.u32 $0x4200, s17;
	v11 =	vld [tilespmem:s18+$0x6100];
	[tilespmem:s29+$0x0] =	vst v0;
	v0 =	vmul.f32 v10, v4  }
0x17f: {  	v5 =	vld [tilespmem:s19+$0x6000];
	[tilespmem:s18+$0x14000] =	vst v12;
	v12 =	vmul.f32 v10, v2  }
0x180: {  	v15 =	vld [tilespmem:s18+$0xA100];
	v9 =	vmul.f32 v13, v9;
	[tilespmem:s18+$0x14080] =	vst v0;
	v0 =	vmul.f32 v10, v3  }
0x181: {  	v8 =	vld [tilespmem:s18+$0x6180];
	s14 =	sor.u32 $0x200, s0;
	s11 =	sor.u32 $0x20, s1;
	v10 =	vmul.f32 v10, v6;
	[tilespmem:s18+$0x14100] =	vst v12  }
0x182: {  	v17 =	vld [tilespmem:s14+$0x6000];
	s25 =	sor.u32 s10, s11;
	v12 =	vmul.f32 v20, v19;
	v20 =	vmul.f32 v1, v9;
	[tilespmem:s18+$0x14180] =	vst v0  }
0x183: {  	s31 =	sor.u32 $0x280, s17;
	v24 =	vmul.f32 v14, v9;
	v19 =	vld [tilespmem:s25+$0x6000];
	[tilespmem:s20+$0x14000] =	vst v10  }
0x184: {  	s13 =	sor.u32 $0x300, s17;
	v0 =	vmul.f32 v23, v21;
	v21 =	vld [tilespmem:s25+$0x6080];
	[tilespmem:s31+$0x14000] =	vst v20  }
0x185: {  	v25 =	vmul.f32 v15, v9;
	s15 =	sor.u32 $0x4280, s0;
	v10 =	vld [tilespmem:s25+$0x6100];
	[tilespmem:s13+$0x14000] =	vst v24  }
0x186: {  	v26 =	vmul.f32 v16, v9;
	s29 =	sor.u32 $0x380, s17;
	v20 =	vld [tilespmem:s25+$0x6180];
	[dreg:$0xb] =	wrdreg s15  }
0x187: {  	v11 =	vmul.f32 v13, v11;
	[tilespmem:s29+$0x14000] =	vst v25  }
0x188: {  	v8 =	vmul.f32 v13, v8;
	s10 =	sor.u32 s1, s10;
	v9 =	vmul.f32 v5, v9;
	s31 =	sor.u32 $0x2280, s0;
	v24 =	vld [tilespmem:s15+$0x6000];
	[tilespmem:s18+$0x16000] =	vst v26  }
0x189: {  	v13 =	vmul.f32 v13, v18;
	v18 =	vld [tilespmem:s10+$0x6000];
	v25 =	vmul.f32 v1, v11;
	[dreg:$0x3] =	wrdreg s31  }
0x18a: {  	v27 =	vmul.f32 v14, v11;
	[tilespmem:s18+$0x16080] =	vst v9  }
0x18b: {  	v28 =	vmul.f32 v15, v11;
	[tilespmem:s18+$0x16100] =	vst v25  }
0x18c: {  	v29 =	vmul.f32 v16, v11;
	v26 =	vld [tilespmem:s31+$0x6000];
	[tilespmem:s18+$0x16180] =	vst v27  }
0x18d: {  	v11 =	vmul.f32 v5, v11;
	v9 =	vld [tilespmem:s10+$0x6080];
	[tilespmem:s21+$0x14000] =	vst v28  }
0x18e: {  	s13 =	sor.u32 s16, s3;
	v1 =	vmul.f32 v1, v8;
	v25 =	vld [tilespmem:s10+$0x6100];
	[tilespmem:s12+$0x14000] =	vst v29  }
0x18f: {  	v14 =	vmul.f32 v14, v8;
	s20 =	sor.u32 $0x2200, s6;
	v23 =	vmul.f32 v23, v19;
	v27 =	vld [tilespmem:s10+$0x6180];
	s21 =	sor.u32 s16, s4;
	[tilespmem:s13+$0x0] =	vst v11  }
0x190: {  	s17 =	sor.u32 $0x4200, s6;
	v21 =	vmul.f32 v22, v21;
	s15 =	sor.u32 $0x2200, s0;
	v10 =	vmul.f32 v22, v10;
	v29 =	vld [tilespmem:s20+$0x6000];
	[tilespmem:s21+$0x0] =	vst v1  }
0x191: {  	s29 =	sor.u32 $0x4200, s0;
	v20 =	vmul.f32 v22, v20;
	v22 =	vmul.f32 v22, v19;
	v11 =	vld [tilespmem:s17+$0x6000];
	[dreg:$0x12] =	wrdreg s15  }
0x192: {  	v1 =	vmul.f32 v26, v9;
	v9 =	vmul.f32 v15, v8;
	v19 =	vld [tilespmem:s15+$0x6000];
	[dreg:$0xa] =	wrdreg s29  }
0x193: {  	v8 =	vmul.f32 v16, v8;
	[tilespmem:s18+$0x18000] =	vst v14  }
0x194: {  	v5 =	vmul.f32 v5, v13;
	[tilespmem:s18+$0x18080] =	vst v9  }
0x195: {  	v7 =	vmul.f32 v12, v7;
	v15 =	vld [tilespmem:s25+$0x8000];
	[tilespmem:s18+$0x18100] =	vst v8  }
0x196: {  	v4 =	vmul.f32 v12, v4;
	v2 =	vmul.f32 v12, v2;
	v9 =	vld [tilespmem:s25+$0x8080];
	[tilespmem:s18+$0x18180] =	vst v5  }
0x197: {  	v3 =	vmul.f32 v12, v3;
	v5 =	vmul.f32 v12, v6;
	v6 =	vld [tilespmem:s25+$0x8100];
	[tilespmem:s19+$0x14000] =	vst v7  }
0x198: {  	s31 =	sor.u32 s16, s22;
	v28 =	vmul.f32 v24, v18;
	v31 =	vmul.f32 v24, v17;
	v8 =	vld [tilespmem:s25+$0x8180];
	[tilespmem:s28+$0x14000] =	vst v4  }
0x199: {  	s12 =	sor.u32 s16, s7;
	v30 =	vmul.f32 v26, v18;
	v38 =	vmul.f32 v11, v22;
	[tilespmem:s31+$0x0] =	vst v2  }
0x19a: {  	s13 =	sor.u32 s16, s8;
	v12 =	vld [tilespmem:s25+$0xA000];
	v4 =	vmul.f32 v11, v21;
	[tilespmem:s12+$0x0] =	vst v3;
	v17 =	vmul.f32 v23, v15  }
0x19b: {  	v2 =	vmul.f32 v11, v10;
	v11 =	vld [tilespmem:s25+$0xA080];
	[tilespmem:s13+$0x0] =	vst v5;
	v18 =	vmul.f32 v23, v9  }
0x19c: {  	v16 =	vld [tilespmem:s25+$0xA100];
	v22 =	vmul.f32 v23, v6;
	[tilespmem:s25+$0x14000] =	vst v17  }
0x19d: {  	v5 =	vld [tilespmem:s25+$0xA180];
	v17 =	vmul.f32 v23, v8;
	[tilespmem:s25+$0x14080] =	vst v18  }
0x19e: {  	v7 =	vmul.f32 v23, v29;
	[tilespmem:s25+$0x14100] =	vst v22  }
0x19f: {  	v23 =	vmul.f32 v12, v21;
	[tilespmem:s25+$0x14180] =	vst v17  }
0x1a0: {  	v25 =	vmul.f32 v26, v25;
	s15 =	sor.u32 $0x280, s6;
	v24 =	vmul.f32 v11, v21;
	[tilespmem:s9+$0x14000] =	vst v7  }
0x1a1: {  	s16 =	sor.u32 $0x300, s6;
	v26 =	vmul.f32 v26, v27;
	v32 =	vld [tilespmem:s29+$0x6000];
	v27 =	vmul.f32 v16, v21;
	[tilespmem:s15+$0x14000] =	vst v23  }
0x1a2: {  	s6 =	sor.u32 $0x380, s6;
	v17 =	vmul.f32 v5, v21;
	[tilespmem:s16+$0x14000] =	vst v24  }
0x1a3: {  	[tilespmem:s6+$0x14000] =	vst v27  }
0x1a4: {  	v14 =	vmul.f32 v0, v29;
	v39 =	vld [tilespmem:s10+$0x8000];
	v18 =	vmul.f32 v12, v10;
	[tilespmem:s25+$0x16000] =	vst v17  }
0x1a5: {  	v40 =	vld [tilespmem:s10+$0x8080];
	v13 =	vmul.f32 v28, v19;
	v22 =	vmul.f32 v11, v10;
	[tilespmem:s25+$0x16080] =	vst v4  }
0x1a6: {  	v41 =	vld [tilespmem:s10+$0x8100];
	v3 =	vmul.f32 v32, v1;
	v7 =	vmul.f32 v16, v10;
	[tilespmem:s25+$0x16100] =	vst v18  }
0x1a7: {  	v46 =	vld [tilespmem:s10+$0xA100];
	v45 =	vmul.f32 v16, v20;
	v10 =	vmul.f32 v5, v10;
	[tilespmem:s25+$0x16180] =	vst v22  }
0x1a8: {  	v48 =	vld [tilespmem:s10+$0xA180];
	v47 =	vmul.f32 v0, v15;
	v37 =	vmul.f32 v0, v9;
	[tilespmem:s20+$0x14000] =	vst v7  }
0x1a9: {  	s18 =	sor.u32 s11, s3;
	v36 =	vmul.f32 v0, v6;
	v23 =	vmul.f32 v12, v20;
	[tilespmem:s2+$0x14000] =	vst v10  }
0x1aa: {  	v43 =	vld [tilespmem:s10+$0xA080];
	s19 =	sor.u32 s11, s4;
	v35 =	vmul.f32 v0, v8;
	v34 =	vmul.f32 v28, v39;
	[tilespmem:s18+$0x0] =	vst v2  }
0x1ab: {  	s21 =	sadd.s32 $0x1, s23;
	v42 =	vld [tilespmem:s10+$0x8180];
	v33 =	vmul.f32 v28, v40;
	v63 =	vmul.f32 v11, v20;
	[tilespmem:s19+$0x0] =	vst v23  }
0x1ac: {  	v29 =	vmul.f32 v28, v41;
	v15 =	vmul.f32 v46, v25;
	v21 =	vld [tilespmem:s10+$0xA000];
	[smem:$0x7D8] =	sst s21  }
0x1ad: {  	s23 =	sor.u32 $0x280, s0;
	v9 =	vmul.f32 v46, v26;
	v6 =	vmul.f32 v48, v26;
	[tilespmem:s25+$0x18000] =	vst v63  }
0x1ae: {  	s0 =	sor.u32 $0x300, s0;
	v44 =	vmul.f32 v31, v41;
	v0 =	vmul.f32 v31, v19;
	[dreg:$0x8] =	wrdreg s23  }
0x1af: {  	s28 =	sor.u32 s1, s3;
	v8 =	vmul.f32 v43, v26;
	v11 =	vmul.f32 v32, v25;
	[dreg:$0x7] =	wrdreg s0  }
0x1b0: {  	v5 =	vmul.f32 v5, v20;
	v16 =	vmul.f32 v43, v25;
	[smem:$0x7D9] =	sst s28  }
0x1b1: {  	v20 =	vmul.f32 v46, v1;
	v12 =	vmul.f32 v48, v25;
	[tilespmem:s25+$0x18080] =	vst v45  }
0x1b2: {  	s5 =	sor.u32 s1, s4;
	v27 =	vmul.f32 v28, v42;
	v22 =	vmul.f32 v43, v1;
	[tilespmem:s25+$0x18100] =	vst v5  }
0x1b3: {  	s29 =	sor.u32 s1, s8;
	s4 =	sor.u32 s11, s7;
	s3 =	sor.u32 s1, s7;
	v18 =	vmul.f32 v48, v1;
	v4 =	vmul.f32 v31, v39;
	[tilespmem:s25+$0x18180] =	vst v38  }
0x1b4: {  	s31 =	simm.s32 $0x0;
	v24 =	vmul.f32 v21, v1;
	v17 =	vmul.f32 v21, v25;
	s20 =	sor.u32 s24, s24;
	[dreg:$0x13] =	wrdreg s29  }
0x1b5: {  	s7 =	simm.s32 $0x40;
	v7 =	vmul.f32 v32, v30;
	v1 =	vmul.f32 v31, v42;
	s30 =	sor.u32 $0x380, s20;
	[smem:$0x7DA] =	sst s31  }
0x1b6: {  	v10 =	vmul.f32 v21, v26;
	s2 =	sor.u32 s1, s22;
	s23 =	sor.u32 s11, s8;
	s25 =	sor.u32 s11, s22;
	v5 =	vmul.f32 v31, v40;
	[tilespmem:s17+$0x14000] =	vst v47  }
.LBB2_5:
0x1b7: {  	[smem:$0x7CE] =	sst s5;
	[tilespmem:s10+$0x14000] =	vst v34  }
0x1b8: {  	[smem:$0x7D1] =	sst s3;
	[tilespmem:s10+$0x14080] =	vst v33  }
0x1b9: {  	[smem:$0x7D0] =	sst s2;
	p0 =	por !p0, !p0;
	s0 =	simm.s32 $0x1;
	[tilespmem:s10+$0x14100] =	vst v29  }
0x1ba: {  	s9 =	sand.u32 $0x40, s7;
	s6 =	sadd.s32 $0x200, s24;
	s0 =	simm.s32 @!p0 $0x0;
	[tilespmem:s10+$0x14180] =	vst v27  }
0x1bb: {  	s18 =	sand.u32 $0x1C00, s6;
	s17 =	sor.u32 $0x30, s9;
	[tilespmem:s26+$0x14000] =	vst v37;
	s0 =	sshll.u32 s0, $0x6  }
0x1bc: {  	s5 =	rddreg [dreg:$0x8];
	[tilespmem:s25+$0x0] =	vst v36;
	s25 =	sor.u32 s18, s17;
	s19 =	sadd.s32 s0, s6  }
0x1bd: {  	[tilespmem:s4+$0x0] =	vst v35;
	s4 =	sor.u32 s6, s7;
	s3 =	sadd.s32 $0x10, s19;
	s20 =	sadd.s32 $0x20, s19  }
0x1be: {  	[tilespmem:s14+$0x14000] =	vst v13;
	s26 =	sadd.s32 $0x30, s19;
	s14 =	sor.u32 $0x200, s19;
	s15 =	sor.u32 $0x2200, s3  }
0x1bf: {  	v19 =	vld [tilespmem:s25+$0x8000];
	s29 =	sor.u32 $0x2280, s19;
	[tilespmem:s23+$0x0] =	vst v14;
	s23 =	sor.u32 $0x4200, s3;
	[smem:$0x7CA] =	sst s15  }
0x1c0: {  	v23 =	vld [tilespmem:s25+$0x8080];
	s2 =	sor.u32 $0x4280, s19;
	s12 =	sor.u32 $0x380, s4;
	[smem:$0x7CB] =	sst s23  }
0x1c1: {  	[tilespmem:s5+$0x14000] =	vst v24;
	v21 =	vld [tilespmem:s25+$0x8100];
	s22 =	sor.u32 $0x200, s3;
	s15 =	rddreg [dreg:$0x7];
	s23 =	sor.u32 $0x4200, s20  }
0x1c2: {  	v25 =	vld [tilespmem:s25+$0x6000];
	s24 =	sor.u32 $0x2280, s3;
	[tilespmem:s15+$0x14000] =	vst v22;
	s15 =	sor.u32 $0x2200, s20;
	[smem:$0x7CD] =	sst s23  }
0x1c3: {  	v13 =	vld [tilespmem:s25+$0xA000];
	s4 =	sor.u32 $0x4280, s26;
	s23 =	sor.u32 $0x4200, s19;
	[smem:$0x7CC] =	sst s15  }
0x1c4: {  	s13 =	sor.u32 $0x4280, s3;
	v26 =	vld [tilespmem:s4+$0x6000];
	[smem:$0x7CF] =	sst s23;
	s23 =	sor.u32 $0x280, s3  }
0x1c5: {  	v24 =	vld [tilespmem:s25+$0xA080];
	s31 =	sor.u32 $0x200, s20;
	s15 =	sor.u32 $0x280, s20;
	[smem:$0x7D3] =	sst s23  }
0x1c6: {  	v14 =	vld [tilespmem:s25+$0x8180];
	s21 =	sor.u32 $0x2280, s20;
	s23 =	sor.u32 $0x300, s3;
	[dreg:$0x11] =	wrdreg s15  }
0x1c7: {  	s0 =	sor.u32 $0x4280, s20;
	v22 =	vld [tilespmem:s25+$0xA100];
	[tilespmem:s30+$0x14000] =	vst v20;
	s3 =	sor.u32 $0x380, s3;
	[smem:$0x7D4] =	sst s23  }
0x1c8: {  	v20 =	vld [tilespmem:s25+$0x6080];
	s30 =	sor.u32 $0x2280, s26;
	[tilespmem:s10+$0x16000] =	vst v18;
	s15 =	sor.u32 $0x300, s20;
	[smem:$0x7D5] =	sst s3  }
0x1c9: {  	v18 =	vld [tilespmem:s30+$0x6000];
	[tilespmem:s10+$0x16080] =	vst v3;
	s20 =	sor.u32 $0x380, s20;
	s3 =	sor.u32 $0x2200, s26;
	[dreg:$0xf] =	wrdreg s15;
	v27 =	vmul.f32 v26, v25  }
0x1ca: {  	s5 =	sor.u32 $0x2200, s19;
	[tilespmem:s10+$0x16100] =	vst v17;
	[dreg:$0xd] =	wrdreg s20;
	s15 =	sor.u32 $0x280, s19;
	v3 =	vld [tilespmem:s3+$0x6000]  }
0x1cb: {  	v17 =	vld [tilespmem:s25+$0xA180];
	[tilespmem:s10+$0x16180] =	vst v16;
	s19 =	sor.u32 $0x300, s19;
	s23 =	sor.u32 $0x4200, s26;
	s20 =	rddreg [dreg:$0x12];
	v28 =	vmul.f32 v27, v19  }
0x1cc: {  	[dreg:$0x7] =	wrdreg s19;
	s19 =	sor.u32 $0x200, s26;
	v29 =	vld [tilespmem:s23+$0x6000];
	[tilespmem:s20+$0x14000] =	vst v15;
	v16 =	vmul.f32 v27, v23  }
0x1cd: {  	v30 =	vld [tilespmem:s19+$0x6000];
	v15 =	vmul.f32 v27, v21;
	[tilespmem:s25+$0x14000] =	vst v28  }
0x1ce: {  	v20 =	vmul.f32 v18, v20;
	v28 =	vld [tilespmem:s25+$0x6100];
	[tilespmem:s25+$0x14080] =	vst v16;
	v16 =	vmul.f32 v27, v14  }
0x1cf: {  	[tilespmem:s25+$0x14100] =	vst v15;
	v15 =	vmul.f32 v27, v3  }
0x1d0: {  	s11 =	sor.u32 $0x10, s9;
	s20 =	smov.u32 s12;
	[tilespmem:s25+$0x14180] =	vst v16;
	v16 =	vmul.f32 v13, v20  }
0x1d1: {  	s28 =	sor.u32 s18, s11;
	[dreg:$0x1a] =	wrdreg s20;
	s20 =	sor.u32 $0x280, s26;
	v27 =	vld [tilespmem:s25+$0x6180];
	[tilespmem:s19+$0x14000] =	vst v15;
	v15 =	vmul.f32 v24, v20  }
0x1d2: {  	[smem:$0x7D6] =	sst s24;
	v32 =	vld [tilespmem:s24+$0x6000];
	s24 =	smov.u32 s6;
	s6 =	sor.u32 $0x300, s26;
	[tilespmem:s20+$0x14000] =	vst v16;
	v16 =	vmul.f32 v22, v20  }
0x1d3: {  	v39 =	vld [tilespmem:s28+$0x6000];
	[smem:$0x7D2] =	sst s22;
	s12 =	sor.u32 $0x380, s26;
	[tilespmem:s6+$0x14000] =	vst v15;
	v15 =	vmul.f32 v17, v20;
	v28 =	vmul.f32 v18, v28  }
0x1d4: {  	[dreg:$0x17] =	wrdreg s31;
	v31 =	vld [tilespmem:s22+$0x6000];
	[tilespmem:s12+$0x14000] =	vst v16;
	v16 =	vmul.f32 v29, v20  }
0x1d5: {  	[dreg:$0x15] =	wrdreg s21;
	v45 =	vld [tilespmem:s13+$0x6000];
	[tilespmem:s25+$0x16000] =	vst v15;
	v15 =	vmul.f32 v13, v28  }
0x1d6: {  	s22 =	smov.u32 s13;
	v46 =	vld [tilespmem:s31+$0x6000];
	s13 =	sld [smem:$0x7DA];
	v48 =	vmul.f32 v24, v28;
	[tilespmem:s25+$0x16080] =	vst v16  }
0x1d7: {  	s8 =	sor.u32 $0x20, s9;
	[smem:$0x7D7] =	sst s0;
	v35 =	vld [tilespmem:s21+$0x6000];
	[tilespmem:s25+$0x16100] =	vst v15;
	v15 =	vmul.f32 v22, v28  }
0x1d8: {  	s31 =	smov.u32 s14;
	s21 =	sor.u32 $0x16380, s18;
	[dreg:$0x8] =	wrdreg s15;
	v47 =	vld [tilespmem:s14+$0x6000];
	v27 =	vmul.f32 v18, v27;
	v49 =	vmul.f32 v17, v28;
	[tilespmem:s25+$0x16180] =	vst v48  }
0x1d9: {  	s15 =	smov.u32 s5;
	s14 =	sor.u32 $0x16300, s18;
	v20 =	vld [tilespmem:s0+$0x6000];
	s0 =	sadd.s32 $0x4, s13;
	v28 =	vmul.f32 v29, v28;
	[tilespmem:s3+$0x14000] =	vst v15  }
0x1da: {  	v40 =	vld [tilespmem:s28+$0x6080];
	[smem:$0x7DA] =	sst s0;
	p1 =	slt.u32 s0, $0x3C;
	s0 =	sor.u32 s17, s14;
	v13 =	vmul.f32 v13, v27;
	[tilespmem:s30+$0x14000] =	vst v49  }
0x1db: {  	[dreg:$0x12] =	wrdreg s15;
	s15 =	smov.u32 s2;
	v16 =	vmul.f32 v45, v31;
	v31 =	vld [tilespmem:s2+$0x6000];
	s2 =	sor.u32 s17, s21;
	v24 =	vmul.f32 v24, v27;
	[tilespmem:s0+$0x0] =	vst v28  }
0x1dc: {  	s1 =	sor.u32 s18, s8;
	s16 =	sor.u32 s9, s18;
	v56 =	vld [tilespmem:s28+$0x8080];
	s5 =	sld [smem:$0x7CE];
	v18 =	vmul.f32 v18, v25;
	[tilespmem:s2+$0x0] =	vst v13;
	v13 =	vmul.f32 v22, v27  }
0x1dd: {  	v42 =	vld [tilespmem:s1+$0x8100];
	s26 =	sor.u32 s11, s14;
	s19 =	sor.u32 s9, s21;
	s6 =	sor.u32 s8, s14;
	v17 =	vmul.f32 v17, v27;
	v22 =	vmul.f32 v26, v30;
	[tilespmem:s25+$0x18000] =	vst v24  }
0x1de: {  	v38 =	vld [tilespmem:s29+$0x6000];
	[dreg:$0x1e] =	wrdreg s6;
	s12 =	sor.u32 s8, s21;
	s13 =	sor.u32 $0x18300, s18;
	[tilespmem:s25+$0x18080] =	vst v13;
	v13 =	vmul.f32 v29, v18  }
0x1df: {  	[dreg:$0x1c] =	wrdreg s12;
	s12 =	sor.u32 s9, s13;
	s3 =	sor.u32 s9, s14;
	v28 =	vld [tilespmem:s28+$0x6180];
	[tilespmem:s25+$0x18100] =	vst v17;
	v17 =	vmul.f32 v22, v19  }
0x1e0: {  	v25 =	vld [tilespmem:s1+$0x6000];
	s14 =	sld [smem:$0x7CA];
	s30 =	sor.u32 s11, s21;
	s21 =	sor.u32 $0x18380, s18;
	[tilespmem:s25+$0x18180] =	vst v13;
	v13 =	vmul.f32 v22, v23  }
0x1e1: {  	s20 =	sor.u32 s9, s21;
	s0 =	sor.u32 $0x1A000, s18;
	s2 =	sor.u32 s17, s21;
	v30 =	vld [tilespmem:s16+$0x6180];
	[tilespmem:s23+$0x14000] =	vst v17;
	v17 =	vmul.f32 v22, v21  }
0x1e2: {  	s6 =	sor.u32 s17, s0;
	v24 =	vmul.f32 v32, v40;
	v40 =	vld [tilespmem:s1+$0x8080];
	s25 =	sor.u32 s17, s13;
	s17 =	sor.u32 s11, s21;
	[tilespmem:s4+$0x14000] =	vst v13;
	v13 =	vmul.f32 v22, v14  }
0x1e3: {  	v23 =	vld [tilespmem:s16+$0x6000];
	s4 =	sor.u32 s8, s21;
	s21 =	smov.u32 s29;
	s29 =	sld [smem:$0x7D9];
	[tilespmem:s25+$0x0] =	vst v17  }
0x1e4: {  	v3 =	vmul.f32 v22, v3;
	v27 =	vmul.f32 v32, v28;
	v28 =	vld [tilespmem:s16+$0x6080];
	s23 =	sor.u32 s8, s0;
	s25 =	sor.u32 s8, s13;
	s8 =	rddreg [dreg:$0x3];
	[tilespmem:s2+$0x0] =	vst v13  }
0x1e5: {  	v51 =	vmul.f32 v45, v39;
	s18 =	sor.u32 s9, s0;
	s9 =	sor.u32 s11, s13;
	v14 =	vld [tilespmem:s16+$0x6100];
	s13 =	sld [smem:$0x7CB];
	[tilespmem:s8+$0x14000] =	vst v12  }
0x1e6: {  	v18 =	vld [tilespmem:s1+$0x6100];
	[dreg:$0x3] =	wrdreg s21;
	[tilespmem:s6+$0x0] =	vst v3  }
0x1e7: {  	v58 =	vmul.f32 v51, v56;
	v19 =	vld [tilespmem:s1+$0x6180];
	s21 =	sld [smem:$0x7CC];
	[tilespmem:s29+$0x0] =	vst v11  }
0x1e8: {  	v52 =	vmul.f32 v20, v25;
	v13 =	vld [tilespmem:s14+$0x6000];
	v2 =	vmul.f32 v38, v23;
	[tilespmem:s5+$0x0] =	vst v10  }
0x1e9: {  	s8 =	sld [smem:$0x7CD];
	v3 =	vld [tilespmem:s13+$0x6000];
	[tilespmem:s28+$0x14080] =	vst v58  }
0x1ea: {  	v15 =	vmul.f32 v20, v46;
	v46 =	vmul.f32 v52, v40;
	s6 =	rddreg [dreg:$0x12];
	v54 =	vld [tilespmem:s21+$0x6000];
	[tilespmem:$0x1FFE0] =	vst v2  }
0x1eb: {  	v53 =	vmul.f32 v35, v25;
	v48 =	vmul.f32 v52, v42;
	v25 =	vld [tilespmem:s6+$0x6000];
	[tilespmem:s10+$0x18000] =	vst v8;
	s6 =	sld [smem:$0x7CF]  }
0x1ec: {  	v11 =	vmul.f32 v38, v14;
	v14 =	vld [tilespmem:s8+$0x6000];
	[tilespmem:s1+$0x14080] =	vst v46  }
0x1ed: {  	v50 =	vld [tilespmem:s28+$0x6100];
	v22 =	vmul.f32 v35, v18;
	v18 =	vmul.f32 v35, v19;
	[tilespmem:s1+$0x14100] =	vst v48  }
0x1ee: {  	v19 =	vmul.f32 v31, v47;
	s2 =	smov.u32 s3;
	s3 =	rddreg [dreg:$0xb];
	v17 =	vmul.f32 v31, v23;
	v31 =	vld [tilespmem:s6+$0x6000];
	[tilespmem:s10+$0x18080] =	vst v9  }
0x1ef: {  	s5 =	smov.u32 s19;
	s19 =	rddreg [dreg:$0xa];
	v9 =	vld [tilespmem:s28+$0x8000];
	[tilespmem:s10+$0x18100] =	vst v6  }
0x1f0: {  	[tilespmem:s10+$0x18180] =	vst v7;
	v7 =	vld [tilespmem:s28+$0x8100];
	s29 =	smov.u32 s6;
	s6 =	smov.u32 s15;
	s15 =	sld [smem:$0x7D0]  }
0x1f1: {  	s10 =	smov.u32 s16;
	s16 =	sld [smem:$0x7D1];
	[tilespmem:s19+$0x14000] =	vst v4;
	v4 =	vld [tilespmem:s28+$0x8180]  }
0x1f2: {  	v2 =	vld [tilespmem:s28+$0xA080];
	[tilespmem:s3+$0x14000] =	vst v5  }
0x1f3: {  	[dreg:$0xa] =	wrdreg s29;
	v5 =	vld [tilespmem:s28+$0xA000];
	[tilespmem:s15+$0x0] =	vst v44  }
0x1f4: {  	s19 =	rddreg [dreg:$0x13];
	v44 =	vld [tilespmem:s1+$0x8180];
	[tilespmem:s16+$0x0] =	vst v1;
	v57 =	vmul.f32 v51, v9  }
0x1f5: {  	v29 =	vmul.f32 v32, v50;
	[dreg:$0xb] =	wrdreg s6;
	[tilespmem:s19+$0x0] =	vst v0;
	v59 =	vmul.f32 v51, v7  }
0x1f6: {  	v32 =	vmul.f32 v32, v39;
	s29 =	sld [smem:$0x7D2];
	v1 =	vld [tilespmem:s28+$0xA100];
	v60 =	vmul.f32 v51, v4;
	[tilespmem:s28+$0x14000] =	vst v57  }
0x1f7: {  	v39 =	vmul.f32 v16, v56;
	v10 =	vmul.f32 v51, v13;
	s6 =	sld [smem:$0x7D3];
	v0 =	vld [tilespmem:s28+$0xA180];
	[tilespmem:s28+$0x14100] =	vst v59  }
0x1f8: {  	[smem:$0x7D9] =	sst s2;
	v8 =	vmul.f32 v16, v13;
	v61 =	vmul.f32 v5, v24;
	[tilespmem:s28+$0x14180] =	vst v60  }
0x1f9: {  	s2 =	smov.u32 s12;
	s12 =	sld [smem:$0x7D4];
	v63 =	vmul.f32 v2, v24;
	v49 =	vmul.f32 v52, v44;
	[tilespmem:s29+$0x14000] =	vst v10  }
0x1fa: {  	v26 =	vld [tilespmem:s1+$0x6080];
	s15 =	sld [smem:$0x7D5];
	v9 =	vmul.f32 v16, v9;
	v7 =	vmul.f32 v16, v7;
	[tilespmem:s6+$0x14000] =	vst v61  }
0x1fb: {  	v4 =	vmul.f32 v16, v4;
	v16 =	vld [tilespmem:s1+$0x8000];
	v10 =	vmul.f32 v1, v24;
	[tilespmem:s1+$0x14180] =	vst v49  }
0x1fc: {  	v55 =	vmul.f32 v3, v24;
	v24 =	vmul.f32 v0, v24;
	[tilespmem:s12+$0x14000] =	vst v63  }
0x1fd: {  	[tilespmem:s15+$0x14000] =	vst v10  }
0x1fe: {  	v62 =	vmul.f32 v5, v29;
	[tilespmem:s28+$0x16000] =	vst v24  }
0x1ff: {  	v34 =	vld [tilespmem:s1+$0xA000];
	v20 =	vmul.f32 v35, v26;
	v41 =	vmul.f32 v2, v29;
	[tilespmem:s28+$0x16080] =	vst v55  }
0x200: {  	v30 =	vmul.f32 v38, v30;
	v45 =	vmul.f32 v52, v16;
	[tilespmem:s28+$0x16100] =	vst v62  }
0x201: {  	v35 =	vld [tilespmem:s1+$0xA080];
	v12 =	vmul.f32 v38, v28;
	v43 =	vmul.f32 v1, v29;
	[tilespmem:s28+$0x16180] =	vst v41  }
0x202: {  	v6 =	vmul.f32 v3, v32;
	v32 =	vmul.f32 v52, v54;
	s16 =	sld [smem:$0x7D6];
	[tilespmem:s1+$0x14000] =	vst v45  }
0x203: {  	v38 =	vmul.f32 v3, v29;
	s3 =	smov.u32 s20;
	s20 =	smov.u32 s18;
	s18 =	rddreg [dreg:$0x17];
	v29 =	vmul.f32 v0, v29;
	v10 =	vld [tilespmem:s1+$0xA100];
	[tilespmem:s14+$0x14000] =	vst v43  }
0x204: {  	v51 =	vmul.f32 v34, v20;
	v24 =	vld [tilespmem:s1+$0xA180];
	[tilespmem:s18+$0x14000] =	vst v32  }
0x205: {  	s19 =	rddreg [dreg:$0x11];
	[tilespmem:s16+$0x14000] =	vst v29  }
0x206: {  	[dreg:$0x13] =	wrdreg s20;
	v41 =	vmul.f32 v35, v20;
	[tilespmem:s19+$0x14000] =	vst v51  }
0x207: {  	s20 =	rddreg [dreg:$0xf];
	v5 =	vmul.f32 v5, v27;
	[tilespmem:s26+$0x0] =	vst v38  }
0x208: {  	v2 =	vmul.f32 v2, v27;
	[tilespmem:s20+$0x14000] =	vst v41  }
0x209: {  	v1 =	vmul.f32 v1, v27;
	[tilespmem:s30+$0x0] =	vst v5  }
0x20a: {  	v0 =	vmul.f32 v0, v27;
	[tilespmem:s28+$0x18000] =	vst v2  }
0x20b: {  	v36 =	vmul.f32 v15, v42;
	[tilespmem:s28+$0x18080] =	vst v1  }
0x20c: {  	v37 =	vmul.f32 v15, v40;
	v28 =	vmul.f32 v14, v20;
	[tilespmem:s28+$0x18100] =	vst v0  }
0x20d: {  	v26 =	vmul.f32 v14, v22;
	v23 =	vmul.f32 v14, v53;
	v50 =	vld [tilespmem:s10+$0x8080];
	[tilespmem:s28+$0x18180] =	vst v6  }
0x20e: {  	v14 =	vmul.f32 v15, v54;
	v13 =	vmul.f32 v17, v25;
	v53 =	vld [tilespmem:s10+$0x8100];
	[tilespmem:s13+$0x14000] =	vst v9  }
0x20f: {  	v54 =	vmul.f32 v35, v22;
	v47 =	vld [tilespmem:s10+$0x8000];
	v43 =	vmul.f32 v10, v20;
	[tilespmem:s22+$0x14000] =	vst v39  }
0x210: {  	v21 =	vmul.f32 v31, v12;
	v61 =	vmul.f32 v35, v18;
	s22 =	rddreg [dreg:$0xd];
	[tilespmem:s9+$0x0] =	vst v7  }
0x211: {  	v57 =	vld [tilespmem:s10+$0xA000];
	v52 =	vmul.f32 v34, v22;
	v58 =	vmul.f32 v24, v20;
	[tilespmem:s22+$0x14000] =	vst v43  }
0x212: {  	v60 =	vld [tilespmem:s10+$0xA080];
	v33 =	vmul.f32 v17, v50;
	v35 =	vmul.f32 v15, v44;
	[tilespmem:s17+$0x0] =	vst v4  }
0x213: {  	v55 =	vld [tilespmem:s10+$0x8180];
	v44 =	vmul.f32 v19, v53;
	v29 =	vmul.f32 v17, v53;
	[tilespmem:s1+$0x16000] =	vst v58  }
0x214: {  	v62 =	vld [tilespmem:s10+$0xA100];
	v38 =	vmul.f32 v34, v18;
	v34 =	vmul.f32 v17, v47;
	[tilespmem:s1+$0x16080] =	vst v28  }
0x215: {  	v56 =	vmul.f32 v10, v22;
	v63 =	vmul.f32 v10, v18;
	[tilespmem:s1+$0x16100] =	vst v52  }
0x216: {  	s11 =	sor.u32 s11, s0;
	v10 =	vmul.f32 v57, v30;
	v59 =	vmul.f32 v24, v22;
	[tilespmem:s1+$0x16180] =	vst v54  }
0x217: {  	v5 =	vld [tilespmem:s10+$0xA180];
	v3 =	vmul.f32 v24, v18;
	v2 =	vmul.f32 v15, v16;
	[tilespmem:s11+$0x0] =	vst v8  }
0x218: {  	v27 =	vmul.f32 v17, v55;
	v24 =	vmul.f32 v57, v12;
	s28 =	rddreg [dreg:$0x15];
	[tilespmem:s21+$0x14000] =	vst v56  }
0x219: {  	s29 =	rddreg [dreg:$0x1e];
	v22 =	vmul.f32 v60, v12;
	v20 =	vmul.f32 v62, v12;
	[tilespmem:s28+$0x14000] =	vst v59  }
0x21a: {  	s14 =	smov.u32 s31;
	s31 =	rddreg [dreg:$0x1c];
	v17 =	vmul.f32 v57, v11;
	v16 =	vmul.f32 v60, v11;
	[tilespmem:s29+$0x0] =	vst v26  }
0x21b: {  	v15 =	vmul.f32 v62, v11;
	v0 =	vld [tilespmem:$0x1FFE0];
	v1 =	vmul.f32 v19, v55;
	[tilespmem:s31+$0x0] =	vst v38  }
.Ltmp1:
0x21c: {  	v9 =	vmul.f32 v62, v30;
	v18 =	vmul.f32 v5, v12;
	[tilespmem:s1+$0x18000] =	vst v61;
	(pc) =	sbr.rel @p1 .LBB2_5-.Ltmp1, $4  }
0x21d: {  	v12 =	vmul.f32 v5, v11;
	v11 =	vmul.f32 v31, v11;
	[tilespmem:s1+$0x18080] =	vst v63  }
0x21e: {  	v6 =	vmul.f32 v5, v30;
	v4 =	vmul.f32 v19, v47;
	[tilespmem:s1+$0x18100] =	vst v3  }
0x21f: {  	s26 =	sld [smem:$0x7D7];
	v5 =	vmul.f32 v19, v50;
	v8 =	vmul.f32 v60, v30;
	[tilespmem:s1+$0x18180] =	vst v23  }
0x220: {  	s7 =	sadd.s32 $0x40, s7;
	s30 =	rddreg [dreg:$0x1a];
	v7 =	vmul.f32 v31, v0;
	v0 =	vmul.f32 v19, v25;
	v3 =	vmov v21;
	[tilespmem:s8+$0x14000] =	vst v2  }
0x221: {  	[tilespmem:s10+$0x14000] =	vst v34  }
0x222: {  	[tilespmem:s10+$0x14080] =	vst v33  }
0x223: {  	[tilespmem:s10+$0x14100] =	vst v29  }
0x224: {  	[tilespmem:s10+$0x14180] =	vst v27  }
0x225: {  	[tilespmem:s26+$0x14000] =	vst v37  }
0x226: {  	[tilespmem:s14+$0x14000] =	vst v13  }
0x227: {  	[tilespmem:s25+$0x0] =	vst v36  }
0x228: {  	[tilespmem:s4+$0x0] =	vst v35  }
0x229: {  	[tilespmem:s23+$0x0] =	vst v14  }
0x22a: {  	s0 =	rddreg [dreg:$0x8]  }
0x22b: {  	[tilespmem:s0+$0x14000] =	vst v24  }
0x22c: {  	s0 =	rddreg [dreg:$0x7]  }
0x22d: {  	[tilespmem:s0+$0x14000] =	vst v22  }
0x22e: {  	[tilespmem:s30+$0x14000] =	vst v20  }
0x22f: {  	[tilespmem:s10+$0x16000] =	vst v18  }
0x230: {  	[tilespmem:s10+$0x16080] =	vst v3  }
0x231: {  	[tilespmem:s10+$0x16100] =	vst v17  }
0x232: {  	[tilespmem:s10+$0x16180] =	vst v16  }
0x233: {  	s0 =	rddreg [dreg:$0x12]  }
0x234: {  	[tilespmem:s0+$0x14000] =	vst v15  }
0x235: {  	s0 =	rddreg [dreg:$0x3]  }
0x236: {  	[tilespmem:s0+$0x14000] =	vst v12  }
0x237: {  	s0 =	sld [smem:$0x7D9];
	_ =	sdelay $0x2  }
0x238: {  	[tilespmem:s0+$0x0] =	vst v11  }
0x239: {  	[tilespmem:s5+$0x0] =	vst v10  }
0x23a: {  	[tilespmem:s10+$0x18000] =	vst v8  }
0x23b: {  	[tilespmem:s10+$0x18080] =	vst v9  }
0x23c: {  	[tilespmem:s10+$0x18100] =	vst v6  }
0x23d: {  	[tilespmem:s10+$0x18180] =	vst v7  }
0x23e: {  	s0 =	rddreg [dreg:$0xa]  }
0x23f: {  	[tilespmem:s0+$0x14000] =	vst v4  }
0x240: {  	s0 =	rddreg [dreg:$0xb]  }
0x241: {  	[tilespmem:s0+$0x14000] =	vst v5  }
0x242: {  	[tilespmem:s2+$0x0] =	vst v44  }
0x243: {  	[tilespmem:s3+$0x0] =	vst v1  }
0x244: {  	s0 =	rddreg [dreg:$0x13]  }
0x245: {  	[tilespmem:s0+$0x0] =	vst v0  }
0x246: {  	s7 =	sld [smem:$0x7D8];
	_ =	sdelay $0x2  }
0x247: {  	p0 =	sne.s32 s7, $0x10  }
.Ltmp2:
0x248: {  	s1 =	sld [smem:$0x7EB];
	(pc) =	sbr.rel @p0 .LBB2_2-.Ltmp2, $4  }
0x249: {  	_ = 	snop  }
0x24a: {  	s31 =	simm.s32 $0x14000;
	s30 =	rddreg [dreg:$0x1]  }
0x24b: {  	s4 =	simm.s32 $0x2000;
	s3 =	simm.s32 $0x800000;
	s0 =	sadd.s32 s30, s1  }
0x24c: {  	[hbm4b:s0+s4] =	stream.strided.scatter [tilespmem:s31], [sflag:$0x4], $0x8000, s3, s4, $0x38;
	[tilespmem:$0x1C000] =	vst v63  }
0x24d: {  	s0 =	simm.s32 $0x3  }
0x24e: {  	_ =	swait.ge [sflag:s0], $0x8000  }
0x24f: {  	[sflag:s0] =	ssyncset.done $0x0  }
0x250: {  	s1 =	simm.s32 $0x4;
	[sflag:s0] =	ssyncadd.s32 $0xFFFF8000  }
0x251: {  	_ =	swait.ge [sflag:s1], $0x8000  }
0x252: {  	s2 =	sld [smem:$0x7EF]  }
0x253: {  	s31 =	sld [smem:$0x7F4];
	_ =	sdelay $0x1  }
0x254: {  	s2 =	sadd.s32 $0x1, s2  }
0x255: {  	p0 =	sne.s32 s2, s31  }
.Ltmp3:
0x256: {  	_ = 	snop;
	(pc) =	sbr.rel @p0 .LBB2_1-.Ltmp3, $3  }
0x257: {  	_ =	sdelay $0x1  }
0x258: {  	[sflag:s1] =	ssyncset.done $0x0  }
0x259: {  	[sflag:s1] =	ssyncadd.s32 $0xFFFF8000  }
0x25a: {  	_ =	sfence.sel $0x180000  }
0x25b: {  	[bflag:$0x0] =	sbarrier.arrive $0xFFFF  }
0x25c: {  	_ =	strace $0x90000047  }
0x25d: {  	s0 =	stileid.u32;
	[bflag:$0x2] =	sbarrier.arrive $0xFFFF  }
0x25e: {  	p0 =	sne.s32 s0, $0x0;
	s0 =	rddreg [dreg:$0x2]  }
0x25f: {  	s0 =	sadd.s32 @!p0 $0x100000, s0  }
0x260: {  	[sflag:s0] =	ssyncadd.tile.s32 @!p0 $0x1;
	_ =	shalt  }
.Lfunc_end2:
_tile_overlayer_lowered:
.L_overlay_start_2:
0x261: {  	(tag) =	ssettag $0x2  }
0x262: {  	s0 =	rddreg [dreg:$0x0];
	s2 =	stileid.u32  }
0x263: {  	s1 =	rddreg [dreg:$0x1];
	p0 =	sne.s32 s2, $0x0  }
0x264: {  	s3 =	rddreg [dreg:$0x2];
	[bflag:$0x3] =	sbarrier.arrive $0xFFFF;
	s2 =	simm.s32 @!p0 $0x1C05  }
0x265: {  	[timem:s3], [sflag:s2] =	dma.local @!p0 [hbm:s0], s1  }
0x266: {  	s0 =	simm.s32 @!p0 $0x5  }
0x267: {  	_ =	swait.ge @!p0 [sflag:s0], s1  }
0x268: {  	s1 =	ssub.s32 @!p0 $0x0, s1;
	[sflag:s0] =	ssyncset.done @!p0 $0x0  }
0x269: {  	[sflag:s0] =	ssyncadd.s32 @!p0 s1  }
0x26a: {  	[bflag:$0x3] =	sbarrier.arrive $0xFFFF  }
0x26b: {  	_ =	shalt  }

</sc_bundles>
